<compile_context>
chip_gen: v7x
topology: tpu7x:2x2x1
jax: 0.10.2.dev20260603
libtpu: 0.0.44.dev20260713+nightly
codegen_flags: <defaults>
</compile_context>

<pallas_src>
import functools

import jax
import jax.numpy as jnp
from jax import lax
from jax.experimental import pallas as pl
from jax.experimental.pallas import tpu as pltpu
from jax.experimental.pallas import tpu_sc as plsc

N = 10000
E = 160000
D = 256
H = 128
NC = 2
NS = 16
CHK = 125
DEG_CH = E // (NC * NS) // CHK
CHN = 128
NB = 2
PH = 4
PC = 20
EPAD = NS * PH * PC * CHN
ACC_N = N + 8
RB = 1000
NRB = N // RB

_mesh = plsc.VectorSubcoreMesh(core_axis_name="c", subcore_axis_name="s")


@functools.partial(
    pl.kernel,
    out_type=jax.ShapeDtypeStruct((NC * N,), jnp.float32),
    mesh=_mesh,
    scratch_types=[
        pltpu.VMEM((8, CHK), jnp.int32),
        pltpu.VMEM((128,), jnp.float32),
        pltpu.VMEM((1024,), jnp.float32),
        pltpu.VMEM_SHARED((N,), jnp.float32),
    ],
)
def _deg(dst_hbm, out_hbm, idx_v, ones_v, stage_v, acc_sh):
    c = lax.axis_index("c")
    s = lax.axis_index("s")
    w = c * NS + s

    for k in range(64):
        stage_v[pl.ds(k * 16, 16)] = jnp.zeros((16,), jnp.float32)
    for k in range(8):
        ones_v[pl.ds(k * 16, 16)] = jnp.ones((16,), jnp.float32)

    @pl.when(s < 10)
    def _zero():
        pltpu.sync_copy(stage_v.at[pl.ds(0, 1000)],
                        acc_sh.at[pl.ds(s * 1000, 1000)])

    plsc.subcore_barrier()

    def outer(t, carry):
        off = pl.multiple_of(t * 8, 8)
        pltpu.sync_copy(dst_hbm.at[w, pl.ds(off, 8)], idx_v)

        def body(j, carry2):
            pltpu.sync_copy(ones_v.at[pl.ds(0, CHK)], acc_sh.at[idx_v.at[j]],
                            add=True)
            return carry2

        return lax.fori_loop(0, 8, body, carry)

    lax.fori_loop(0, DEG_CH // 8, outer, 0)
    plsc.subcore_barrier()

    @pl.when(s < 10)
    def _out():
        pltpu.sync_copy(acc_sh.at[pl.ds(s * 1000, 1000)],
                        stage_v.at[pl.ds(0, 1000)])
        pltpu.sync_copy(stage_v.at[pl.ds(0, 1000)],
                        out_hbm.at[pl.ds(c * N + s * 1000, 1000)])


@functools.partial(
    pl.kernel,
    out_type=jax.ShapeDtypeStruct((NC * N, H), jnp.float32),
    mesh=_mesh,
    scratch_types=[
        pltpu.VMEM((PC, CHN), jnp.int32),
        pltpu.VMEM((PC, CHN), jnp.int32),
        pltpu.VMEM((CHN, H), jnp.float32),
        pltpu.VMEM((CHN, H), jnp.float32),
        pltpu.VMEM((CHN, H), jnp.float32),
        pltpu.VMEM((CHN, H), jnp.float32),
        pltpu.VMEM_SHARED((ACC_N, H), jnp.float32),
        pltpu.SemaphoreType.DMA,
        pltpu.SemaphoreType.DMA,
        pltpu.SemaphoreType.DMA,
        pltpu.SemaphoreType.DMA,
        pltpu.SemaphoreType.DMA,
        pltpu.SemaphoreType.DMA,
        pltpu.SemaphoreType.DMA,
        pltpu.SemaphoreType.DMA,
    ],
)
def _scatter(y_hbm, srcoff_hbm, dst_hbm, zrows_hbm, g_hbm,
             idx_s, idx_d, rows0, rows1, rows2, rows3, acc_sh,
             gs0, gs1, gs2, gs3, ss0, ss1, ss2, ss3):
    c = lax.axis_index("c")
    s = lax.axis_index("s")
    bufs = (rows0, rows1, rows2, rows3)
    gsems = (gs0, gs1, gs2, gs3)
    ssems = (ss0, ss1, ss2, ss3)

    stage_v = rows0.at[pl.ds(0, 40)]
    pltpu.sync_copy(zrows_hbm, stage_v)

    @pl.when(s < 10)
    def _zero():
        def zbody(k, carry):
            pltpu.sync_copy(stage_v, acc_sh.at[pl.ds(s * 1000 + k * 40, 40)])
            return carry

        lax.fori_loop(0, 25, zbody, 0)

    plsc.subcore_barrier()

    def fire_g(j, b):
        pltpu.async_copy(y_hbm.at[idx_s.at[j]], bufs[b], gsems[b])

    def drain_g(b):
        pltpu.make_async_copy(y_hbm.at[pl.ds(0, CHN)], bufs[b],
                              gsems[b]).wait()

    def fire_s(j, b):
        pltpu.async_copy(bufs[b], acc_sh.at[idx_d.at[j]], ssems[b], add=True)

    def drain_s(b):
        pltpu.make_async_copy(bufs[b], acc_sh.at[pl.ds(0, CHN)],
                              ssems[b]).wait()

    def phase(t, carry):
        pltpu.sync_copy(srcoff_hbm.at[c, s, t], idx_s)
        pltpu.sync_copy(dst_hbm.at[s, t], idx_d)
        for b in range(NB - 1):
            fire_g(b, b)

        def body(q, carry2):
            j0 = q * NB
            for b in range(NB):
                j = j0 + b
                drain_g(b)
                fire_s(j, b)
                nb = (b + NB - 1) % NB
                nj = j + NB - 1

                @pl.when(jnp.logical_and(j >= 1, nj < PC))
                def _pfd():
                    drain_s(nb)

                @pl.when(nj < PC)
                def _pfg():
                    fire_g(nj, nb)

            return carry2

        lax.fori_loop(0, PC // NB, body, carry)
        for b in range(NB):
            drain_s((PC - NB + b) % NB)
        return carry

    lax.fori_loop(0, PH, phase, 0)
    plsc.subcore_barrier()

    @pl.when(s < 10)
    def _out():
        def obody(k, carry):
            off = pl.multiple_of(s * 1000 + k * 40, 8)
            pltpu.sync_copy(acc_sh.at[pl.ds(off, 40)], stage_v)
            pltpu.sync_copy(stage_v, g_hbm.at[pl.ds(c * N + off, 40)])
            return carry

        lax.fori_loop(0, 25, obody, 0)


def _encode_body(x_ref, w_ref, d0_ref, d1_ref, y_ref):
    deg = d0_ref[...] + d1_ref[...] + 1.0
    dinv = lax.rsqrt(deg)
    y_ref[...] = jnp.dot(x_ref[...], w_ref[...],
                         preferred_element_type=jnp.float32,
                         precision=lax.Precision.HIGHEST) * dinv


def _encode(x, w_enc, d0, d1):
    return pl.pallas_call(
        _encode_body,
        grid=(2 * NRB,),
        in_specs=[
            pl.BlockSpec((RB, D), lambda p: (p // 2, 0)),
            pl.BlockSpec((D, H), lambda p: (0, p % 2)),
            pl.BlockSpec((RB, 1), lambda p: (p // 2, 0)),
            pl.BlockSpec((RB, 1), lambda p: (p // 2, 0)),
        ],
        out_specs=pl.BlockSpec((RB, H), lambda p: (p // 2 + (p % 2) * NRB, 0)),
        out_shape=jax.ShapeDtypeStruct((NC * N, H), jnp.float32),
    )(x, w_enc, d0, d1)


def _head_body(g0_ref, g1_ref, y0_ref, y1_ref, d0_ref, d1_ref, be_ref,
               w1_ref, b1_ref, w2_ref, b2_ref, w3_ref, b3_ref,
               out_ref, acc_ref):
    i = pl.program_id(0)

    @pl.when(i == 0)
    def _init():
        acc_ref[...] = jnp.zeros_like(acc_ref)

    deg = d0_ref[...] + d1_ref[...] + 1.0
    dinv = lax.rsqrt(deg)
    h0 = jnp.maximum(dinv * (g0_ref[...] + y0_ref[...]) + be_ref[:, 0:H], 0.0)
    h1 = jnp.maximum(dinv * (g1_ref[...] + y1_ref[...]) + be_ref[:, H:D], 0.0)
    acc_ref[0:1, 0:H] += jnp.sum(h0, axis=0, keepdims=True)
    acc_ref[0:1, H:D] += jnp.sum(h1, axis=0, keepdims=True)

    @pl.when(i == pl.num_programs(0) - 1)
    def _mlp():
        emb = acc_ref[...]
        v = jnp.dot(emb, w1_ref[...], preferred_element_type=jnp.float32,
                    precision=lax.Precision.HIGHEST)
        v = jnp.maximum(v + b1_ref[...], 0.0)
        v = jnp.dot(v, w2_ref[...], preferred_element_type=jnp.float32,
                    precision=lax.Precision.HIGHEST)
        v = jnp.maximum(v + b2_ref[...], 0.0)
        v = jnp.dot(v, w3_ref[...], preferred_element_type=jnp.float32,
                    precision=lax.Precision.HIGHEST)
        out_ref[...] = v + b3_ref[...]


def _head(gf, yf, d0, d1, be, w1, b1, w2, b2, w3, b3):
    rowspec = pl.BlockSpec((RB, H), lambda i: (i, 0))
    rowspec1 = pl.BlockSpec((RB, H), lambda i: (i + NRB, 0))
    dspec = pl.BlockSpec((RB, 1), lambda i: (i, 0))

    def full(shape):
        return pl.BlockSpec(shape, lambda i: tuple(0 for _ in shape))

    return pl.pallas_call(
        _head_body,
        grid=(NRB,),
        in_specs=[rowspec, rowspec1, rowspec, rowspec1, dspec, dspec,
                  full((1, D)), full((D, 32)), full((1, 32)),
                  full((32, 32)), full((1, 32)), full((32, 1)), full((1, 1))],
        out_specs=full((1, 1)),
        out_shape=jax.ShapeDtypeStruct((1, 1), jnp.float32),
        scratch_shapes=[pltpu.VMEM((1, D), jnp.float32)],
    )(gf, gf, yf, yf, d0, d1, be, w1, b1, w2, b2, w3, b3)


def kernel(x, edge_index, W_enc, b_enc, W1, b1, W2, b2, W3, b3):
    src = edge_index[0].astype(jnp.int32)
    dst = edge_index[1].astype(jnp.int32)

    dst_a = dst.reshape(NC * NS, DEG_CH, CHK)
    npad = EPAD - E
    src_p = jnp.concatenate([src, jnp.zeros((npad,), jnp.int32)])
    dst_p = jnp.concatenate([dst, jnp.full((npad,), N, jnp.int32)])
    src_b = src_p.reshape(NS, PH, PC, CHN)
    dst_b = dst_p.reshape(NS, PH, PC, CHN)
    src_off = jnp.stack([src_b, src_b + N])

    zrows = jnp.zeros((40, H), jnp.float32)

    degf = _deg(dst_a)
    d0 = degf[0:N].reshape(N, 1)
    d1 = degf[N:].reshape(N, 1)

    yf = _encode(x, W_enc, d0, d1)
    gf = _scatter(yf, src_off, dst_b, zrows)

    v = _head(gf, yf, d0, d1, b_enc.reshape(1, D),
              W1, b1.reshape(1, 32), W2, b2.reshape(1, 32),
              W3, b3.reshape(1, 1))
    return v.reshape(1)

# --- scband reference (transcript-rebuilt; emitter-appended) ---
"""Pipeline reference for scband-critic-network-88261577932856 (READ-ONLY COPY).

The authoritative reference and input builder live on the scoring server;
editing this copy changes nothing except your own understanding.
"""

import jax, jax.numpy as jnp
import numpy as np

N_NODES = 10000
N_EDGES = 160000
D_FEAT = 256

def setup_inputs(seed: int = 0) -> dict:
    key = jax.random.key(seed)
    ks = jax.random.split(key, 12)
    x = jax.random.normal(ks[0], (N_NODES, D_FEAT), dtype=jnp.float32)
    edge_index = jax.random.randint(ks[1], (2, N_EDGES), 0, N_NODES, dtype=jnp.int64)
    s = 1.0 / np.sqrt(D_FEAT)
    W_enc = jax.random.uniform(ks[2], (D_FEAT, D_FEAT), jnp.float32, -s, s)
    b_enc = jax.random.uniform(ks[3], (D_FEAT,), jnp.float32, -s, s)
    W1 = jax.random.uniform(ks[4], (D_FEAT, 32), jnp.float32, -s, s)
    b1 = jax.random.uniform(ks[5], (32,), jnp.float32, -s, s)
    s2 = 1.0 / np.sqrt(32)
    W2 = jax.random.uniform(ks[6], (32, 32), jnp.float32, -s2, s2)
    b2 = jax.random.uniform(ks[7], (32,), jnp.float32, -s2, s2)
    W3 = jax.random.uniform(ks[8], (32, 1), jnp.float32, -s2, s2)
    b3 = jax.random.uniform(ks[9], (1,), jnp.float32, -s2, s2)
    return {"x": x, "edge_index": edge_index, "W_enc": W_enc, "b_enc": b_enc,
            "W1": W1, "b1": b1, "W2": W2, "b2": b2, "W3": W3, "b3": b3}

def _gcn_conv(x, edge_index, W, b):
    N = x.shape[0]
    loop = jnp.arange(N, dtype=edge_index.dtype)
    src = jnp.concatenate([edge_index[0], loop])
    dst = jnp.concatenate([edge_index[1], loop])
    deg = jnp.zeros((N,), dtype=x.dtype).at[dst].add(1.0)
    dinv = jax.lax.rsqrt(deg)
    xw = x @ W
    norm = (dinv[src] * dinv[dst])[:, None]
    msg = jnp.take(xw, src, axis=0) * norm
    out = jnp.zeros_like(xw).at[dst].add(msg)
    return out + b

def reference(x, edge_index, W_enc, b_enc, W1, b1, W2, b2, W3, b3):
    # GraphEncoder: GCN conv (g_in -> g_in) with ReLU
    h = jax.nn.relu(_gcn_conv(x, edge_index, W_enc, b_enc))
    # graph readout: sum over nodes
    embedding = jnp.sum(h, axis=0)
    v = jax.nn.relu(embedding @ W1 + b1)
    v = jax.nn.relu(v @ W2 + b2)
    v = v @ W3 + b3
    return v

if __name__ == "__main__":
    import jax
    _d = setup_inputs()
    print(jax.jit(kernel)(*tuple(_d.values())))

</pallas_src>

<mosaic_0001>
#map = affine_map<(d0, d1) -> (0, 0, 0)>
#map1 = affine_map<(d0, d1) -> (0)>
module attributes {stable_mosaic.version = 14 : i64} {
  func.func @_deg(%arg0: i32, %arg1: i32, %arg2: memref<32x40x125xi32, #tpu.memory_space<hbm>>, %arg3: memref<20000xf32, #tpu.memory_space<hbm>>, %arg4: memref<8x125xi32, #tpu.memory_space<vmem>>, %arg5: memref<128xf32, #tpu.memory_space<vmem>>, %arg6: memref<1024xf32, #tpu.memory_space<vmem>>, %arg7: memref<10000xf32, #tpu.memory_space<vmem_shared>>) attributes {dimension_semantics = [#tpu.dimension_semantics<core_parallel>, #tpu.dimension_semantics<subcore_parallel>], iteration_bounds = array<i64: 2, 16>, scalar_prefetch = 0 : i64, scratch_operands = 4 : i64, tpu.core_type = #tpu.core_type<sc_vector_subcore>, window_params = [{transform_indices = #map}, {transform_indices = #map1}]} {
    %mul3A = arith.constant 16 : i32
    %mul3A_0 = arith.muli %arg0, %mul3A : i32
    %add3A = arith.addi %mul3A_0, %arg1 : i32
    %broadcast_in_dim3A = arith.constant 0.000000e+00 : f32
    %broadcast_in_dim3A_1 = vector.broadcast %broadcast_in_dim3A : f32 to vector<16xf32>
    %swap3A = arith.constant 0 : index
    %swap3A_2 = tpu.vector_load %arg6[%swap3A] {strides = array<i32>} : memref<1024xf32, #tpu.memory_space<vmem>>, vector<16xf32>,
    %swap3A_3 = vector.shape_cast %swap3A_2 : vector<16xf32> to vector<16xf32>
    %swap3A_4 = vector.shape_cast %broadcast_in_dim3A_1 : vector<16xf32> to vector<16xf32>
    tpu.vector_store %arg6[%swap3A], %swap3A_4 {strides = array<i32>} : memref<1024xf32, #tpu.memory_space<vmem>>, vector<16xf32>,
    %broadcast_in_dim3A_5 = arith.constant 0.000000e+00 : f32
    %broadcast_in_dim3A_6 = vector.broadcast %broadcast_in_dim3A_5 : f32 to vector<16xf32>
    %swap3A_7 = arith.constant 16 : index
    %swap3A_8 = tpu.vector_load %arg6[%swap3A_7] {strides = array<i32>} : memref<1024xf32, #tpu.memory_space<vmem>>, vector<16xf32>,
    %swap3A_9 = vector.shape_cast %swap3A_8 : vector<16xf32> to vector<16xf32>
    %swap3A_10 = vector.shape_cast %broadcast_in_dim3A_6 : vector<16xf32> to vector<16xf32>
    tpu.vector_store %arg6[%swap3A_7], %swap3A_10 {strides = array<i32>} : memref<1024xf32, #tpu.memory_space<vmem>>, vector<16xf32>,
    %broadcast_in_dim3A_11 = arith.constant 0.000000e+00 : f32
    %broadcast_in_dim3A_12 = vector.broadcast %broadcast_in_dim3A_11 : f32 to vector<16xf32>
    %swap3A_13 = arith.constant 32 : index
    %swap3A_14 = tpu.vector_load %arg6[%swap3A_13] {strides = array<i32>} : memref<1024xf32, #tpu.memory_space<vmem>>, vector<16xf32>,
    %swap3A_15 = vector.shape_cast %swap3A_14 : vector<16xf32> to vector<16xf32>
    %swap3A_16 = vector.shape_cast %broadcast_in_dim3A_12 : vector<16xf32> to vector<16xf32>
    tpu.vector_store %arg6[%swap3A_13], %swap3A_16 {strides = array<i32>} : memref<1024xf32, #tpu.memory_space<vmem>>, vector<16xf32>,
    %broadcast_in_dim3A_17 = arith.constant 0.000000e+00 : f32
    %broadcast_in_dim3A_18 = vector.broadcast %broadcast_in_dim3A_17 : f32 to vector<16xf32>
    %swap3A_19 = arith.constant 48 : index
    %swap3A_20 = tpu.vector_load %arg6[%swap3A_19] {strides = array<i32>} : memref<1024xf32, #tpu.memory_space<vmem>>, vector<16xf32>,
    %swap3A_21 = vector.shape_cast %swap3A_20 : vector<16xf32> to vector<16xf32>
    %swap3A_22 = vector.shape_cast %broadcast_in_dim3A_18 : vector<16xf32> to vector<16xf32>
    tpu.vector_store %arg6[%swap3A_19], %swap3A_22 {strides = array<i32>} : memref<1024xf32, #tpu.memory_space<vmem>>, vector<16xf32>,
    %broadcast_in_dim3A_23 = arith.constant 0.000000e+00 : f32
    %broadcast_in_dim3A_24 = vector.broadcast %broadcast_in_dim3A_23 : f32 to vector<16xf32>
    %swap3A_25 = arith.constant 64 : index
    %swap3A_26 = tpu.vector_load %arg6[%swap3A_25] {strides = array<i32>} : memref<1024xf32, #tpu.memory_space<vmem>>, vector<16xf32>,
    %swap3A_27 = vector.shape_cast %swap3A_26 : vector<16xf32> to vector<16xf32>
    %swap3A_28 = vector.shape_cast %broadcast_in_dim3A_24 : vector<16xf32> to vector<16xf32>
    tpu.vector_store %arg6[%swap3A_25], %swap3A_28 {strides = array<i32>} : memref<1024xf32, #tpu.memory_space<vmem>>, vector<16xf32>,
    %broadcast_in_dim3A_29 = arith.constant 0.000000e+00 : f32
    %broadcast_in_dim3A_30 = vector.broadcast %broadcast_in_dim3A_29 : f32 to vector<16xf32>
    %swap3A_31 = arith.constant 80 : index
    %swap3A_32 = tpu.vector_load %arg6[%swap3A_31] {strides = array<i32>} : memref<1024xf32, #tpu.memory_space<vmem>>, vector<16xf32>,
    %swap3A_33 = vector.shape_cast %swap3A_32 : vector<16xf32> to vector<16xf32>
    %swap3A_34 = vector.shape_cast %broadcast_in_dim3A_30 : vector<16xf32> to vector<16xf32>
    tpu.vector_store %arg6[%swap3A_31], %swap3A_34 {strides = array<i32>} : memref<1024xf32, #tpu.memory_space<vmem>>, vector<16xf32>,
    %broadcast_in_dim3A_35 = arith.constant 0.000000e+00 : f32
    %broadcast_in_dim3A_36 = vector.broadcast %broadcast_in_dim3A_35 : f32 to vector<16xf32>
    %swap3A_37 = arith.constant 96 : index
    %swap3A_38 = tpu.vector_load %arg6[%swap3A_37] {strides = array<i32>} : memref<1024xf32, #tpu.memory_space<vmem>>, vector<16xf32>,
    %swap3A_39 = vector.shape_cast %swap3A_38 : vector<16xf32> to vector<16xf32>
    %swap3A_40 = vector.shape_cast %broadcast_in_dim3A_36 : vector<16xf32> to vector<16xf32>
    tpu.vector_store %arg6[%swap3A_37], %swap3A_40 {strides = array<i32>} : memref<1024xf32, #tpu.memory_space<vmem>>, vector<16xf32>,
    %broadcast_in_dim3A_41 = arith.constant 0.000000e+00 : f32
    %broadcast_in_dim3A_42 = vector.broadcast %broadcast_in_dim3A_41 : f32 to vector<16xf32>
    %swap3A_43 = arith.constant 112 : index
    %swap3A_44 = tpu.vector_load %arg6[%swap3A_43] {strides = array<i32>} : memref<1024xf32, #tpu.memory_space<vmem>>, vector<16xf32>,
    %swap3A_45 = vector.shape_cast %swap3A_44 : vector<16xf32> to vector<16xf32>
    %swap3A_46 = vector.shape_cast %broadcast_in_dim3A_42 : vector<16xf32> to vector<16xf32>
    tpu.vector_store %arg6[%swap3A_43], %swap3A_46 {strides = array<i32>} : memref<1024xf32, #tpu.memory_space<vmem>>, vector<16xf32>,
    %broadcast_in_dim3A_47 = arith.constant 0.000000e+00 : f32
    %broadcast_in_dim3A_48 = vector.broadcast %broadcast_in_dim3A_47 : f32 to vector<16xf32>
    %swap3A_49 = arith.constant 128 : index
    %swap3A_50 = tpu.vector_load %arg6[%swap3A_49] {strides = array<i32>} : memref<1024xf32, #tpu.memory_space<vmem>>, vector<16xf32>,
    %swap3A_51 = vector.shape_cast %swap3A_50 : vector<16xf32> to vector<16xf32>
    %swap3A_52 = vector.shape_cast %broadcast_in_dim3A_48 : vector<16xf32> to vector<16xf32>
    tpu.vector_store %arg6[%swap3A_49], %swap3A_52 {strides = array<i32>} : memref<1024xf32, #tpu.memory_space<vmem>>, vector<16xf32>,
    %broadcast_in_dim3A_53 = arith.constant 0.000000e+00 : f32
    %broadcast_in_dim3A_54 = vector.broadcast %broadcast_in_dim3A_53 : f32 to vector<16xf32>
    %swap3A_55 = arith.constant 144 : index
    %swap3A_56 = tpu.vector_load %arg6[%swap3A_55] {strides = array<i32>} : memref<1024xf32, #tpu.memory_space<vmem>>, vector<16xf32>,
    %swap3A_57 = vector.shape_cast %swap3A_56 : vector<16xf32> to vector<16xf32>
    %swap3A_58 = vector.shape_cast %broadcast_in_dim3A_54 : vector<16xf32> to vector<16xf32>
    tpu.vector_store %arg6[%swap3A_55], %swap3A_58 {strides = array<i32>} : memref<1024xf32, #tpu.memory_space<vmem>>, vector<16xf32>,
    %broadcast_in_dim3A_59 = arith.constant 0.000000e+00 : f32
    %broadcast_in_dim3A_60 = vector.broadcast %broadcast_in_dim3A_59 : f32 to vector<16xf32>
    %swap3A_61 = arith.constant 160 : index
    %swap3A_62 = tpu.vector_load %arg6[%swap3A_61] {strides = array<i32>} : memref<1024xf32, #tpu.memory_space<vmem>>, vector<16xf32>,
    %swap3A_63 = vector.shape_cast %swap3A_62 : vector<16xf32> to vector<16xf32>
    %swap3A_64 = vector.shape_cast %broadcast_in_dim3A_60 : vector<16xf32> to vector<16xf32>
    tpu.vector_store %arg6[%swap3A_61], %swap3A_64 {strides = array<i32>} : memref<1024xf32, #tpu.memory_space<vmem>>, vector<16xf32>,
    %broadcast_in_dim3A_65 = arith.constant 0.000000e+00 : f32
    %broadcast_in_dim3A_66 = vector.broadcast %broadcast_in_dim3A_65 : f32 to vector<16xf32>
    %swap3A_67 = arith.constant 176 : index
    %swap3A_68 = tpu.vector_load %arg6[%swap3A_67] {strides = array<i32>} : memref<1024xf32, #tpu.memory_space<vmem>>, vector<16xf32>,
    %swap3A_69 = vector.shape_cast %swap3A_68 : vector<16xf32> to vector<16xf32>
    %swap3A_70 = vector.shape_cast %broadcast_in_dim3A_66 : vector<16xf32> to vector<16xf32>
    tpu.vector_store %arg6[%swap3A_67], %swap3A_70 {strides = array<i32>} : memref<1024xf32, #tpu.memory_space<vmem>>, vector<16xf32>,
    %broadcast_in_dim3A_71 = arith.constant 0.000000e+00 : f32
    %broadcast_in_dim3A_72 = vector.broadcast %broadcast_in_dim3A_71 : f32 to vector<16xf32>
    %swap3A_73 = arith.constant 192 : index
    %swap3A_74 = tpu.vector_load %arg6[%swap3A_73] {strides = array<i32>} : memref<1024xf32, #tpu.memory_space<vmem>>, vector<16xf32>,
    %swap3A_75 = vector.shape_cast %swap3A_74 : vector<16xf32> to vector<16xf32>
    %swap3A_76 = vector.shape_cast %broadcast_in_dim3A_72 : vector<16xf32> to vector<16xf32>
    tpu.vector_store %arg6[%swap3A_73], %swap3A_76 {strides = array<i32>} : memref<1024xf32, #tpu.memory_space<vmem>>, vector<16xf32>,
    %broadcast_in_dim3A_77 = arith.constant 0.000000e+00 : f32
    %broadcast_in_dim3A_78 = vector.broadcast %broadcast_in_dim3A_77 : f32 to vector<16xf32>
    %swap3A_79 = arith.constant 208 : index
    %swap3A_80 = tpu.vector_load %arg6[%swap3A_79] {strides = array<i32>} : memref<1024xf32, #tpu.memory_space<vmem>>, vector<16xf32>,
    %swap3A_81 = vector.shape_cast %swap3A_80 : vector<16xf32> to vector<16xf32>
    %swap3A_82 = vector.shape_cast %broadcast_in_dim3A_78 : vector<16xf32> to vector<16xf32>
    tpu.vector_store %arg6[%swap3A_79], %swap3A_82 {strides = array<i32>} : memref<1024xf32, #tpu.memory_space<vmem>>, vector<16xf32>,
    %broadcast_in_dim3A_83 = arith.constant 0.000000e+00 : f32
    %broadcast_in_dim3A_84 = vector.broadcast %broadcast_in_dim3A_83 : f32 to vector<16xf32>
    %swap3A_85 = arith.constant 224 : index
    %swap3A_86 = tpu.vector_load %arg6[%swap3A_85] {strides = array<i32>} : memref<1024xf32, #tpu.memory_space<vmem>>, vector<16xf32>,
    %swap3A_87 = vector.shape_cast %swap3A_86 : vector<16xf32> to vector<16xf32>
    %swap3A_88 = vector.shape_cast %broadcast_in_dim3A_84 : vector<16xf32> to vector<16xf32>
    tpu.vector_store %arg6[%swap3A_85], %swap3A_88 {strides = array<i32>} : memref<1024xf32, #tpu.memory_space<vmem>>, vector<16xf32>,
    %broadcast_in_dim3A_89 = arith.constant 0.000000e+00 : f32
    %broadcast_in_dim3A_90 = vector.broadcast %broadcast_in_dim3A_89 : f32 to vector<16xf32>
    %swap3A_91 = arith.constant 240 : index
    %swap3A_92 = tpu.vector_load %arg6[%swap3A_91] {strides = array<i32>} : memref<1024xf32, #tpu.memory_space<vmem>>, vector<16xf32>,
    %swap3A_93 = vector.shape_cast %swap3A_92 : vector<16xf32> to vector<16xf32>
    %swap3A_94 = vector.shape_cast %broadcast_in_dim3A_90 : vector<16xf32> to vector<16xf32>
    tpu.vector_store %arg6[%swap3A_91], %swap3A_94 {strides = array<i32>} : memref<1024xf32, #tpu.memory_space<vmem>>, vector<16xf32>,
    %broadcast_in_dim3A_95 = arith.constant 0.000000e+00 : f32
    %broadcast_in_dim3A_96 = vector.broadcast %broadcast_in_dim3A_95 : f32 to vector<16xf32>
    %swap3A_97 = arith.constant 256 : index
    %swap3A_98 = tpu.vector_load %arg6[%swap3A_97] {strides = array<i32>} : memref<1024xf32, #tpu.memory_space<vmem>>, vector<16xf32>,
    %swap3A_99 = vector.shape_cast %swap3A_98 : vector<16xf32> to vector<16xf32>
    %swap3A_100 = vector.shape_cast %broadcast_in_dim3A_96 : vector<16xf32> to vector<16xf32>
    tpu.vector_store %arg6[%swap3A_97], %swap3A_100 {strides = array<i32>} : memref<1024xf32, #tpu.memory_space<vmem>>, vector<16xf32>,
    %broadcast_in_dim3A_101 = arith.constant 0.000000e+00 : f32
    %broadcast_in_dim3A_102 = vector.broadcast %broadcast_in_dim3A_101 : f32 to vector<16xf32>
    %swap3A_103 = arith.constant 272 : index
    %swap3A_104 = tpu.vector_load %arg6[%swap3A_103] {strides = array<i32>} : memref<1024xf32, #tpu.memory_space<vmem>>, vector<16xf32>,
    %swap3A_105 = vector.shape_cast %swap3A_104 : vector<16xf32> to vector<16xf32>
    %swap3A_106 = vector.shape_cast %broadcast_in_dim3A_102 : vector<16xf32> to vector<16xf32>
    tpu.vector_store %arg6[%swap3A_103], %swap3A_106 {strides = array<i32>} : memref<1024xf32, #tpu.memory_space<vmem>>, vector<16xf32>,
    %broadcast_in_dim3A_107 = arith.constant 0.000000e+00 : f32
    %broadcast_in_dim3A_108 = vector.broadcast %broadcast_in_dim3A_107 : f32 to vector<16xf32>
    %swap3A_109 = arith.constant 288 : index
    %swap3A_110 = tpu.vector_load %arg6[%swap3A_109] {strides = array<i32>} : memref<1024xf32, #tpu.memory_space<vmem>>, vector<16xf32>,
    %swap3A_111 = vector.shape_cast %swap3A_110 : vector<16xf32> to vector<16xf32>
    %swap3A_112 = vector.shape_cast %broadcast_in_dim3A_108 : vector<16xf32> to vector<16xf32>
    tpu.vector_store %arg6[%swap3A_109], %swap3A_112 {strides = array<i32>} : memref<1024xf32, #tpu.memory_space<vmem>>, vector<16xf32>,
    %broadcast_in_dim3A_113 = arith.constant 0.000000e+00 : f32
    %broadcast_in_dim3A_114 = vector.broadcast %broadcast_in_dim3A_113 : f32 to vector<16xf32>
    %swap3A_115 = arith.constant 304 : index
    %swap3A_116 = tpu.vector_load %arg6[%swap3A_115] {strides = array<i32>} : memref<1024xf32, #tpu.memory_space<vmem>>, vector<16xf32>,
    %swap3A_117 = vector.shape_cast %swap3A_116 : vector<16xf32> to vector<16xf32>
    %swap3A_118 = vector.shape_cast %broadcast_in_dim3A_114 : vector<16xf32> to vector<16xf32>
    tpu.vector_store %arg6[%swap3A_115], %swap3A_118 {strides = array<i32>} : memref<1024xf32, #tpu.memory_space<vmem>>, vector<16xf32>,
    %broadcast_in_dim3A_119 = arith.constant 0.000000e+00 : f32
    %broadcast_in_dim3A_120 = vector.broadcast %broadcast_in_dim3A_119 : f32 to vector<16xf32>
    %swap3A_121 = arith.constant 320 : index
    %swap3A_122 = tpu.vector_load %arg6[%swap3A_121] {strides = array<i32>} : memref<1024xf32, #tpu.memory_space<vmem>>, vector<16xf32>,
    %swap3A_123 = vector.shape_cast %swap3A_122 : vector<16xf32> to vector<16xf32>
    %swap3A_124 = vector.shape_cast %broadcast_in_dim3A_120 : vector<16xf32> to vector<16xf32>
    tpu.vector_store %arg6[%swap3A_121], %swap3A_124 {strides = array<i32>} : memref<1024xf32, #tpu.memory_space<vmem>>, vector<16xf32>,
    %broadcast_in_dim3A_125 = arith.constant 0.000000e+00 : f32
    %broadcast_in_dim3A_126 = vector.broadcast %broadcast_in_dim3A_125 : f32 to vector<16xf32>
    %swap3A_127 = arith.constant 336 : index
    %swap3A_128 = tpu.vector_load %arg6[%swap3A_127] {strides = array<i32>} : memref<1024xf32, #tpu.memory_space<vmem>>, vector<16xf32>,
    %swap3A_129 = vector.shape_cast %swap3A_128 : vector<16xf32> to vector<16xf32>
    %swap3A_130 = vector.shape_cast %broadcast_in_dim3A_126 : vector<16xf32> to vector<16xf32>
    tpu.vector_store %arg6[%swap3A_127], %swap3A_130 {strides = array<i32>} : memref<1024xf32, #tpu.memory_space<vmem>>, vector<16xf32>,
    %broadcast_in_dim3A_131 = arith.constant 0.000000e+00 : f32
    %broadcast_in_dim3A_132 = vector.broadcast %broadcast_in_dim3A_131 : f32 to vector<16xf32>
    %swap3A_133 = arith.constant 352 : index
    %swap3A_134 = tpu.vector_load %arg6[%swap3A_133] {strides = array<i32>} : memref<1024xf32, #tpu.memory_space<vmem>>, vector<16xf32>,
    %swap3A_135 = vector.shape_cast %swap3A_134 : vector<16xf32> to vector<16xf32>
    %swap3A_136 = vector.shape_cast %broadcast_in_dim3A_132 : vector<16xf32> to vector<16xf32>
    tpu.vector_store %arg6[%swap3A_133], %swap3A_136 {strides = array<i32>} : memref<1024xf32, #tpu.memory_space<vmem>>, vector<16xf32>,
    %broadcast_in_dim3A_137 = arith.constant 0.000000e+00 : f32
    %broadcast_in_dim3A_138 = vector.broadcast %broadcast_in_dim3A_137 : f32 to vector<16xf32>
    %swap3A_139 = arith.constant 368 : index
    %swap3A_140 = tpu.vector_load %arg6[%swap3A_139] {strides = array<i32>} : memref<1024xf32, #tpu.memory_space<vmem>>, vector<16xf32>,
    %swap3A_141 = vector.shape_cast %swap3A_140 : vector<16xf32> to vector<16xf32>
    %swap3A_142 = vector.shape_cast %broadcast_in_dim3A_138 : vector<16xf32> to vector<16xf32>
    tpu.vector_store %arg6[%swap3A_139], %swap3A_142 {strides = array<i32>} : memref<1024xf32, #tpu.memory_space<vmem>>, vector<16xf32>,
    %broadcast_in_dim3A_143 = arith.constant 0.000000e+00 : f32
    %broadcast_in_dim3A_144 = vector.broadcast %broadcast_in_dim3A_143 : f32 to vector<16xf32>
    %swap3A_145 = arith.constant 384 : index
    %swap3A_146 = tpu.vector_load %arg6[%swap3A_145] {strides = array<i32>} : memref<1024xf32, #tpu.memory_space<vmem>>, vector<16xf32>,
    %swap3A_147 = vector.shape_cast %swap3A_146 : vector<16xf32> to vector<16xf32>
    %swap3A_148 = vector.shape_cast %broadcast_in_dim3A_144 : vector<16xf32> to vector<16xf32>
    tpu.vector_store %arg6[%swap3A_145], %swap3A_148 {strides = array<i32>} : memref<1024xf32, #tpu.memory_space<vmem>>, vector<16xf32>,
    %broadcast_in_dim3A_149 = arith.constant 0.000000e+00 : f32
    %broadcast_in_dim3A_150 = vector.broadcast %broadcast_in_dim3A_149 : f32 to vector<16xf32>
    %swap3A_151 = arith.constant 400 : index
    %swap3A_152 = tpu.vector_load %arg6[%swap3A_151] {strides = array<i32>} : memref<1024xf32, #tpu.memory_space<vmem>>, vector<16xf32>,
    %swap3A_153 = vector.shape_cast %swap3A_152 : vector<16xf32> to vector<16xf32>
    %swap3A_154 = vector.shape_cast %broadcast_in_dim3A_150 : vector<16xf32> to vector<16xf32>
    tpu.vector_store %arg6[%swap3A_151], %swap3A_154 {strides = array<i32>} : memref<1024xf32, #tpu.memory_space<vmem>>, vector<16xf32>,
    %broadcast_in_dim3A_155 = arith.constant 0.000000e+00 : f32
    %broadcast_in_dim3A_156 = vector.broadcast %broadcast_in_dim3A_155 : f32 to vector<16xf32>
    %swap3A_157 = arith.constant 416 : index
    %swap3A_158 = tpu.vector_load %arg6[%swap3A_157] {strides = array<i32>} : memref<1024xf32, #tpu.memory_space<vmem>>, vector<16xf32>,
    %swap3A_159 = vector.shape_cast %swap3A_158 : vector<16xf32> to vector<16xf32>
    %swap3A_160 = vector.shape_cast %broadcast_in_dim3A_156 : vector<16xf32> to vector<16xf32>
    tpu.vector_store %arg6[%swap3A_157], %swap3A_160 {strides = array<i32>} : memref<1024xf32, #tpu.memory_space<vmem>>, vector<16xf32>,
    %broadcast_in_dim3A_161 = arith.constant 0.000000e+00 : f32
    %broadcast_in_dim3A_162 = vector.broadcast %broadcast_in_dim3A_161 : f32 to vector<16xf32>
    %swap3A_163 = arith.constant 432 : index
    %swap3A_164 = tpu.vector_load %arg6[%swap3A_163] {strides = array<i32>} : memref<1024xf32, #tpu.memory_space<vmem>>, vector<16xf32>,
    %swap3A_165 = vector.shape_cast %swap3A_164 : vector<16xf32> to vector<16xf32>
    %swap3A_166 = vector.shape_cast %broadcast_in_dim3A_162 : vector<16xf32> to vector<16xf32>
    tpu.vector_store %arg6[%swap3A_163], %swap3A_166 {strides = array<i32>} : memref<1024xf32, #tpu.memory_space<vmem>>, vector<16xf32>,
    %broadcast_in_dim3A_167 = arith.constant 0.000000e+00 : f32
    %broadcast_in_dim3A_168 = vector.broadcast %broadcast_in_dim3A_167 : f32 to vector<16xf32>
    %swap3A_169 = arith.constant 448 : index
    %swap3A_170 = tpu.vector_load %arg6[%swap3A_169] {strides = array<i32>} : memref<1024xf32, #tpu.memory_space<vmem>>, vector<16xf32>,
    %swap3A_171 = vector.shape_cast %swap3A_170 : vector<16xf32> to vector<16xf32>
    %swap3A_172 = vector.shape_cast %broadcast_in_dim3A_168 : vector<16xf32> to vector<16xf32>
    tpu.vector_store %arg6[%swap3A_169], %swap3A_172 {strides = array<i32>} : memref<1024xf32, #tpu.memory_space<vmem>>, vector<16xf32>,
    %broadcast_in_dim3A_173 = arith.constant 0.000000e+00 : f32
    %broadcast_in_dim3A_174 = vector.broadcast %broadcast_in_dim3A_173 : f32 to vector<16xf32>
    %swap3A_175 = arith.constant 464 : index
    %swap3A_176 = tpu.vector_load %arg6[%swap3A_175] {strides = array<i32>} : memref<1024xf32, #tpu.memory_space<vmem>>, vector<16xf32>,
    %swap3A_177 = vector.shape_cast %swap3A_176 : vector<16xf32> to vector<16xf32>
    %swap3A_178 = vector.shape_cast %broadcast_in_dim3A_174 : vector<16xf32> to vector<16xf32>
    tpu.vector_store %arg6[%swap3A_175], %swap3A_178 {strides = array<i32>} : memref<1024xf32, #tpu.memory_space<vmem>>, vector<16xf32>,
    %broadcast_in_dim3A_179 = arith.constant 0.000000e+00 : f32
    %broadcast_in_dim3A_180 = vector.broadcast %broadcast_in_dim3A_179 : f32 to vector<16xf32>
    %swap3A_181 = arith.constant 480 : index
    %swap3A_182 = tpu.vector_load %arg6[%swap3A_181] {strides = array<i32>} : memref<1024xf32, #tpu.memory_space<vmem>>, vector<16xf32>,
    %swap3A_183 = vector.shape_cast %swap3A_182 : vector<16xf32> to vector<16xf32>
    %swap3A_184 = vector.shape_cast %broadcast_in_dim3A_180 : vector<16xf32> to vector<16xf32>
    tpu.vector_store %arg6[%swap3A_181], %swap3A_184 {strides = array<i32>} : memref<1024xf32, #tpu.memory_space<vmem>>, vector<16xf32>,
    %broadcast_in_dim3A_185 = arith.constant 0.000000e+00 : f32
    %broadcast_in_dim3A_186 = vector.broadcast %broadcast_in_dim3A_185 : f32 to vector<16xf32>
    %swap3A_187 = arith.constant 496 : index
    %swap3A_188 = tpu.vector_load %arg6[%swap3A_187] {strides = array<i32>} : memref<1024xf32, #tpu.memory_space<vmem>>, vector<16xf32>,
    %swap3A_189 = vector.shape_cast %swap3A_188 : vector<16xf32> to vector<16xf32>
    %swap3A_190 = vector.shape_cast %broadcast_in_dim3A_186 : vector<16xf32> to vector<16xf32>
    tpu.vector_store %arg6[%swap3A_187], %swap3A_190 {strides = array<i32>} : memref<1024xf32, #tpu.memory_space<vmem>>, vector<16xf32>,
    %broadcast_in_dim3A_191 = arith.constant 0.000000e+00 : f32
    %broadcast_in_dim3A_192 = vector.broadcast %broadcast_in_dim3A_191 : f32 to vector<16xf32>
    %swap3A_193 = arith.constant 512 : index
    %swap3A_194 = tpu.vector_load %arg6[%swap3A_193] {strides = array<i32>} : memref<1024xf32, #tpu.memory_space<vmem>>, vector<16xf32>,
    %swap3A_195 = vector.shape_cast %swap3A_194 : vector<16xf32> to vector<16xf32>
    %swap3A_196 = vector.shape_cast %broadcast_in_dim3A_192 : vector<16xf32> to vector<16xf32>
    tpu.vector_store %arg6[%swap3A_193], %swap3A_196 {strides = array<i32>} : memref<1024xf32, #tpu.memory_space<vmem>>, vector<16xf32>,
    %broadcast_in_dim3A_197 = arith.constant 0.000000e+00 : f32
    %broadcast_in_dim3A_198 = vector.broadcast %broadcast_in_dim3A_197 : f32 to vector<16xf32>
    %swap3A_199 = arith.constant 528 : index
    %swap3A_200 = tpu.vector_load %arg6[%swap3A_199] {strides = array<i32>} : memref<1024xf32, #tpu.memory_space<vmem>>, vector<16xf32>,
    %swap3A_201 = vector.shape_cast %swap3A_200 : vector<16xf32> to vector<16xf32>
    %swap3A_202 = vector.shape_cast %broadcast_in_dim3A_198 : vector<16xf32> to vector<16xf32>
    tpu.vector_store %arg6[%swap3A_199], %swap3A_202 {strides = array<i32>} : memref<1024xf32, #tpu.memory_space<vmem>>, vector<16xf32>,
    %broadcast_in_dim3A_203 = arith.constant 0.000000e+00 : f32
    %broadcast_in_dim3A_204 = vector.broadcast %broadcast_in_dim3A_203 : f32 to vector<16xf32>
    %swap3A_205 = arith.constant 544 : index
    %swap3A_206 = tpu.vector_load %arg6[%swap3A_205] {strides = array<i32>} : memref<1024xf32, #tpu.memory_space<vmem>>, vector<16xf32>,
    %swap3A_207 = vector.shape_cast %swap3A_206 : vector<16xf32> to vector<16xf32>
    %swap3A_208 = vector.shape_cast %broadcast_in_dim3A_204 : vector<16xf32> to vector<16xf32>
    tpu.vector_store %arg6[%swap3A_205], %swap3A_208 {strides = array<i32>} : memref<1024xf32, #tpu.memory_space<vmem>>, vector<16xf32>,
    %broadcast_in_dim3A_209 = arith.constant 0.000000e+00 : f32
    %broadcast_in_dim3A_210 = vector.broadcast %broadcast_in_dim3A_209 : f32 to vector<16xf32>
    %swap3A_211 = arith.constant 560 : index
    %swap3A_212 = tpu.vector_load %arg6[%swap3A_211] {strides = array<i32>} : memref<1024xf32, #tpu.memory_space<vmem>>, vector<16xf32>,
    %swap3A_213 = vector.shape_cast %swap3A_212 : vector<16xf32> to vector<16xf32>
    %swap3A_214 = vector.shape_cast %broadcast_in_dim3A_210 : vector<16xf32> to vector<16xf32>
    tpu.vector_store %arg6[%swap3A_211], %swap3A_214 {strides = array<i32>} : memref<1024xf32, #tpu.memory_space<vmem>>, vector<16xf32>,
    %broadcast_in_dim3A_215 = arith.constant 0.000000e+00 : f32
    %broadcast_in_dim3A_216 = vector.broadcast %broadcast_in_dim3A_215 : f32 to vector<16xf32>
    %swap3A_217 = arith.constant 576 : index
    %swap3A_218 = tpu.vector_load %arg6[%swap3A_217] {strides = array<i32>} : memref<1024xf32, #tpu.memory_space<vmem>>, vector<16xf32>,
    %swap3A_219 = vector.shape_cast %swap3A_218 : vector<16xf32> to vector<16xf32>
    %swap3A_220 = vector.shape_cast %broadcast_in_dim3A_216 : vector<16xf32> to vector<16xf32>
    tpu.vector_store %arg6[%swap3A_217], %swap3A_220 {strides = array<i32>} : memref<1024xf32, #tpu.memory_space<vmem>>, vector<16xf32>,
    %broadcast_in_dim3A_221 = arith.constant 0.000000e+00 : f32
    %broadcast_in_dim3A_222 = vector.broadcast %broadcast_in_dim3A_221 : f32 to vector<16xf32>
    %swap3A_223 = arith.constant 592 : index
    %swap3A_224 = tpu.vector_load %arg6[%swap3A_223] {strides = array<i32>} : memref<1024xf32, #tpu.memory_space<vmem>>, vector<16xf32>,
    %swap3A_225 = vector.shape_cast %swap3A_224 : vector<16xf32> to vector<16xf32>
    %swap3A_226 = vector.shape_cast %broadcast_in_dim3A_222 : vector<16xf32> to vector<16xf32>
    tpu.vector_store %arg6[%swap3A_223], %swap3A_226 {strides = array<i32>} : memref<1024xf32, #tpu.memory_space<vmem>>, vector<16xf32>,
    %broadcast_in_dim3A_227 = arith.constant 0.000000e+00 : f32
    %broadcast_in_dim3A_228 = vector.broadcast %broadcast_in_dim3A_227 : f32 to vector<16xf32>
    %swap3A_229 = arith.constant 608 : index
    %swap3A_230 = tpu.vector_load %arg6[%swap3A_229] {strides = array<i32>} : memref<1024xf32, #tpu.memory_space<vmem>>, vector<16xf32>,
    %swap3A_231 = vector.shape_cast %swap3A_230 : vector<16xf32> to vector<16xf32>
    %swap3A_232 = vector.shape_cast %broadcast_in_dim3A_228 : vector<16xf32> to vector<16xf32>
    tpu.vector_store %arg6[%swap3A_229], %swap3A_232 {strides = array<i32>} : memref<1024xf32, #tpu.memory_space<vmem>>, vector<16xf32>,
    %broadcast_in_dim3A_233 = arith.constant 0.000000e+00 : f32
    %broadcast_in_dim3A_234 = vector.broadcast %broadcast_in_dim3A_233 : f32 to vector<16xf32>
    %swap3A_235 = arith.constant 624 : index
    %swap3A_236 = tpu.vector_load %arg6[%swap3A_235] {strides = array<i32>} : memref<1024xf32, #tpu.memory_space<vmem>>, vector<16xf32>,
    %swap3A_237 = vector.shape_cast %swap3A_236 : vector<16xf32> to vector<16xf32>
    %swap3A_238 = vector.shape_cast %broadcast_in_dim3A_234 : vector<16xf32> to vector<16xf32>
    tpu.vector_store %arg6[%swap3A_235], %swap3A_238 {strides = array<i32>} : memref<1024xf32, #tpu.memory_space<vmem>>, vector<16xf32>,
    %broadcast_in_dim3A_239 = arith.constant 0.000000e+00 : f32
    %broadcast_in_dim3A_240 = vector.broadcast %broadcast_in_dim3A_239 : f32 to vector<16xf32>
    %swap3A_241 = arith.constant 640 : index
    %swap3A_242 = tpu.vector_load %arg6[%swap3A_241] {strides = array<i32>} : memref<1024xf32, #tpu.memory_space<vmem>>, vector<16xf32>,
    %swap3A_243 = vector.shape_cast %swap3A_242 : vector<16xf32> to vector<16xf32>
    %swap3A_244 = vector.shape_cast %broadcast_in_dim3A_240 : vector<16xf32> to vector<16xf32>
    tpu.vector_store %arg6[%swap3A_241], %swap3A_244 {strides = array<i32>} : memref<1024xf32, #tpu.memory_space<vmem>>, vector<16xf32>,
    %broadcast_in_dim3A_245 = arith.constant 0.000000e+00 : f32
    %broadcast_in_dim3A_246 = vector.broadcast %broadcast_in_dim3A_245 : f32 to vector<16xf32>
    %swap3A_247 = arith.constant 656 : index
    %swap3A_248 = tpu.vector_load %arg6[%swap3A_247] {strides = array<i32>} : memref<1024xf32, #tpu.memory_space<vmem>>, vector<16xf32>,
    %swap3A_249 = vector.shape_cast %swap3A_248 : vector<16xf32> to vector<16xf32>
    %swap3A_250 = vector.shape_cast %broadcast_in_dim3A_246 : vector<16xf32> to vector<16xf32>
    tpu.vector_store %arg6[%swap3A_247], %swap3A_250 {strides = array<i32>} : memref<1024xf32, #tpu.memory_space<vmem>>, vector<16xf32>,
    %broadcast_in_dim3A_251 = arith.constant 0.000000e+00 : f32
    %broadcast_in_dim3A_252 = vector.broadcast %broadcast_in_dim3A_251 : f32 to vector<16xf32>
    %swap3A_253 = arith.constant 672 : index
    %swap3A_254 = tpu.vector_load %arg6[%swap3A_253] {strides = array<i32>} : memref<1024xf32, #tpu.memory_space<vmem>>, vector<16xf32>,
    %swap3A_255 = vector.shape_cast %swap3A_254 : vector<16xf32> to vector<16xf32>
    %swap3A_256 = vector.shape_cast %broadcast_in_dim3A_252 : vector<16xf32> to vector<16xf32>
    tpu.vector_store %arg6[%swap3A_253], %swap3A_256 {strides = array<i32>} : memref<1024xf32, #tpu.memory_space<vmem>>, vector<16xf32>,
    %broadcast_in_dim3A_257 = arith.constant 0.000000e+00 : f32
    %broadcast_in_dim3A_258 = vector.broadcast %broadcast_in_dim3A_257 : f32 to vector<16xf32>
    %swap3A_259 = arith.constant 688 : index
    %swap3A_260 = tpu.vector_load %arg6[%swap3A_259] {strides = array<i32>} : memref<1024xf32, #tpu.memory_space<vmem>>, vector<16xf32>,
    %swap3A_261 = vector.shape_cast %swap3A_260 : vector<16xf32> to vector<16xf32>
    %swap3A_262 = vector.shape_cast %broadcast_in_dim3A_258 : vector<16xf32> to vector<16xf32>
    tpu.vector_store %arg6[%swap3A_259], %swap3A_262 {strides = array<i32>} : memref<1024xf32, #tpu.memory_space<vmem>>, vector<16xf32>,
    %broadcast_in_dim3A_263 = arith.constant 0.000000e+00 : f32
    %broadcast_in_dim3A_264 = vector.broadcast %broadcast_in_dim3A_263 : f32 to vector<16xf32>
    %swap3A_265 = arith.constant 704 : index
    %swap3A_266 = tpu.vector_load %arg6[%swap3A_265] {strides = array<i32>} : memref<1024xf32, #tpu.memory_space<vmem>>, vector<16xf32>,
    %swap3A_267 = vector.shape_cast %swap3A_266 : vector<16xf32> to vector<16xf32>
    %swap3A_268 = vector.shape_cast %broadcast_in_dim3A_264 : vector<16xf32> to vector<16xf32>
    tpu.vector_store %arg6[%swap3A_265], %swap3A_268 {strides = array<i32>} : memref<1024xf32, #tpu.memory_space<vmem>>, vector<16xf32>,
    %broadcast_in_dim3A_269 = arith.constant 0.000000e+00 : f32
    %broadcast_in_dim3A_270 = vector.broadcast %broadcast_in_dim3A_269 : f32 to vector<16xf32>
    %swap3A_271 = arith.constant 720 : index
    %swap3A_272 = tpu.vector_load %arg6[%swap3A_271] {strides = array<i32>} : memref<1024xf32, #tpu.memory_space<vmem>>, vector<16xf32>,
    %swap3A_273 = vector.shape_cast %swap3A_272 : vector<16xf32> to vector<16xf32>
    %swap3A_274 = vector.shape_cast %broadcast_in_dim3A_270 : vector<16xf32> to vector<16xf32>
    tpu.vector_store %arg6[%swap3A_271], %swap3A_274 {strides = array<i32>} : memref<1024xf32, #tpu.memory_space<vmem>>, vector<16xf32>,
    %broadcast_in_dim3A_275 = arith.constant 0.000000e+00 : f32
    %broadcast_in_dim3A_276 = vector.broadcast %broadcast_in_dim3A_275 : f32 to vector<16xf32>
    %swap3A_277 = arith.constant 736 : index
    %swap3A_278 = tpu.vector_load %arg6[%swap3A_277] {strides = array<i32>} : memref<1024xf32, #tpu.memory_space<vmem>>, vector<16xf32>,
    %swap3A_279 = vector.shape_cast %swap3A_278 : vector<16xf32> to vector<16xf32>
    %swap3A_280 = vector.shape_cast %broadcast_in_dim3A_276 : vector<16xf32> to vector<16xf32>
    tpu.vector_store %arg6[%swap3A_277], %swap3A_280 {strides = array<i32>} : memref<1024xf32, #tpu.memory_space<vmem>>, vector<16xf32>,
    %broadcast_in_dim3A_281 = arith.constant 0.000000e+00 : f32
    %broadcast_in_dim3A_282 = vector.broadcast %broadcast_in_dim3A_281 : f32 to vector<16xf32>
    %swap3A_283 = arith.constant 752 : index
    %swap3A_284 = tpu.vector_load %arg6[%swap3A_283] {strides = array<i32>} : memref<1024xf32, #tpu.memory_space<vmem>>, vector<16xf32>,
    %swap3A_285 = vector.shape_cast %swap3A_284 : vector<16xf32> to vector<16xf32>
    %swap3A_286 = vector.shape_cast %broadcast_in_dim3A_282 : vector<16xf32> to vector<16xf32>
    tpu.vector_store %arg6[%swap3A_283], %swap3A_286 {strides = array<i32>} : memref<1024xf32, #tpu.memory_space<vmem>>, vector<16xf32>,
    %broadcast_in_dim3A_287 = arith.constant 0.000000e+00 : f32
    %broadcast_in_dim3A_288 = vector.broadcast %broadcast_in_dim3A_287 : f32 to vector<16xf32>
    %swap3A_289 = arith.constant 768 : index
    %swap3A_290 = tpu.vector_load %arg6[%swap3A_289] {strides = array<i32>} : memref<1024xf32, #tpu.memory_space<vmem>>, vector<16xf32>,
    %swap3A_291 = vector.shape_cast %swap3A_290 : vector<16xf32> to vector<16xf32>
    %swap3A_292 = vector.shape_cast %broadcast_in_dim3A_288 : vector<16xf32> to vector<16xf32>
    tpu.vector_store %arg6[%swap3A_289], %swap3A_292 {strides = array<i32>} : memref<1024xf32, #tpu.memory_space<vmem>>, vector<16xf32>,
    %broadcast_in_dim3A_293 = arith.constant 0.000000e+00 : f32
    %broadcast_in_dim3A_294 = vector.broadcast %broadcast_in_dim3A_293 : f32 to vector<16xf32>
    %swap3A_295 = arith.constant 784 : index
    %swap3A_296 = tpu.vector_load %arg6[%swap3A_295] {strides = array<i32>} : memref<1024xf32, #tpu.memory_space<vmem>>, vector<16xf32>,
    %swap3A_297 = vector.shape_cast %swap3A_296 : vector<16xf32> to vector<16xf32>
    %swap3A_298 = vector.shape_cast %broadcast_in_dim3A_294 : vector<16xf32> to vector<16xf32>
    tpu.vector_store %arg6[%swap3A_295], %swap3A_298 {strides = array<i32>} : memref<1024xf32, #tpu.memory_space<vmem>>, vector<16xf32>,
    %broadcast_in_dim3A_299 = arith.constant 0.000000e+00 : f32
    %broadcast_in_dim3A_300 = vector.broadcast %broadcast_in_dim3A_299 : f32 to vector<16xf32>
    %swap3A_301 = arith.constant 800 : index
    %swap3A_302 = tpu.vector_load %arg6[%swap3A_301] {strides = array<i32>} : memref<1024xf32, #tpu.memory_space<vmem>>, vector<16xf32>,
    %swap3A_303 = vector.shape_cast %swap3A_302 : vector<16xf32> to vector<16xf32>
    %swap3A_304 = vector.shape_cast %broadcast_in_dim3A_300 : vector<16xf32> to vector<16xf32>
    tpu.vector_store %arg6[%swap3A_301], %swap3A_304 {strides = array<i32>} : memref<1024xf32, #tpu.memory_space<vmem>>, vector<16xf32>,
    %broadcast_in_dim3A_305 = arith.constant 0.000000e+00 : f32
    %broadcast_in_dim3A_306 = vector.broadcast %broadcast_in_dim3A_305 : f32 to vector<16xf32>
    %swap3A_307 = arith.constant 816 : index
    %swap3A_308 = tpu.vector_load %arg6[%swap3A_307] {strides = array<i32>} : memref<1024xf32, #tpu.memory_space<vmem>>, vector<16xf32>,
    %swap3A_309 = vector.shape_cast %swap3A_308 : vector<16xf32> to vector<16xf32>
    %swap3A_310 = vector.shape_cast %broadcast_in_dim3A_306 : vector<16xf32> to vector<16xf32>
    tpu.vector_store %arg6[%swap3A_307], %swap3A_310 {strides = array<i32>} : memref<1024xf32, #tpu.memory_space<vmem>>, vector<16xf32>,
    %broadcast_in_dim3A_311 = arith.constant 0.000000e+00 : f32
    %broadcast_in_dim3A_312 = vector.broadcast %broadcast_in_dim3A_311 : f32 to vector<16xf32>
    %swap3A_313 = arith.constant 832 : index
    %swap3A_314 = tpu.vector_load %arg6[%swap3A_313] {strides = array<i32>} : memref<1024xf32, #tpu.memory_space<vmem>>, vector<16xf32>,
    %swap3A_315 = vector.shape_cast %swap3A_314 : vector<16xf32> to vector<16xf32>
    %swap3A_316 = vector.shape_cast %broadcast_in_dim3A_312 : vector<16xf32> to vector<16xf32>
    tpu.vector_store %arg6[%swap3A_313], %swap3A_316 {strides = array<i32>} : memref<1024xf32, #tpu.memory_space<vmem>>, vector<16xf32>,
    %broadcast_in_dim3A_317 = arith.constant 0.000000e+00 : f32
    %broadcast_in_dim3A_318 = vector.broadcast %broadcast_in_dim3A_317 : f32 to vector<16xf32>
    %swap3A_319 = arith.constant 848 : index
    %swap3A_320 = tpu.vector_load %arg6[%swap3A_319] {strides = array<i32>} : memref<1024xf32, #tpu.memory_space<vmem>>, vector<16xf32>,
    %swap3A_321 = vector.shape_cast %swap3A_320 : vector<16xf32> to vector<16xf32>
    %swap3A_322 = vector.shape_cast %broadcast_in_dim3A_318 : vector<16xf32> to vector<16xf32>
    tpu.vector_store %arg6[%swap3A_319], %swap3A_322 {strides = array<i32>} : memref<1024xf32, #tpu.memory_space<vmem>>, vector<16xf32>,
    %broadcast_in_dim3A_323 = arith.constant 0.000000e+00 : f32
    %broadcast_in_dim3A_324 = vector.broadcast %broadcast_in_dim3A_323 : f32 to vector<16xf32>
    %swap3A_325 = arith.constant 864 : index
    %swap3A_326 = tpu.vector_load %arg6[%swap3A_325] {strides = array<i32>} : memref<1024xf32, #tpu.memory_space<vmem>>, vector<16xf32>,
    %swap3A_327 = vector.shape_cast %swap3A_326 : vector<16xf32> to vector<16xf32>
    %swap3A_328 = vector.shape_cast %broadcast_in_dim3A_324 : vector<16xf32> to vector<16xf32>
    tpu.vector_store %arg6[%swap3A_325], %swap3A_328 {strides = array<i32>} : memref<1024xf32, #tpu.memory_space<vmem>>, vector<16xf32>,
    %broadcast_in_dim3A_329 = arith.constant 0.000000e+00 : f32
    %broadcast_in_dim3A_330 = vector.broadcast %broadcast_in_dim3A_329 : f32 to vector<16xf32>
    %swap3A_331 = arith.constant 880 : index
    %swap3A_332 = tpu.vector_load %arg6[%swap3A_331] {strides = array<i32>} : memref<1024xf32, #tpu.memory_space<vmem>>, vector<16xf32>,
    %swap3A_333 = vector.shape_cast %swap3A_332 : vector<16xf32> to vector<16xf32>
    %swap3A_334 = vector.shape_cast %broadcast_in_dim3A_330 : vector<16xf32> to vector<16xf32>
    tpu.vector_store %arg6[%swap3A_331], %swap3A_334 {strides = array<i32>} : memref<1024xf32, #tpu.memory_space<vmem>>, vector<16xf32>,
    %broadcast_in_dim3A_335 = arith.constant 0.000000e+00 : f32
    %broadcast_in_dim3A_336 = vector.broadcast %broadcast_in_dim3A_335 : f32 to vector<16xf32>
    %swap3A_337 = arith.constant 896 : index
    %swap3A_338 = tpu.vector_load %arg6[%swap3A_337] {strides = array<i32>} : memref<1024xf32, #tpu.memory_space<vmem>>, vector<16xf32>,
    %swap3A_339 = vector.shape_cast %swap3A_338 : vector<16xf32> to vector<16xf32>
    %swap3A_340 = vector.shape_cast %broadcast_in_dim3A_336 : vector<16xf32> to vector<16xf32>
    tpu.vector_store %arg6[%swap3A_337], %swap3A_340 {strides = array<i32>} : memref<1024xf32, #tpu.memory_space<vmem>>, vector<16xf32>,
    %broadcast_in_dim3A_341 = arith.constant 0.000000e+00 : f32
    %broadcast_in_dim3A_342 = vector.broadcast %broadcast_in_dim3A_341 : f32 to vector<16xf32>
    %swap3A_343 = arith.constant 912 : index
    %swap3A_344 = tpu.vector_load %arg6[%swap3A_343] {strides = array<i32>} : memref<1024xf32, #tpu.memory_space<vmem>>, vector<16xf32>,
    %swap3A_345 = vector.shape_cast %swap3A_344 : vector<16xf32> to vector<16xf32>
    %swap3A_346 = vector.shape_cast %broadcast_in_dim3A_342 : vector<16xf32> to vector<16xf32>
    tpu.vector_store %arg6[%swap3A_343], %swap3A_346 {strides = array<i32>} : memref<1024xf32, #tpu.memory_space<vmem>>, vector<16xf32>,
    %broadcast_in_dim3A_347 = arith.constant 0.000000e+00 : f32
    %broadcast_in_dim3A_348 = vector.broadcast %broadcast_in_dim3A_347 : f32 to vector<16xf32>
    %swap3A_349 = arith.constant 928 : index
    %swap3A_350 = tpu.vector_load %arg6[%swap3A_349] {strides = array<i32>} : memref<1024xf32, #tpu.memory_space<vmem>>, vector<16xf32>,
    %swap3A_351 = vector.shape_cast %swap3A_350 : vector<16xf32> to vector<16xf32>
    %swap3A_352 = vector.shape_cast %broadcast_in_dim3A_348 : vector<16xf32> to vector<16xf32>
    tpu.vector_store %arg6[%swap3A_349], %swap3A_352 {strides = array<i32>} : memref<1024xf32, #tpu.memory_space<vmem>>, vector<16xf32>,
    %broadcast_in_dim3A_353 = arith.constant 0.000000e+00 : f32
    %broadcast_in_dim3A_354 = vector.broadcast %broadcast_in_dim3A_353 : f32 to vector<16xf32>
    %swap3A_355 = arith.constant 944 : index
    %swap3A_356 = tpu.vector_load %arg6[%swap3A_355] {strides = array<i32>} : memref<1024xf32, #tpu.memory_space<vmem>>, vector<16xf32>,
    %swap3A_357 = vector.shape_cast %swap3A_356 : vector<16xf32> to vector<16xf32>
    %swap3A_358 = vector.shape_cast %broadcast_in_dim3A_354 : vector<16xf32> to vector<16xf32>
    tpu.vector_store %arg6[%swap3A_355], %swap3A_358 {strides = array<i32>} : memref<1024xf32, #tpu.memory_space<vmem>>, vector<16xf32>,
    %broadcast_in_dim3A_359 = arith.constant 0.000000e+00 : f32
    %broadcast_in_dim3A_360 = vector.broadcast %broadcast_in_dim3A_359 : f32 to vector<16xf32>
    %swap3A_361 = arith.constant 960 : index
    %swap3A_362 = tpu.vector_load %arg6[%swap3A_361] {strides = array<i32>} : memref<1024xf32, #tpu.memory_space<vmem>>, vector<16xf32>,
    %swap3A_363 = vector.shape_cast %swap3A_362 : vector<16xf32> to vector<16xf32>
    %swap3A_364 = vector.shape_cast %broadcast_in_dim3A_360 : vector<16xf32> to vector<16xf32>
    tpu.vector_store %arg6[%swap3A_361], %swap3A_364 {strides = array<i32>} : memref<1024xf32, #tpu.memory_space<vmem>>, vector<16xf32>,
    %broadcast_in_dim3A_365 = arith.constant 0.000000e+00 : f32
    %broadcast_in_dim3A_366 = vector.broadcast %broadcast_in_dim3A_365 : f32 to vector<16xf32>
    %swap3A_367 = arith.constant 976 : index
    %swap3A_368 = tpu.vector_load %arg6[%swap3A_367] {strides = array<i32>} : memref<1024xf32, #tpu.memory_space<vmem>>, vector<16xf32>,
    %swap3A_369 = vector.shape_cast %swap3A_368 : vector<16xf32> to vector<16xf32>
    %swap3A_370 = vector.shape_cast %broadcast_in_dim3A_366 : vector<16xf32> to vector<16xf32>
    tpu.vector_store %arg6[%swap3A_367], %swap3A_370 {strides = array<i32>} : memref<1024xf32, #tpu.memory_space<vmem>>, vector<16xf32>,
    %broadcast_in_dim3A_371 = arith.constant 0.000000e+00 : f32
    %broadcast_in_dim3A_372 = vector.broadcast %broadcast_in_dim3A_371 : f32 to vector<16xf32>
    %swap3A_373 = arith.constant 992 : index
    %swap3A_374 = tpu.vector_load %arg6[%swap3A_373] {strides = array<i32>} : memref<1024xf32, #tpu.memory_space<vmem>>, vector<16xf32>,
    %swap3A_375 = vector.shape_cast %swap3A_374 : vector<16xf32> to vector<16xf32>
    %swap3A_376 = vector.shape_cast %broadcast_in_dim3A_372 : vector<16xf32> to vector<16xf32>
    tpu.vector_store %arg6[%swap3A_373], %swap3A_376 {strides = array<i32>} : memref<1024xf32, #tpu.memory_space<vmem>>, vector<16xf32>,
    %broadcast_in_dim3A_377 = arith.constant 0.000000e+00 : f32
    %broadcast_in_dim3A_378 = vector.broadcast %broadcast_in_dim3A_377 : f32 to vector<16xf32>
    %swap3A_379 = arith.constant 1008 : index
    %swap3A_380 = tpu.vector_load %arg6[%swap3A_379] {strides = array<i32>} : memref<1024xf32, #tpu.memory_space<vmem>>, vector<16xf32>,
    %swap3A_381 = vector.shape_cast %swap3A_380 : vector<16xf32> to vector<16xf32>
    %swap3A_382 = vector.shape_cast %broadcast_in_dim3A_378 : vector<16xf32> to vector<16xf32>
    tpu.vector_store %arg6[%swap3A_379], %swap3A_382 {strides = array<i32>} : memref<1024xf32, #tpu.memory_space<vmem>>, vector<16xf32>,
    %broadcast_in_dim3A_383 = arith.constant 1.000000e+00 : f32
    %broadcast_in_dim3A_384 = vector.broadcast %broadcast_in_dim3A_383 : f32 to vector<16xf32>
    %swap3A_385 = arith.constant 0 : index
    %swap3A_386 = tpu.vector_load %arg5[%swap3A_385] {strides = array<i32>} : memref<128xf32, #tpu.memory_space<vmem>>, vector<16xf32>,
    %swap3A_387 = vector.shape_cast %swap3A_386 : vector<16xf32> to vector<16xf32>
    %swap3A_388 = vector.shape_cast %broadcast_in_dim3A_384 : vector<16xf32> to vector<16xf32>
    tpu.vector_store %arg5[%swap3A_385], %swap3A_388 {strides = array<i32>} : memref<128xf32, #tpu.memory_space<vmem>>, vector<16xf32>,
    %broadcast_in_dim3A_389 = arith.constant 1.000000e+00 : f32
    %broadcast_in_dim3A_390 = vector.broadcast %broadcast_in_dim3A_389 : f32 to vector<16xf32>
    %swap3A_391 = arith.constant 16 : index
    %swap3A_392 = tpu.vector_load %arg5[%swap3A_391] {strides = array<i32>} : memref<128xf32, #tpu.memory_space<vmem>>, vector<16xf32>,
    %swap3A_393 = vector.shape_cast %swap3A_392 : vector<16xf32> to vector<16xf32>
    %swap3A_394 = vector.shape_cast %broadcast_in_dim3A_390 : vector<16xf32> to vector<16xf32>
    tpu.vector_store %arg5[%swap3A_391], %swap3A_394 {strides = array<i32>} : memref<128xf32, #tpu.memory_space<vmem>>, vector<16xf32>,
    %broadcast_in_dim3A_395 = arith.constant 1.000000e+00 : f32
    %broadcast_in_dim3A_396 = vector.broadcast %broadcast_in_dim3A_395 : f32 to vector<16xf32>
    %swap3A_397 = arith.constant 32 : index
    %swap3A_398 = tpu.vector_load %arg5[%swap3A_397] {strides = array<i32>} : memref<128xf32, #tpu.memory_space<vmem>>, vector<16xf32>,
    %swap3A_399 = vector.shape_cast %swap3A_398 : vector<16xf32> to vector<16xf32>
    %swap3A_400 = vector.shape_cast %broadcast_in_dim3A_396 : vector<16xf32> to vector<16xf32>
    tpu.vector_store %arg5[%swap3A_397], %swap3A_400 {strides = array<i32>} : memref<128xf32, #tpu.memory_space<vmem>>, vector<16xf32>,
    %broadcast_in_dim3A_401 = arith.constant 1.000000e+00 : f32
    %broadcast_in_dim3A_402 = vector.broadcast %broadcast_in_dim3A_401 : f32 to vector<16xf32>
    %swap3A_403 = arith.constant 48 : index
    %swap3A_404 = tpu.vector_load %arg5[%swap3A_403] {strides = array<i32>} : memref<128xf32, #tpu.memory_space<vmem>>, vector<16xf32>,
    %swap3A_405 = vector.shape_cast %swap3A_404 : vector<16xf32> to vector<16xf32>
    %swap3A_406 = vector.shape_cast %broadcast_in_dim3A_402 : vector<16xf32> to vector<16xf32>
    tpu.vector_store %arg5[%swap3A_403], %swap3A_406 {strides = array<i32>} : memref<128xf32, #tpu.memory_space<vmem>>, vector<16xf32>,
    %broadcast_in_dim3A_407 = arith.constant 1.000000e+00 : f32
    %broadcast_in_dim3A_408 = vector.broadcast %broadcast_in_dim3A_407 : f32 to vector<16xf32>
    %swap3A_409 = arith.constant 64 : index
    %swap3A_410 = tpu.vector_load %arg5[%swap3A_409] {strides = array<i32>} : memref<128xf32, #tpu.memory_space<vmem>>, vector<16xf32>,
    %swap3A_411 = vector.shape_cast %swap3A_410 : vector<16xf32> to vector<16xf32>
    %swap3A_412 = vector.shape_cast %broadcast_in_dim3A_408 : vector<16xf32> to vector<16xf32>
    tpu.vector_store %arg5[%swap3A_409], %swap3A_412 {strides = array<i32>} : memref<128xf32, #tpu.memory_space<vmem>>, vector<16xf32>,
    %broadcast_in_dim3A_413 = arith.constant 1.000000e+00 : f32
    %broadcast_in_dim3A_414 = vector.broadcast %broadcast_in_dim3A_413 : f32 to vector<16xf32>
    %swap3A_415 = arith.constant 80 : index
    %swap3A_416 = tpu.vector_load %arg5[%swap3A_415] {strides = array<i32>} : memref<128xf32, #tpu.memory_space<vmem>>, vector<16xf32>,
    %swap3A_417 = vector.shape_cast %swap3A_416 : vector<16xf32> to vector<16xf32>
    %swap3A_418 = vector.shape_cast %broadcast_in_dim3A_414 : vector<16xf32> to vector<16xf32>
    tpu.vector_store %arg5[%swap3A_415], %swap3A_418 {strides = array<i32>} : memref<128xf32, #tpu.memory_space<vmem>>, vector<16xf32>,
    %broadcast_in_dim3A_419 = arith.constant 1.000000e+00 : f32
    %broadcast_in_dim3A_420 = vector.broadcast %broadcast_in_dim3A_419 : f32 to vector<16xf32>
    %swap3A_421 = arith.constant 96 : index
    %swap3A_422 = tpu.vector_load %arg5[%swap3A_421] {strides = array<i32>} : memref<128xf32, #tpu.memory_space<vmem>>, vector<16xf32>,
    %swap3A_423 = vector.shape_cast %swap3A_422 : vector<16xf32> to vector<16xf32>
    %swap3A_424 = vector.shape_cast %broadcast_in_dim3A_420 : vector<16xf32> to vector<16xf32>
    tpu.vector_store %arg5[%swap3A_421], %swap3A_424 {strides = array<i32>} : memref<128xf32, #tpu.memory_space<vmem>>, vector<16xf32>,
    %broadcast_in_dim3A_425 = arith.constant 1.000000e+00 : f32
    %broadcast_in_dim3A_426 = vector.broadcast %broadcast_in_dim3A_425 : f32 to vector<16xf32>
    %swap3A_427 = arith.constant 112 : index
    %swap3A_428 = tpu.vector_load %arg5[%swap3A_427] {strides = array<i32>} : memref<128xf32, #tpu.memory_space<vmem>>, vector<16xf32>,
    %swap3A_429 = vector.shape_cast %swap3A_428 : vector<16xf32> to vector<16xf32>
    %swap3A_430 = vector.shape_cast %broadcast_in_dim3A_426 : vector<16xf32> to vector<16xf32>
    tpu.vector_store %arg5[%swap3A_427], %swap3A_430 {strides = array<i32>} : memref<128xf32, #tpu.memory_space<vmem>>, vector<16xf32>,
    %lt3A = arith.constant 10 : i32
    %lt3A_431 = arith.cmpi slt, %arg1, %lt3A : i32
    %convert_element_type3A = arith.extui %lt3A_431 : i1 to i32
    %cond3A = arith.constant 0 : i32
    %cond3A_432 = arith.cmpi ne, %convert_element_type3A, %cond3A : i32
    scf.if %cond3A_432 {
      %mul3A_444 = arith.constant 1000 : i32
      %mul3A_445 = arith.muli %arg1, %mul3A_444 : i32
      "tpu.region"() ({
        %run_scoped3A = tpu.sem_alloc : memref<!tpu.dma_semaphore, #tpu.memory_space<semaphore_mem>>
        %dma_start3A = arith.constant 0 : i32
        %dma_start3A_446 = tpu.memref_slice %arg6[%dma_start3A] : memref<1024xf32, #tpu.memory_space<vmem>> -> memref<1000xf32, #tpu.memory_space<vmem>>
        %dma_start3A_447 = tpu.memref_slice %arg7[%mul3A_445] : memref<10000xf32, #tpu.memory_space<vmem_shared>> -> memref<1000xf32, #tpu.memory_space<vmem_shared>>
        %dma_start3A_448 = tpu.memref_slice %arg7[%mul3A_445] : memref<10000xf32, #tpu.memory_space<vmem_shared>> -> memref<1000xf32, #tpu.memory_space<vmem_shared>>
        %dma_start3A_449 = arith.constant 0 : i32
        %dma_start3A_450 = tpu.memref_slice %arg6[%dma_start3A_449] : memref<1024xf32, #tpu.memory_space<vmem>> -> memref<1000xf32, #tpu.memory_space<vmem>>
        tpu.enqueue_dma source(%dma_start3A_450 : memref<1000xf32, #tpu.memory_space<vmem>>) target(%dma_start3A_448 : memref<1000xf32, #tpu.memory_space<vmem_shared>>) target_semaphore(%run_scoped3A : memref<!tpu.dma_semaphore, #tpu.memory_space<semaphore_mem>>)
        %dma_wait3A = arith.constant 0 : i32
        %dma_wait3A_451 = tpu.memref_slice %arg6[%dma_wait3A] : memref<1024xf32, #tpu.memory_space<vmem>> -> memref<1000xf32, #tpu.memory_space<vmem>>
        %dma_wait3A_452 = tpu.memref_slice %arg7[%mul3A_445] : memref<10000xf32, #tpu.memory_space<vmem_shared>> -> memref<1000xf32, #tpu.memory_space<vmem_shared>>
        %dma_wait3A_453 = tpu.memref_slice %arg7[%mul3A_445] : memref<10000xf32, #tpu.memory_space<vmem_shared>> -> memref<1000xf32, #tpu.memory_space<vmem_shared>>
        %dma_wait3A_454 = arith.constant 0 : i32
        %dma_wait3A_455 = tpu.memref_slice %arg6[%dma_wait3A_454] : memref<1024xf32, #tpu.memory_space<vmem>> -> memref<1000xf32, #tpu.memory_space<vmem>>
        tpu.wait_dma2 semaphore(%run_scoped3A : memref<!tpu.dma_semaphore, #tpu.memory_space<semaphore_mem>>) src(%dma_wait3A_455 : memref<1000xf32, #tpu.memory_space<vmem>>) dst(%dma_wait3A_453 : memref<1000xf32, #tpu.memory_space<vmem_shared>>)
        tpu.yield
      }) : () -> ()
    } else {
    }
    %barrier3A = arith.constant 0 : index
    tpu.barrier barrier_id(%barrier3A)
    %scan3A = arith.constant 0 : i32
    %scan3A_433 = arith.constant 0 : i32
    %scan3A_434 = arith.constant 5 : i32
    %scan3A_435 = arith.addi %scan3A_433, %scan3A_434 : i32
    %scan3A_436 = arith.constant 1 : i32
    scf.for %scan3A_444 = %scan3A_433 to %scan3A_435 step %scan3A_436  : i32 {
      %mul3A_445 = arith.constant 8 : i32
      %mul3A_446 = arith.muli %scan3A_444, %mul3A_445 : i32
      %multiple_of3A = tpu.assume_multiple %mul3A_446, 8 : i32
      "tpu.region"() ({
        %run_scoped3A = tpu.sem_alloc : memref<!tpu.dma_semaphore, #tpu.memory_space<semaphore_mem>>
        %dma_start3A = arith.constant 0 : i32
        %dma_start3A_452 = tpu.memref_slice %arg2[%add3A, %multiple_of3A, %dma_start3A] : memref<32x40x125xi32, #tpu.memory_space<hbm>> -> memref<1x8x125xi32, #tpu.memory_space<hbm>>
        %dma_start3A_453 = tpu.memref_squeeze %dma_start3A_452 : memref<1x8x125xi32, #tpu.memory_space<hbm>> -> memref<8x125xi32, #tpu.memory_space<hbm>>
        %dma_start3A_454 = arith.constant 0 : i32
        %dma_start3A_455 = tpu.memref_slice %arg2[%add3A, %multiple_of3A, %dma_start3A_454] : memref<32x40x125xi32, #tpu.memory_space<hbm>> -> memref<1x8x125xi32, #tpu.memory_space<hbm>>
        %dma_start3A_456 = tpu.memref_squeeze %dma_start3A_455 : memref<1x8x125xi32, #tpu.memory_space<hbm>> -> memref<8x125xi32, #tpu.memory_space<hbm>>
        tpu.enqueue_dma source(%dma_start3A_456 : memref<8x125xi32, #tpu.memory_space<hbm>>) target(%arg4 : memref<8x125xi32, #tpu.memory_space<vmem>>) target_semaphore(%run_scoped3A : memref<!tpu.dma_semaphore, #tpu.memory_space<semaphore_mem>>)
        %dma_wait3A = arith.constant 0 : i32
        %dma_wait3A_457 = tpu.memref_slice %arg2[%add3A, %multiple_of3A, %dma_wait3A] : memref<32x40x125xi32, #tpu.memory_space<hbm>> -> memref<1x8x125xi32, #tpu.memory_space<hbm>>
        %dma_wait3A_458 = tpu.memref_squeeze %dma_wait3A_457 : memref<1x8x125xi32, #tpu.memory_space<hbm>> -> memref<8x125xi32, #tpu.memory_space<hbm>>
        %dma_wait3A_459 = arith.constant 0 : i32
        %dma_wait3A_460 = tpu.memref_slice %arg2[%add3A, %multiple_of3A, %dma_wait3A_459] : memref<32x40x125xi32, #tpu.memory_space<hbm>> -> memref<1x8x125xi32, #tpu.memory_space<hbm>>
        %dma_wait3A_461 = tpu.memref_squeeze %dma_wait3A_460 : memref<1x8x125xi32, #tpu.memory_space<hbm>> -> memref<8x125xi32, #tpu.memory_space<hbm>>
        tpu.wait_dma2 semaphore(%run_scoped3A : memref<!tpu.dma_semaphore, #tpu.memory_space<semaphore_mem>>) src(%dma_wait3A_461 : memref<8x125xi32, #tpu.memory_space<hbm>>) dst(%arg4 : memref<8x125xi32, #tpu.memory_space<vmem>>)
        tpu.yield
      }) : () -> ()
      %scan3A_447 = arith.constant 0 : i32
      %scan3A_448 = arith.constant 8 : i32
      %scan3A_449 = arith.addi %scan3A_447, %scan3A_448 : i32
      %scan3A_450 = arith.constant 1 : i32
      scf.for %scan3A_452 = %scan3A_447 to %scan3A_449 step %scan3A_450  : i32 {
        "tpu.region"() ({
          %run_scoped3A = tpu.sem_alloc : memref<!tpu.dma_semaphore, #tpu.memory_space<semaphore_mem>>
          %dma_start3A = arith.constant 0 : i32
          %dma_start3A_453 = tpu.memref_slice %arg5[%dma_start3A] : memref<128xf32, #tpu.memory_space<vmem>> -> memref<125xf32, #tpu.memory_space<vmem>>
          %dma_start3A_454 = arith.constant 0 : i32
          %dma_start3A_455 = tpu.memref_slice %arg4[%scan3A_452, %dma_start3A_454] : memref<8x125xi32, #tpu.memory_space<vmem>> -> memref<1x125xi32, #tpu.memory_space<vmem>>
          %dma_start3A_456 = tpu.memref_squeeze %dma_start3A_455 : memref<1x125xi32, #tpu.memory_space<vmem>> -> memref<125xi32, #tpu.memory_space<vmem>>
          %dma_start3A_457 = arith.constant 0 : i32
          %dma_start3A_458 = tpu.memref_slice %arg7[%dma_start3A_457] : memref<10000xf32, #tpu.memory_space<vmem_shared>> -> memref<10000xf32, #tpu.memory_space<vmem_shared>>
          tpu.enqueue_indirect_dma source(%dma_start3A_453 : memref<125xf32, #tpu.memory_space<vmem>>) target(%dma_start3A_458 : memref<10000xf32, #tpu.memory_space<vmem_shared>>) offsets(%dma_start3A_456 : memref<125xi32, #tpu.memory_space<vmem>>) semaphore(%run_scoped3A : memref<!tpu.dma_semaphore, #tpu.memory_space<semaphore_mem>>) {add = true}
          %dma_wait3A = arith.constant 0 : i32
          %dma_wait3A_459 = tpu.memref_slice %arg5[%dma_wait3A] : memref<128xf32, #tpu.memory_space<vmem>> -> memref<125xf32, #tpu.memory_space<vmem>>
          %dma_wait3A_460 = arith.constant 0 : i32
          %dma_wait3A_461 = tpu.memref_slice %arg4[%scan3A_452, %dma_wait3A_460] : memref<8x125xi32, #tpu.memory_space<vmem>> -> memref<1x125xi32, #tpu.memory_space<vmem>>
          %dma_wait3A_462 = tpu.memref_squeeze %dma_wait3A_461 : memref<1x125xi32, #tpu.memory_space<vmem>> -> memref<125xi32, #tpu.memory_space<vmem>>
          %dma_wait3A_463 = arith.constant 0 : i32
          %dma_wait3A_464 = tpu.memref_slice %arg7[%dma_wait3A_463] : memref<10000xf32, #tpu.memory_space<vmem_shared>> -> memref<10000xf32, #tpu.memory_space<vmem_shared>>
          tpu.wait_indirect_dma semaphore(%run_scoped3A : memref<!tpu.dma_semaphore, #tpu.memory_space<semaphore_mem>>) src(%dma_wait3A_459 : memref<125xf32, #tpu.memory_space<vmem>>) dst(%dma_wait3A_464 : memref<10000xf32, #tpu.memory_space<vmem_shared>>)
          tpu.yield
        }) : () -> ()
      }
      %scan3A_451 = arith.constant 8 : i32
    }
    %scan3A_437 = arith.constant 5 : i32
    %barrier3A_438 = arith.constant 0 : index
    tpu.barrier barrier_id(%barrier3A_438)
    %lt3A_439 = arith.constant 10 : i32
    %lt3A_440 = arith.cmpi slt, %arg1, %lt3A_439 : i32
    %convert_element_type3A_441 = arith.extui %lt3A_440 : i1 to i32
    %cond3A_442 = arith.constant 0 : i32
    %cond3A_443 = arith.cmpi ne, %convert_element_type3A_441, %cond3A_442 : i32
    scf.if %cond3A_443 {
      %mul3A_444 = arith.constant 1000 : i32
      %mul3A_445 = arith.muli %arg1, %mul3A_444 : i32
      "tpu.region"() ({
        %run_scoped3A = tpu.sem_alloc : memref<!tpu.dma_semaphore, #tpu.memory_space<semaphore_mem>>
        %dma_start3A = arith.constant 0 : i32
        %dma_start3A_451 = tpu.memref_slice %arg6[%dma_start3A] : memref<1024xf32, #tpu.memory_space<vmem>> -> memref<1000xf32, #tpu.memory_space<vmem>>
        %dma_start3A_452 = tpu.memref_slice %arg7[%mul3A_445] : memref<10000xf32, #tpu.memory_space<vmem_shared>> -> memref<1000xf32, #tpu.memory_space<vmem_shared>>
        %dma_start3A_453 = arith.constant 0 : i32
        %dma_start3A_454 = tpu.memref_slice %arg6[%dma_start3A_453] : memref<1024xf32, #tpu.memory_space<vmem>> -> memref<1000xf32, #tpu.memory_space<vmem>>
        %dma_start3A_455 = tpu.memref_slice %arg7[%mul3A_445] : memref<10000xf32, #tpu.memory_space<vmem_shared>> -> memref<1000xf32, #tpu.memory_space<vmem_shared>>
        tpu.enqueue_dma source(%dma_start3A_455 : memref<1000xf32, #tpu.memory_space<vmem_shared>>) target(%dma_start3A_454 : memref<1000xf32, #tpu.memory_space<vmem>>) target_semaphore(%run_scoped3A : memref<!tpu.dma_semaphore, #tpu.memory_space<semaphore_mem>>)
        %dma_wait3A = arith.constant 0 : i32
        %dma_wait3A_456 = tpu.memref_slice %arg6[%dma_wait3A] : memref<1024xf32, #tpu.memory_space<vmem>> -> memref<1000xf32, #tpu.memory_space<vmem>>
        %dma_wait3A_457 = tpu.memref_slice %arg7[%mul3A_445] : memref<10000xf32, #tpu.memory_space<vmem_shared>> -> memref<1000xf32, #tpu.memory_space<vmem_shared>>
        %dma_wait3A_458 = arith.constant 0 : i32
        %dma_wait3A_459 = tpu.memref_slice %arg6[%dma_wait3A_458] : memref<1024xf32, #tpu.memory_space<vmem>> -> memref<1000xf32, #tpu.memory_space<vmem>>
        %dma_wait3A_460 = tpu.memref_slice %arg7[%mul3A_445] : memref<10000xf32, #tpu.memory_space<vmem_shared>> -> memref<1000xf32, #tpu.memory_space<vmem_shared>>
        tpu.wait_dma2 semaphore(%run_scoped3A : memref<!tpu.dma_semaphore, #tpu.memory_space<semaphore_mem>>) src(%dma_wait3A_460 : memref<1000xf32, #tpu.memory_space<vmem_shared>>) dst(%dma_wait3A_459 : memref<1000xf32, #tpu.memory_space<vmem>>)
        tpu.yield
      }) : () -> ()
      %mul3A_446 = arith.constant 10000 : i32
      %mul3A_447 = arith.muli %arg0, %mul3A_446 : i32
      %mul3A_448 = arith.constant 1000 : i32
      %mul3A_449 = arith.muli %arg1, %mul3A_448 : i32
      %add3A_450 = arith.addi %mul3A_447, %mul3A_449 : i32
      "tpu.region"() ({
        %run_scoped3A = tpu.sem_alloc : memref<!tpu.dma_semaphore, #tpu.memory_space<semaphore_mem>>
        %dma_start3A = arith.constant 0 : i32
        %dma_start3A_451 = tpu.memref_slice %arg6[%dma_start3A] : memref<1024xf32, #tpu.memory_space<vmem>> -> memref<1000xf32, #tpu.memory_space<vmem>>
        %dma_start3A_452 = tpu.memref_slice %arg3[%add3A_450] : memref<20000xf32, #tpu.memory_space<hbm>> -> memref<1000xf32, #tpu.memory_space<hbm>>
        %dma_start3A_453 = tpu.memref_slice %arg3[%add3A_450] : memref<20000xf32, #tpu.memory_space<hbm>> -> memref<1000xf32, #tpu.memory_space<hbm>>
        %dma_start3A_454 = arith.constant 0 : i32
        %dma_start3A_455 = tpu.memref_slice %arg6[%dma_start3A_454] : memref<1024xf32, #tpu.memory_space<vmem>> -> memref<1000xf32, #tpu.memory_space<vmem>>
        tpu.enqueue_dma source(%dma_start3A_455 : memref<1000xf32, #tpu.memory_space<vmem>>) target(%dma_start3A_453 : memref<1000xf32, #tpu.memory_space<hbm>>) target_semaphore(%run_scoped3A : memref<!tpu.dma_semaphore, #tpu.memory_space<semaphore_mem>>)
        %dma_wait3A = arith.constant 0 : i32
        %dma_wait3A_456 = tpu.memref_slice %arg6[%dma_wait3A] : memref<1024xf32, #tpu.memory_space<vmem>> -> memref<1000xf32, #tpu.memory_space<vmem>>
        %dma_wait3A_457 = tpu.memref_slice %arg3[%add3A_450] : memref<20000xf32, #tpu.memory_space<hbm>> -> memref<1000xf32, #tpu.memory_space<hbm>>
        %dma_wait3A_458 = tpu.memref_slice %arg3[%add3A_450] : memref<20000xf32, #tpu.memory_space<hbm>> -> memref<1000xf32, #tpu.memory_space<hbm>>
        %dma_wait3A_459 = arith.constant 0 : i32
        %dma_wait3A_460 = tpu.memref_slice %arg6[%dma_wait3A_459] : memref<1024xf32, #tpu.memory_space<vmem>> -> memref<1000xf32, #tpu.memory_space<vmem>>
        tpu.wait_dma2 semaphore(%run_scoped3A : memref<!tpu.dma_semaphore, #tpu.memory_space<semaphore_mem>>) src(%dma_wait3A_460 : memref<1000xf32, #tpu.memory_space<vmem>>) dst(%dma_wait3A_458 : memref<1000xf32, #tpu.memory_space<hbm>>)
        tpu.yield
      }) : () -> ()
    } else {
    }
    return
  }
}

#map = affine_map<(d0, d1) -> (0, 0)>
#map1 = affine_map<(d0, d1) -> (0, 0, 0, 0, 0)>
#map2 = affine_map<(d0, d1) -> (0, 0, 0, 0)>
module attributes {stable_mosaic.version = 14 : i64} {
  func.func @_scatter(%arg0: i32, %arg1: i32, %arg2: memref<20000x128xf32, #tpu.memory_space<hbm>>, %arg3: memref<2x16x4x20x128xi32, #tpu.memory_space<hbm>>, %arg4: memref<16x4x20x128xi32, #tpu.memory_space<hbm>>, %arg5: memref<40x128xf32, #tpu.memory_space<hbm>>, %arg6: memref<20000x128xf32, #tpu.memory_space<hbm>>, %arg7: memref<20x128xi32, #tpu.memory_space<vmem>>, %arg8: memref<20x128xi32, #tpu.memory_space<vmem>>, %arg9: memref<128x128xf32, #tpu.memory_space<vmem>>, %arg10: memref<128x128xf32, #tpu.memory_space<vmem>>, %arg11: memref<128x128xf32, #tpu.memory_space<vmem>>, %arg12: memref<128x128xf32, #tpu.memory_space<vmem>>, %arg13: memref<10008x128xf32, #tpu.memory_space<vmem_shared>>, %arg14: memref<!tpu.dma_semaphore, #tpu.memory_space<semaphore_mem>>, %arg15: memref<!tpu.dma_semaphore, #tpu.memory_space<semaphore_mem>>, %arg16: memref<!tpu.dma_semaphore, #tpu.memory_space<semaphore_mem>>, %arg17: memref<!tpu.dma_semaphore, #tpu.memory_space<semaphore_mem>>, %arg18: memref<!tpu.dma_semaphore, #tpu.memory_space<semaphore_mem>>, %arg19: memref<!tpu.dma_semaphore, #tpu.memory_space<semaphore_mem>>, %arg20: memref<!tpu.dma_semaphore, #tpu.memory_space<semaphore_mem>>, %arg21: memref<!tpu.dma_semaphore, #tpu.memory_space<semaphore_mem>>) attributes {dimension_semantics = [#tpu.dimension_semantics<core_parallel>, #tpu.dimension_semantics<subcore_parallel>], iteration_bounds = array<i64: 2, 16>, scalar_prefetch = 0 : i64, scratch_operands = 15 : i64, tpu.core_type = #tpu.core_type<sc_vector_subcore>, window_params = [{transform_indices = #map}, {transform_indices = #map1}, {transform_indices = #map2}, {transform_indices = #map}, {transform_indices = #map}]} {
    "tpu.region"() ({
      %run_scoped3A = tpu.sem_alloc : memref<!tpu.dma_semaphore, #tpu.memory_space<semaphore_mem>>
      %dma_start3A = arith.constant 0 : i32
      %dma_start3A_13 = arith.constant 0 : i32
      %dma_start3A_14 = tpu.memref_slice %arg9[%dma_start3A, %dma_start3A_13] : memref<128x128xf32, #tpu.memory_space<vmem>> -> memref<40x128xf32, #tpu.memory_space<vmem>>
      %dma_start3A_15 = arith.constant 0 : i32
      %dma_start3A_16 = arith.constant 0 : i32
      %dma_start3A_17 = tpu.memref_slice %arg9[%dma_start3A_15, %dma_start3A_16] : memref<128x128xf32, #tpu.memory_space<vmem>> -> memref<40x128xf32, #tpu.memory_space<vmem>>
      tpu.enqueue_dma source(%arg5 : memref<40x128xf32, #tpu.memory_space<hbm>>) target(%dma_start3A_17 : memref<40x128xf32, #tpu.memory_space<vmem>>) target_semaphore(%run_scoped3A : memref<!tpu.dma_semaphore, #tpu.memory_space<semaphore_mem>>)
      %dma_wait3A = arith.constant 0 : i32
      %dma_wait3A_18 = arith.constant 0 : i32
      %dma_wait3A_19 = tpu.memref_slice %arg9[%dma_wait3A, %dma_wait3A_18] : memref<128x128xf32, #tpu.memory_space<vmem>> -> memref<40x128xf32, #tpu.memory_space<vmem>>
      %dma_wait3A_20 = arith.constant 0 : i32
      %dma_wait3A_21 = arith.constant 0 : i32
      %dma_wait3A_22 = tpu.memref_slice %arg9[%dma_wait3A_20, %dma_wait3A_21] : memref<128x128xf32, #tpu.memory_space<vmem>> -> memref<40x128xf32, #tpu.memory_space<vmem>>
      tpu.wait_dma2 semaphore(%run_scoped3A : memref<!tpu.dma_semaphore, #tpu.memory_space<semaphore_mem>>) src(%arg5 : memref<40x128xf32, #tpu.memory_space<hbm>>) dst(%dma_wait3A_22 : memref<40x128xf32, #tpu.memory_space<vmem>>)
      tpu.yield
    }) : () -> ()
    %lt3A = arith.constant 10 : i32
    %lt3A_0 = arith.cmpi slt, %arg1, %lt3A : i32
    %convert_element_type3A = arith.extui %lt3A_0 : i1 to i32
    %cond3A = arith.constant 0 : i32
    %cond3A_1 = arith.cmpi ne, %convert_element_type3A, %cond3A : i32
    scf.if %cond3A_1 {
      %scan3A_13 = arith.constant 0 : i32
      %scan3A_14 = arith.constant 0 : i32
      %scan3A_15 = arith.constant 25 : i32
      %scan3A_16 = arith.addi %scan3A_14, %scan3A_15 : i32
      %scan3A_17 = arith.constant 1 : i32
      scf.for %scan3A_19 = %scan3A_14 to %scan3A_16 step %scan3A_17  : i32 {
        %mul3A = arith.constant 1000 : i32
        %mul3A_20 = arith.muli %arg1, %mul3A : i32
        %mul3A_21 = arith.constant 40 : i32
        %mul3A_22 = arith.muli %scan3A_19, %mul3A_21 : i32
        %add3A = arith.addi %mul3A_20, %mul3A_22 : i32
        "tpu.region"() ({
          %run_scoped3A = tpu.sem_alloc : memref<!tpu.dma_semaphore, #tpu.memory_space<semaphore_mem>>
          %dma_start3A = arith.constant 0 : i32
          %dma_start3A_23 = arith.constant 0 : i32
          %dma_start3A_24 = tpu.memref_slice %arg9[%dma_start3A, %dma_start3A_23] : memref<128x128xf32, #tpu.memory_space<vmem>> -> memref<40x128xf32, #tpu.memory_space<vmem>>
          %dma_start3A_25 = arith.constant 0 : i32
          %dma_start3A_26 = tpu.memref_slice %arg13[%add3A, %dma_start3A_25] : memref<10008x128xf32, #tpu.memory_space<vmem_shared>> -> memref<40x128xf32, #tpu.memory_space<vmem_shared>>
          %dma_start3A_27 = arith.constant 0 : i32
          %dma_start3A_28 = tpu.memref_slice %arg13[%add3A, %dma_start3A_27] : memref<10008x128xf32, #tpu.memory_space<vmem_shared>> -> memref<40x128xf32, #tpu.memory_space<vmem_shared>>
          %dma_start3A_29 = arith.constant 0 : i32
          %dma_start3A_30 = arith.constant 0 : i32
          %dma_start3A_31 = tpu.memref_slice %arg9[%dma_start3A_29, %dma_start3A_30] : memref<128x128xf32, #tpu.memory_space<vmem>> -> memref<40x128xf32, #tpu.memory_space<vmem>>
          tpu.enqueue_dma source(%dma_start3A_31 : memref<40x128xf32, #tpu.memory_space<vmem>>) target(%dma_start3A_28 : memref<40x128xf32, #tpu.memory_space<vmem_shared>>) target_semaphore(%run_scoped3A : memref<!tpu.dma_semaphore, #tpu.memory_space<semaphore_mem>>)
          %dma_wait3A = arith.constant 0 : i32
          %dma_wait3A_32 = arith.constant 0 : i32
          %dma_wait3A_33 = tpu.memref_slice %arg9[%dma_wait3A, %dma_wait3A_32] : memref<128x128xf32, #tpu.memory_space<vmem>> -> memref<40x128xf32, #tpu.memory_space<vmem>>
          %dma_wait3A_34 = arith.constant 0 : i32
          %dma_wait3A_35 = tpu.memref_slice %arg13[%add3A, %dma_wait3A_34] : memref<10008x128xf32, #tpu.memory_space<vmem_shared>> -> memref<40x128xf32, #tpu.memory_space<vmem_shared>>
          %dma_wait3A_36 = arith.constant 0 : i32
          %dma_wait3A_37 = tpu.memref_slice %arg13[%add3A, %dma_wait3A_36] : memref<10008x128xf32, #tpu.memory_space<vmem_shared>> -> memref<40x128xf32, #tpu.memory_space<vmem_shared>>
          %dma_wait3A_38 = arith.constant 0 : i32
          %dma_wait3A_39 = arith.constant 0 : i32
          %dma_wait3A_40 = tpu.memref_slice %arg9[%dma_wait3A_38, %dma_wait3A_39] : memref<128x128xf32, #tpu.memory_space<vmem>> -> memref<40x128xf32, #tpu.memory_space<vmem>>
          tpu.wait_dma2 semaphore(%run_scoped3A : memref<!tpu.dma_semaphore, #tpu.memory_space<semaphore_mem>>) src(%dma_wait3A_40 : memref<40x128xf32, #tpu.memory_space<vmem>>) dst(%dma_wait3A_37 : memref<40x128xf32, #tpu.memory_space<vmem_shared>>)
          tpu.yield
        }) : () -> ()
      }
      %scan3A_18 = arith.constant 25 : i32
    } else {
    }
    %barrier3A = arith.constant 0 : index
    tpu.barrier barrier_id(%barrier3A)
    %scan3A = arith.constant 0 : i32
    %scan3A_2 = arith.constant 0 : i32
    %scan3A_3 = arith.constant 4 : i32
    %scan3A_4 = arith.addi %scan3A_2, %scan3A_3 : i32
    %scan3A_5 = arith.constant 1 : i32
    scf.for %scan3A_13 = %scan3A_2 to %scan3A_4 step %scan3A_5  : i32 {
      "tpu.region"() ({
        %run_scoped3A = tpu.sem_alloc : memref<!tpu.dma_semaphore, #tpu.memory_space<semaphore_mem>>
        %dma_start3A_36 = arith.constant 0 : i32
        %dma_start3A_37 = arith.constant 0 : i32
        %dma_start3A_38 = tpu.memref_slice %arg3[%arg0, %arg1, %scan3A_13, %dma_start3A_36, %dma_start3A_37] : memref<2x16x4x20x128xi32, #tpu.memory_space<hbm>> -> memref<1x1x1x20x128xi32, #tpu.memory_space<hbm>>
        %dma_start3A_39 = tpu.memref_squeeze %dma_start3A_38 : memref<1x1x1x20x128xi32, #tpu.memory_space<hbm>> -> memref<20x128xi32, #tpu.memory_space<hbm>>
        %dma_start3A_40 = arith.constant 0 : i32
        %dma_start3A_41 = arith.constant 0 : i32
        %dma_start3A_42 = tpu.memref_slice %arg3[%arg0, %arg1, %scan3A_13, %dma_start3A_40, %dma_start3A_41] : memref<2x16x4x20x128xi32, #tpu.memory_space<hbm>> -> memref<1x1x1x20x128xi32, #tpu.memory_space<hbm>>
        %dma_start3A_43 = tpu.memref_squeeze %dma_start3A_42 : memref<1x1x1x20x128xi32, #tpu.memory_space<hbm>> -> memref<20x128xi32, #tpu.memory_space<hbm>>
        tpu.enqueue_dma source(%dma_start3A_43 : memref<20x128xi32, #tpu.memory_space<hbm>>) target(%arg7 : memref<20x128xi32, #tpu.memory_space<vmem>>) target_semaphore(%run_scoped3A : memref<!tpu.dma_semaphore, #tpu.memory_space<semaphore_mem>>)
        %dma_wait3A_44 = arith.constant 0 : i32
        %dma_wait3A_45 = arith.constant 0 : i32
        %dma_wait3A_46 = tpu.memref_slice %arg3[%arg0, %arg1, %scan3A_13, %dma_wait3A_44, %dma_wait3A_45] : memref<2x16x4x20x128xi32, #tpu.memory_space<hbm>> -> memref<1x1x1x20x128xi32, #tpu.memory_space<hbm>>
        %dma_wait3A_47 = tpu.memref_squeeze %dma_wait3A_46 : memref<1x1x1x20x128xi32, #tpu.memory_space<hbm>> -> memref<20x128xi32, #tpu.memory_space<hbm>>
        %dma_wait3A_48 = arith.constant 0 : i32
        %dma_wait3A_49 = arith.constant 0 : i32
        %dma_wait3A_50 = tpu.memref_slice %arg3[%arg0, %arg1, %scan3A_13, %dma_wait3A_48, %dma_wait3A_49] : memref<2x16x4x20x128xi32, #tpu.memory_space<hbm>> -> memref<1x1x1x20x128xi32, #tpu.memory_space<hbm>>
        %dma_wait3A_51 = tpu.memref_squeeze %dma_wait3A_50 : memref<1x1x1x20x128xi32, #tpu.memory_space<hbm>> -> memref<20x128xi32, #tpu.memory_space<hbm>>
        tpu.wait_dma2 semaphore(%run_scoped3A : memref<!tpu.dma_semaphore, #tpu.memory_space<semaphore_mem>>) src(%dma_wait3A_51 : memref<20x128xi32, #tpu.memory_space<hbm>>) dst(%arg7 : memref<20x128xi32, #tpu.memory_space<vmem>>)
        tpu.yield
      }) : () -> ()
      "tpu.region"() ({
        %run_scoped3A = tpu.sem_alloc : memref<!tpu.dma_semaphore, #tpu.memory_space<semaphore_mem>>
        %dma_start3A_36 = arith.constant 0 : i32
        %dma_start3A_37 = arith.constant 0 : i32
        %dma_start3A_38 = tpu.memref_slice %arg4[%arg1, %scan3A_13, %dma_start3A_36, %dma_start3A_37] : memref<16x4x20x128xi32, #tpu.memory_space<hbm>> -> memref<1x1x20x128xi32, #tpu.memory_space<hbm>>
        %dma_start3A_39 = tpu.memref_squeeze %dma_start3A_38 : memref<1x1x20x128xi32, #tpu.memory_space<hbm>> -> memref<20x128xi32, #tpu.memory_space<hbm>>
        %dma_start3A_40 = arith.constant 0 : i32
        %dma_start3A_41 = arith.constant 0 : i32
        %dma_start3A_42 = tpu.memref_slice %arg4[%arg1, %scan3A_13, %dma_start3A_40, %dma_start3A_41] : memref<16x4x20x128xi32, #tpu.memory_space<hbm>> -> memref<1x1x20x128xi32, #tpu.memory_space<hbm>>
        %dma_start3A_43 = tpu.memref_squeeze %dma_start3A_42 : memref<1x1x20x128xi32, #tpu.memory_space<hbm>> -> memref<20x128xi32, #tpu.memory_space<hbm>>
        tpu.enqueue_dma source(%dma_start3A_43 : memref<20x128xi32, #tpu.memory_space<hbm>>) target(%arg8 : memref<20x128xi32, #tpu.memory_space<vmem>>) target_semaphore(%run_scoped3A : memref<!tpu.dma_semaphore, #tpu.memory_space<semaphore_mem>>)
        %dma_wait3A_44 = arith.constant 0 : i32
        %dma_wait3A_45 = arith.constant 0 : i32
        %dma_wait3A_46 = tpu.memref_slice %arg4[%arg1, %scan3A_13, %dma_wait3A_44, %dma_wait3A_45] : memref<16x4x20x128xi32, #tpu.memory_space<hbm>> -> memref<1x1x20x128xi32, #tpu.memory_space<hbm>>
        %dma_wait3A_47 = tpu.memref_squeeze %dma_wait3A_46 : memref<1x1x20x128xi32, #tpu.memory_space<hbm>> -> memref<20x128xi32, #tpu.memory_space<hbm>>
        %dma_wait3A_48 = arith.constant 0 : i32
        %dma_wait3A_49 = arith.constant 0 : i32
        %dma_wait3A_50 = tpu.memref_slice %arg4[%arg1, %scan3A_13, %dma_wait3A_48, %dma_wait3A_49] : memref<16x4x20x128xi32, #tpu.memory_space<hbm>> -> memref<1x1x20x128xi32, #tpu.memory_space<hbm>>
        %dma_wait3A_51 = tpu.memref_squeeze %dma_wait3A_50 : memref<1x1x20x128xi32, #tpu.memory_space<hbm>> -> memref<20x128xi32, #tpu.memory_space<hbm>>
        tpu.wait_dma2 semaphore(%run_scoped3A : memref<!tpu.dma_semaphore, #tpu.memory_space<semaphore_mem>>) src(%dma_wait3A_51 : memref<20x128xi32, #tpu.memory_space<hbm>>) dst(%arg8 : memref<20x128xi32, #tpu.memory_space<vmem>>)
        tpu.yield
      }) : () -> ()
      %dma_start3A = arith.constant 0 : i32
      %dma_start3A_14 = arith.constant 0 : i32
      %dma_start3A_15 = tpu.memref_slice %arg7[%dma_start3A, %dma_start3A_14] : memref<20x128xi32, #tpu.memory_space<vmem>> -> memref<1x128xi32, #tpu.memory_space<vmem>>
      %dma_start3A_16 = tpu.memref_squeeze %dma_start3A_15 : memref<1x128xi32, #tpu.memory_space<vmem>> -> memref<128xi32, #tpu.memory_space<vmem>>
      %dma_start3A_17 = arith.constant 0 : i32
      %dma_start3A_18 = arith.constant 0 : i32
      %dma_start3A_19 = tpu.memref_slice %arg2[%dma_start3A_17, %dma_start3A_18] : memref<20000x128xf32, #tpu.memory_space<hbm>> -> memref<20000x128xf32, #tpu.memory_space<hbm>>
      tpu.enqueue_indirect_dma source(%dma_start3A_19 : memref<20000x128xf32, #tpu.memory_space<hbm>>) target(%arg9 : memref<128x128xf32, #tpu.memory_space<vmem>>) offsets(%dma_start3A_16 : memref<128xi32, #tpu.memory_space<vmem>>) semaphore(%arg14 : memref<!tpu.dma_semaphore, #tpu.memory_space<semaphore_mem>>)
      %scan3A_20 = arith.constant 0 : i32
      %scan3A_21 = arith.constant 10 : i32
      %scan3A_22 = arith.addi %scan3A_20, %scan3A_21 : i32
      %scan3A_23 = arith.constant 1 : i32
      scf.for %scan3A_36 = %scan3A_20 to %scan3A_22 step %scan3A_23  : i32 {
        %mul3A = arith.constant 2 : i32
        %mul3A_37 = arith.muli %scan3A_36, %mul3A : i32
        %add3A = arith.constant 0 : i32
        %add3A_38 = arith.addi %mul3A_37, %add3A : i32
        %dma_wait3A_39 = arith.constant 0 : i32
        %dma_wait3A_40 = arith.constant 0 : i32
        %dma_wait3A_41 = tpu.memref_slice %arg2[%dma_wait3A_39, %dma_wait3A_40] : memref<20000x128xf32, #tpu.memory_space<hbm>> -> memref<128x128xf32, #tpu.memory_space<hbm>>
        %dma_wait3A_42 = arith.constant 0 : i32
        %dma_wait3A_43 = arith.constant 0 : i32
        %dma_wait3A_44 = tpu.memref_slice %arg2[%dma_wait3A_42, %dma_wait3A_43] : memref<20000x128xf32, #tpu.memory_space<hbm>> -> memref<128x128xf32, #tpu.memory_space<hbm>>
        tpu.wait_dma2 semaphore(%arg14 : memref<!tpu.dma_semaphore, #tpu.memory_space<semaphore_mem>>) src(%dma_wait3A_44 : memref<128x128xf32, #tpu.memory_space<hbm>>) dst(%arg9 : memref<128x128xf32, #tpu.memory_space<vmem>>)
        %dma_start3A_45 = arith.constant 0 : i32
        %dma_start3A_46 = tpu.memref_slice %arg8[%add3A_38, %dma_start3A_45] : memref<20x128xi32, #tpu.memory_space<vmem>> -> memref<1x128xi32, #tpu.memory_space<vmem>>
        %dma_start3A_47 = tpu.memref_squeeze %dma_start3A_46 : memref<1x128xi32, #tpu.memory_space<vmem>> -> memref<128xi32, #tpu.memory_space<vmem>>
        %dma_start3A_48 = arith.constant 0 : i32
        %dma_start3A_49 = arith.constant 0 : i32
        %dma_start3A_50 = tpu.memref_slice %arg13[%dma_start3A_48, %dma_start3A_49] : memref<10008x128xf32, #tpu.memory_space<vmem_shared>> -> memref<10008x128xf32, #tpu.memory_space<vmem_shared>>
        tpu.enqueue_indirect_dma source(%arg9 : memref<128x128xf32, #tpu.memory_space<vmem>>) target(%dma_start3A_50 : memref<10008x128xf32, #tpu.memory_space<vmem_shared>>) offsets(%dma_start3A_47 : memref<128xi32, #tpu.memory_space<vmem>>) semaphore(%arg18 : memref<!tpu.dma_semaphore, #tpu.memory_space<semaphore_mem>>) {add = true}
        %add3A_51 = arith.constant 2 : i32
        %add3A_52 = arith.addi %add3A_38, %add3A_51 : i32
        %sub3A = arith.constant 1 : i32
        %sub3A_53 = arith.subi %add3A_52, %sub3A : i32
        %ge3A = arith.constant 1 : i32
        %ge3A_54 = arith.cmpi sge, %add3A_38, %ge3A : i32
        %lt3A_55 = arith.constant 20 : i32
        %lt3A_56 = arith.cmpi slt, %sub3A_53, %lt3A_55 : i32
        %and3A = arith.andi %ge3A_54, %lt3A_56 : i1
        %convert_element_type3A_57 = arith.extui %and3A : i1 to i32
        %cond3A_58 = arith.constant 0 : i32
        %cond3A_59 = arith.cmpi ne, %convert_element_type3A_57, %cond3A_58 : i32
        scf.if %cond3A_59 {
          %dma_wait3A_96 = arith.constant 0 : i32
          %dma_wait3A_97 = arith.constant 0 : i32
          %dma_wait3A_98 = tpu.memref_slice %arg13[%dma_wait3A_96, %dma_wait3A_97] : memref<10008x128xf32, #tpu.memory_space<vmem_shared>> -> memref<128x128xf32, #tpu.memory_space<vmem_shared>>
          %dma_wait3A_99 = arith.constant 0 : i32
          %dma_wait3A_100 = arith.constant 0 : i32
          %dma_wait3A_101 = tpu.memref_slice %arg13[%dma_wait3A_99, %dma_wait3A_100] : memref<10008x128xf32, #tpu.memory_space<vmem_shared>> -> memref<128x128xf32, #tpu.memory_space<vmem_shared>>
          tpu.wait_dma2 semaphore(%arg19 : memref<!tpu.dma_semaphore, #tpu.memory_space<semaphore_mem>>) src(%arg10 : memref<128x128xf32, #tpu.memory_space<vmem>>) dst(%dma_wait3A_101 : memref<128x128xf32, #tpu.memory_space<vmem_shared>>)
        } else {
        }
        %lt3A_60 = arith.constant 20 : i32
        %lt3A_61 = arith.cmpi slt, %sub3A_53, %lt3A_60 : i32
        %convert_element_type3A_62 = arith.extui %lt3A_61 : i1 to i32
        %cond3A_63 = arith.constant 0 : i32
        %cond3A_64 = arith.cmpi ne, %convert_element_type3A_62, %cond3A_63 : i32
        scf.if %cond3A_64 {
          %dma_start3A_96 = arith.constant 0 : i32
          %dma_start3A_97 = tpu.memref_slice %arg7[%sub3A_53, %dma_start3A_96] : memref<20x128xi32, #tpu.memory_space<vmem>> -> memref<1x128xi32, #tpu.memory_space<vmem>>
          %dma_start3A_98 = tpu.memref_squeeze %dma_start3A_97 : memref<1x128xi32, #tpu.memory_space<vmem>> -> memref<128xi32, #tpu.memory_space<vmem>>
          %dma_start3A_99 = arith.constant 0 : i32
          %dma_start3A_100 = arith.constant 0 : i32
          %dma_start3A_101 = tpu.memref_slice %arg2[%dma_start3A_99, %dma_start3A_100] : memref<20000x128xf32, #tpu.memory_space<hbm>> -> memref<20000x128xf32, #tpu.memory_space<hbm>>
          tpu.enqueue_indirect_dma source(%dma_start3A_101 : memref<20000x128xf32, #tpu.memory_space<hbm>>) target(%arg10 : memref<128x128xf32, #tpu.memory_space<vmem>>) offsets(%dma_start3A_98 : memref<128xi32, #tpu.memory_space<vmem>>) semaphore(%arg15 : memref<!tpu.dma_semaphore, #tpu.memory_space<semaphore_mem>>)
        } else {
        }
        %add3A_65 = arith.constant 1 : i32
        %add3A_66 = arith.addi %mul3A_37, %add3A_65 : i32
        %dma_wait3A_67 = arith.constant 0 : i32
        %dma_wait3A_68 = arith.constant 0 : i32
        %dma_wait3A_69 = tpu.memref_slice %arg2[%dma_wait3A_67, %dma_wait3A_68] : memref<20000x128xf32, #tpu.memory_space<hbm>> -> memref<128x128xf32, #tpu.memory_space<hbm>>
        %dma_wait3A_70 = arith.constant 0 : i32
        %dma_wait3A_71 = arith.constant 0 : i32
        %dma_wait3A_72 = tpu.memref_slice %arg2[%dma_wait3A_70, %dma_wait3A_71] : memref<20000x128xf32, #tpu.memory_space<hbm>> -> memref<128x128xf32, #tpu.memory_space<hbm>>
        tpu.wait_dma2 semaphore(%arg15 : memref<!tpu.dma_semaphore, #tpu.memory_space<semaphore_mem>>) src(%dma_wait3A_72 : memref<128x128xf32, #tpu.memory_space<hbm>>) dst(%arg10 : memref<128x128xf32, #tpu.memory_space<vmem>>)
        %dma_start3A_73 = arith.constant 0 : i32
        %dma_start3A_74 = tpu.memref_slice %arg8[%add3A_66, %dma_start3A_73] : memref<20x128xi32, #tpu.memory_space<vmem>> -> memref<1x128xi32, #tpu.memory_space<vmem>>
        %dma_start3A_75 = tpu.memref_squeeze %dma_start3A_74 : memref<1x128xi32, #tpu.memory_space<vmem>> -> memref<128xi32, #tpu.memory_space<vmem>>
        %dma_start3A_76 = arith.constant 0 : i32
        %dma_start3A_77 = arith.constant 0 : i32
        %dma_start3A_78 = tpu.memref_slice %arg13[%dma_start3A_76, %dma_start3A_77] : memref<10008x128xf32, #tpu.memory_space<vmem_shared>> -> memref<10008x128xf32, #tpu.memory_space<vmem_shared>>
        tpu.enqueue_indirect_dma source(%arg10 : memref<128x128xf32, #tpu.memory_space<vmem>>) target(%dma_start3A_78 : memref<10008x128xf32, #tpu.memory_space<vmem_shared>>) offsets(%dma_start3A_75 : memref<128xi32, #tpu.memory_space<vmem>>) semaphore(%arg19 : memref<!tpu.dma_semaphore, #tpu.memory_space<semaphore_mem>>) {add = true}
        %add3A_79 = arith.constant 2 : i32
        %add3A_80 = arith.addi %add3A_66, %add3A_79 : i32
        %sub3A_81 = arith.constant 1 : i32
        %sub3A_82 = arith.subi %add3A_80, %sub3A_81 : i32
        %ge3A_83 = arith.constant 1 : i32
        %ge3A_84 = arith.cmpi sge, %add3A_66, %ge3A_83 : i32
        %lt3A_85 = arith.constant 20 : i32
        %lt3A_86 = arith.cmpi slt, %sub3A_82, %lt3A_85 : i32
        %and3A_87 = arith.andi %ge3A_84, %lt3A_86 : i1
        %convert_element_type3A_88 = arith.extui %and3A_87 : i1 to i32
        %cond3A_89 = arith.constant 0 : i32
        %cond3A_90 = arith.cmpi ne, %convert_element_type3A_88, %cond3A_89 : i32
        scf.if %cond3A_90 {
          %dma_wait3A_96 = arith.constant 0 : i32
          %dma_wait3A_97 = arith.constant 0 : i32
          %dma_wait3A_98 = tpu.memref_slice %arg13[%dma_wait3A_96, %dma_wait3A_97] : memref<10008x128xf32, #tpu.memory_space<vmem_shared>> -> memref<128x128xf32, #tpu.memory_space<vmem_shared>>
          %dma_wait3A_99 = arith.constant 0 : i32
          %dma_wait3A_100 = arith.constant 0 : i32
          %dma_wait3A_101 = tpu.memref_slice %arg13[%dma_wait3A_99, %dma_wait3A_100] : memref<10008x128xf32, #tpu.memory_space<vmem_shared>> -> memref<128x128xf32, #tpu.memory_space<vmem_shared>>
          tpu.wait_dma2 semaphore(%arg18 : memref<!tpu.dma_semaphore, #tpu.memory_space<semaphore_mem>>) src(%arg9 : memref<128x128xf32, #tpu.memory_space<vmem>>) dst(%dma_wait3A_101 : memref<128x128xf32, #tpu.memory_space<vmem_shared>>)
        } else {
        }
        %lt3A_91 = arith.constant 20 : i32
        %lt3A_92 = arith.cmpi slt, %sub3A_82, %lt3A_91 : i32
        %convert_element_type3A_93 = arith.extui %lt3A_92 : i1 to i32
        %cond3A_94 = arith.constant 0 : i32
        %cond3A_95 = arith.cmpi ne, %convert_element_type3A_93, %cond3A_94 : i32
        scf.if %cond3A_95 {
          %dma_start3A_96 = arith.constant 0 : i32
          %dma_start3A_97 = tpu.memref_slice %arg7[%sub3A_82, %dma_start3A_96] : memref<20x128xi32, #tpu.memory_space<vmem>> -> memref<1x128xi32, #tpu.memory_space<vmem>>
          %dma_start3A_98 = tpu.memref_squeeze %dma_start3A_97 : memref<1x128xi32, #tpu.memory_space<vmem>> -> memref<128xi32, #tpu.memory_space<vmem>>
          %dma_start3A_99 = arith.constant 0 : i32
          %dma_start3A_100 = arith.constant 0 : i32
          %dma_start3A_101 = tpu.memref_slice %arg2[%dma_start3A_99, %dma_start3A_100] : memref<20000x128xf32, #tpu.memory_space<hbm>> -> memref<20000x128xf32, #tpu.memory_space<hbm>>
          tpu.enqueue_indirect_dma source(%dma_start3A_101 : memref<20000x128xf32, #tpu.memory_space<hbm>>) target(%arg9 : memref<128x128xf32, #tpu.memory_space<vmem>>) offsets(%dma_start3A_98 : memref<128xi32, #tpu.memory_space<vmem>>) semaphore(%arg14 : memref<!tpu.dma_semaphore, #tpu.memory_space<semaphore_mem>>)
        } else {
        }
      }
      %scan3A_24 = arith.constant 10 : i32
      %dma_wait3A = arith.constant 0 : i32
      %dma_wait3A_25 = arith.constant 0 : i32
      %dma_wait3A_26 = tpu.memref_slice %arg13[%dma_wait3A, %dma_wait3A_25] : memref<10008x128xf32, #tpu.memory_space<vmem_shared>> -> memref<128x128xf32, #tpu.memory_space<vmem_shared>>
      %dma_wait3A_27 = arith.constant 0 : i32
      %dma_wait3A_28 = arith.constant 0 : i32
      %dma_wait3A_29 = tpu.memref_slice %arg13[%dma_wait3A_27, %dma_wait3A_28] : memref<10008x128xf32, #tpu.memory_space<vmem_shared>> -> memref<128x128xf32, #tpu.memory_space<vmem_shared>>
      tpu.wait_dma2 semaphore(%arg18 : memref<!tpu.dma_semaphore, #tpu.memory_space<semaphore_mem>>) src(%arg9 : memref<128x128xf32, #tpu.memory_space<vmem>>) dst(%dma_wait3A_29 : memref<128x128xf32, #tpu.memory_space<vmem_shared>>)
      %dma_wait3A_30 = arith.constant 0 : i32
      %dma_wait3A_31 = arith.constant 0 : i32
      %dma_wait3A_32 = tpu.memref_slice %arg13[%dma_wait3A_30, %dma_wait3A_31] : memref<10008x128xf32, #tpu.memory_space<vmem_shared>> -> memref<128x128xf32, #tpu.memory_space<vmem_shared>>
      %dma_wait3A_33 = arith.constant 0 : i32
      %dma_wait3A_34 = arith.constant 0 : i32
      %dma_wait3A_35 = tpu.memref_slice %arg13[%dma_wait3A_33, %dma_wait3A_34] : memref<10008x128xf32, #tpu.memory_space<vmem_shared>> -> memref<128x128xf32, #tpu.memory_space<vmem_shared>>
      tpu.wait_dma2 semaphore(%arg19 : memref<!tpu.dma_semaphore, #tpu.memory_space<semaphore_mem>>) src(%arg10 : memref<128x128xf32, #tpu.memory_space<vmem>>) dst(%dma_wait3A_35 : memref<128x128xf32, #tpu.memory_space<vmem_shared>>)
    }
    %scan3A_6 = arith.constant 4 : i32
    %barrier3A_7 = arith.constant 0 : index
    tpu.barrier barrier_id(%barrier3A_7)
    %lt3A_8 = arith.constant 10 : i32
    %lt3A_9 = arith.cmpi slt, %arg1, %lt3A_8 : i32
    %convert_element_type3A_10 = arith.extui %lt3A_9 : i1 to i32
    %cond3A_11 = arith.constant 0 : i32
    %cond3A_12 = arith.cmpi ne, %convert_element_type3A_10, %cond3A_11 : i32
    scf.if %cond3A_12 {
      %scan3A_13 = arith.constant 0 : i32
      %scan3A_14 = arith.constant 0 : i32
      %scan3A_15 = arith.constant 25 : i32
      %scan3A_16 = arith.addi %scan3A_14, %scan3A_15 : i32
      %scan3A_17 = arith.constant 1 : i32
      scf.for %scan3A_19 = %scan3A_14 to %scan3A_16 step %scan3A_17  : i32 {
        %mul3A = arith.constant 1000 : i32
        %mul3A_20 = arith.muli %arg1, %mul3A : i32
        %mul3A_21 = arith.constant 40 : i32
        %mul3A_22 = arith.muli %scan3A_19, %mul3A_21 : i32
        %add3A = arith.addi %mul3A_20, %mul3A_22 : i32
        %multiple_of3A = tpu.assume_multiple %add3A, 8 : i32
        "tpu.region"() ({
          %run_scoped3A = tpu.sem_alloc : memref<!tpu.dma_semaphore, #tpu.memory_space<semaphore_mem>>
          %dma_start3A = arith.constant 0 : i32
          %dma_start3A_26 = arith.constant 0 : i32
          %dma_start3A_27 = tpu.memref_slice %arg9[%dma_start3A, %dma_start3A_26] : memref<128x128xf32, #tpu.memory_space<vmem>> -> memref<40x128xf32, #tpu.memory_space<vmem>>
          %dma_start3A_28 = arith.constant 0 : i32
          %dma_start3A_29 = tpu.memref_slice %arg13[%multiple_of3A, %dma_start3A_28] : memref<10008x128xf32, #tpu.memory_space<vmem_shared>> -> memref<40x128xf32, #tpu.memory_space<vmem_shared>>
          %dma_start3A_30 = arith.constant 0 : i32
          %dma_start3A_31 = arith.constant 0 : i32
          %dma_start3A_32 = tpu.memref_slice %arg9[%dma_start3A_30, %dma_start3A_31] : memref<128x128xf32, #tpu.memory_space<vmem>> -> memref<40x128xf32, #tpu.memory_space<vmem>>
          %dma_start3A_33 = arith.constant 0 : i32
          %dma_start3A_34 = tpu.memref_slice %arg13[%multiple_of3A, %dma_start3A_33] : memref<10008x128xf32, #tpu.memory_space<vmem_shared>> -> memref<40x128xf32, #tpu.memory_space<vmem_shared>>
          tpu.enqueue_dma source(%dma_start3A_34 : memref<40x128xf32, #tpu.memory_space<vmem_shared>>) target(%dma_start3A_32 : memref<40x128xf32, #tpu.memory_space<vmem>>) target_semaphore(%run_scoped3A : memref<!tpu.dma_semaphore, #tpu.memory_space<semaphore_mem>>)
          %dma_wait3A = arith.constant 0 : i32
          %dma_wait3A_35 = arith.constant 0 : i32
          %dma_wait3A_36 = tpu.memref_slice %arg9[%dma_wait3A, %dma_wait3A_35] : memref<128x128xf32, #tpu.memory_space<vmem>> -> memref<40x128xf32, #tpu.memory_space<vmem>>
          %dma_wait3A_37 = arith.constant 0 : i32
          %dma_wait3A_38 = tpu.memref_slice %arg13[%multiple_of3A, %dma_wait3A_37] : memref<10008x128xf32, #tpu.memory_space<vmem_shared>> -> memref<40x128xf32, #tpu.memory_space<vmem_shared>>
          %dma_wait3A_39 = arith.constant 0 : i32
          %dma_wait3A_40 = arith.constant 0 : i32
          %dma_wait3A_41 = tpu.memref_slice %arg9[%dma_wait3A_39, %dma_wait3A_40] : memref<128x128xf32, #tpu.memory_space<vmem>> -> memref<40x128xf32, #tpu.memory_space<vmem>>
          %dma_wait3A_42 = arith.constant 0 : i32
          %dma_wait3A_43 = tpu.memref_slice %arg13[%multiple_of3A, %dma_wait3A_42] : memref<10008x128xf32, #tpu.memory_space<vmem_shared>> -> memref<40x128xf32, #tpu.memory_space<vmem_shared>>
          tpu.wait_dma2 semaphore(%run_scoped3A : memref<!tpu.dma_semaphore, #tpu.memory_space<semaphore_mem>>) src(%dma_wait3A_43 : memref<40x128xf32, #tpu.memory_space<vmem_shared>>) dst(%dma_wait3A_41 : memref<40x128xf32, #tpu.memory_space<vmem>>)
          tpu.yield
        }) : () -> ()
        %mul3A_23 = arith.constant 10000 : i32
        %mul3A_24 = arith.muli %arg0, %mul3A_23 : i32
        %add3A_25 = arith.addi %mul3A_24, %multiple_of3A : i32
        "tpu.region"() ({
          %run_scoped3A = tpu.sem_alloc : memref<!tpu.dma_semaphore, #tpu.memory_space<semaphore_mem>>
          %dma_start3A = arith.constant 0 : i32
          %dma_start3A_26 = arith.constant 0 : i32
          %dma_start3A_27 = tpu.memref_slice %arg9[%dma_start3A, %dma_start3A_26] : memref<128x128xf32, #tpu.memory_space<vmem>> -> memref<40x128xf32, #tpu.memory_space<vmem>>
          %dma_start3A_28 = arith.constant 0 : i32
          %dma_start3A_29 = tpu.memref_slice %arg6[%add3A_25, %dma_start3A_28] : memref<20000x128xf32, #tpu.memory_space<hbm>> -> memref<40x128xf32, #tpu.memory_space<hbm>>
          %dma_start3A_30 = arith.constant 0 : i32
          %dma_start3A_31 = tpu.memref_slice %arg6[%add3A_25, %dma_start3A_30] : memref<20000x128xf32, #tpu.memory_space<hbm>> -> memref<40x128xf32, #tpu.memory_space<hbm>>
          %dma_start3A_32 = arith.constant 0 : i32
          %dma_start3A_33 = arith.constant 0 : i32
          %dma_start3A_34 = tpu.memref_slice %arg9[%dma_start3A_32, %dma_start3A_33] : memref<128x128xf32, #tpu.memory_space<vmem>> -> memref<40x128xf32, #tpu.memory_space<vmem>>
          tpu.enqueue_dma source(%dma_start3A_34 : memref<40x128xf32, #tpu.memory_space<vmem>>) target(%dma_start3A_31 : memref<40x128xf32, #tpu.memory_space<hbm>>) target_semaphore(%run_scoped3A : memref<!tpu.dma_semaphore, #tpu.memory_space<semaphore_mem>>)
          %dma_wait3A = arith.constant 0 : i32
          %dma_wait3A_35 = arith.constant 0 : i32
          %dma_wait3A_36 = tpu.memref_slice %arg9[%dma_wait3A, %dma_wait3A_35] : memref<128x128xf32, #tpu.memory_space<vmem>> -> memref<40x128xf32, #tpu.memory_space<vmem>>
          %dma_wait3A_37 = arith.constant 0 : i32
          %dma_wait3A_38 = tpu.memref_slice %arg6[%add3A_25, %dma_wait3A_37] : memref<20000x128xf32, #tpu.memory_space<hbm>> -> memref<40x128xf32, #tpu.memory_space<hbm>>
          %dma_wait3A_39 = arith.constant 0 : i32
          %dma_wait3A_40 = tpu.memref_slice %arg6[%add3A_25, %dma_wait3A_39] : memref<20000x128xf32, #tpu.memory_space<hbm>> -> memref<40x128xf32, #tpu.memory_space<hbm>>
          %dma_wait3A_41 = arith.constant 0 : i32
          %dma_wait3A_42 = arith.constant 0 : i32
          %dma_wait3A_43 = tpu.memref_slice %arg9[%dma_wait3A_41, %dma_wait3A_42] : memref<128x128xf32, #tpu.memory_space<vmem>> -> memref<40x128xf32, #tpu.memory_space<vmem>>
          tpu.wait_dma2 semaphore(%run_scoped3A : memref<!tpu.dma_semaphore, #tpu.memory_space<semaphore_mem>>) src(%dma_wait3A_43 : memref<40x128xf32, #tpu.memory_space<vmem>>) dst(%dma_wait3A_40 : memref<40x128xf32, #tpu.memory_space<hbm>>)
          tpu.yield
        }) : () -> ()
      }
      %scan3A_18 = arith.constant 25 : i32
    } else {
    }
    return
  }
}

module attributes {stable_mosaic.version = 14 : i64} {
  func.func @_encode_body(%arg0: i32, %arg1: memref<1000x256xf32, #tpu.memory_space<vmem>>, %arg2: memref<256x128xf32, #tpu.memory_space<vmem>>, %arg3: memref<1000x1xf32, #tpu.memory_space<vmem>>, %arg4: memref<1000x1xf32, #tpu.memory_space<vmem>>, %arg5: memref<1000x128xf32, #tpu.memory_space<vmem>>) attributes {dimension_semantics = [#tpu.dimension_semantics<arbitrary>], iteration_bounds = array<i64: 20>, scalar_prefetch = 0 : i64, scratch_operands = 0 : i64, tpu.core_type = #tpu.core_type<tc>, window_params = [{transform_indices = @transform_0, window_bounds = array<i64: 1000, 256>}, {transform_indices = @transform_1, window_bounds = array<i64: 256, 128>}, {transform_indices = @transform_2, window_bounds = array<i64: 1000, 1>}, {transform_indices = @transform_3, window_bounds = array<i64: 1000, 1>}, {transform_indices = @transform_4, window_bounds = array<i64: 1000, 128>}]} {
    %get3A = arith.constant 0 : index
    %get3A_0 = arith.constant 0 : index
    %get3A_1 = vector.load %arg3[%get3A, %get3A_0] : memref<1000x1xf32, #tpu.memory_space<vmem>>, vector<1000x1xf32>
    %get3A_2 = arith.constant 0 : index
    %get3A_3 = arith.constant 0 : index
    %get3A_4 = vector.load %arg4[%get3A_2, %get3A_3] : memref<1000x1xf32, #tpu.memory_space<vmem>>, vector<1000x1xf32>
    %add3A = arith.addf %get3A_1, %get3A_4 : vector<1000x1xf32>
    %add3A_5 = arith.constant 1.000000e+00 : f32
    %add3A_6 = vector.broadcast %add3A_5 : f32 to vector<1000x1xf32>
    %add3A_7 = arith.addf %add3A, %add3A_6 : vector<1000x1xf32>
    %rsqrt3A = math.rsqrt %add3A_7 : vector<1000x1xf32>
    %get3A_8 = arith.constant 0 : index
    %get3A_9 = arith.constant 0 : index
    %get3A_10 = vector.load %arg1[%get3A_8, %get3A_9] : memref<1000x256xf32, #tpu.memory_space<vmem>>, vector<1000x256xf32>
    %get3A_11 = arith.constant 0 : index
    %get3A_12 = arith.constant 0 : index
    %get3A_13 = vector.load %arg2[%get3A_11, %get3A_12] : memref<256x128xf32, #tpu.memory_space<vmem>>, vector<256x128xf32>
    %dot_general3A = arith.constant dense<0.000000e+00> : vector<1000x128xf32>
    %dot_general3A_14 = tpu.matmul %get3A_10, %get3A_13, %dot_general3A {dimension_numbers = #tpu.dot_dimension_numbers<[1], [0], [0], [1], [0, 0, 1, 1], [], []>, precision = #tpu.contract_precision<fp32>, transpose_lhs_hint = false} : vector<1000x256xf32>, vector<256x128xf32>, vector<1000x128xf32> -> vector<1000x128xf32>
    %mul3A = vector.broadcast %rsqrt3A : vector<1000x1xf32> to vector<1000x128xf32>
    %mul3A_15 = arith.mulf %dot_general3A_14, %mul3A : vector<1000x128xf32>
    %swap3A = arith.constant 0 : index
    %swap3A_16 = arith.constant 0 : index
    %swap3A_17 = vector.load %arg5[%swap3A, %swap3A_16] : memref<1000x128xf32, #tpu.memory_space<vmem>>, vector<1000x128xf32>
    tpu.vector_store %arg5[%swap3A, %swap3A_16], %mul3A_15 {strides = array<i32>} : memref<1000x128xf32, #tpu.memory_space<vmem>>, vector<1000x128xf32>,
    return
  }
  func.func @transform_0(%arg0: i32) -> (i32, i32) {
    %jit3A = arith.constant 2 : i32
    %div3A = arith.divsi %arg0, %jit3A : i32
    %sign3A = arith.constant 0 : i32
    %sign3A_0 = arith.cmpi sgt, %arg0, %sign3A : i32
    %sign3A_1 = arith.extui %sign3A_0 : i1 to i32
    %sign3A_2 = arith.constant 0 : i32
    %sign3A_3 = arith.cmpi slt, %arg0, %sign3A_2 : i32
    %sign3A_4 = arith.extui %sign3A_3 : i1 to i32
    %sign3A_5 = arith.subi %sign3A_1, %sign3A_4 : i32
    %sign3A_6 = arith.constant 0 : i32
    %sign3A_7 = arith.cmpi sgt, %jit3A, %sign3A_6 : i32
    %sign3A_8 = arith.extui %sign3A_7 : i1 to i32
    %sign3A_9 = arith.constant 0 : i32
    %sign3A_10 = arith.cmpi slt, %jit3A, %sign3A_9 : i32
    %sign3A_11 = arith.extui %sign3A_10 : i1 to i32
    %sign3A_12 = arith.subi %sign3A_8, %sign3A_11 : i32
    %ne3A = arith.cmpi ne, %sign3A_5, %sign3A_12 : i32
    %rem3A = arith.remsi %arg0, %jit3A : i32
    %ne3A_13 = arith.constant 0 : i32
    %ne3A_14 = arith.cmpi ne, %rem3A, %ne3A_13 : i32
    %and3A = arith.andi %ne3A, %ne3A_14 : i1
    %sub3A = arith.constant 1 : i32
    %sub3A_15 = arith.subi %div3A, %sub3A : i32
    %select_n3A = arith.select %and3A, %sub3A_15, %div3A : i32
    %c0_i32 = arith.constant 0 : i32
    %c0_i32_16 = arith.constant 0 : i32
    return %select_n3A, %c0_i32 : i32, i32
  }
  func.func @transform_1(%arg0: i32) -> (i32, i32) {
    %jit3A = arith.constant 2 : i32
    %eq3A = arith.constant 0 : i32
    %eq3A_0 = arith.cmpi eq, %jit3A, %eq3A : i32
    %jit3A_1 = arith.constant 1 : i32
    %select_n3A = arith.select %eq3A_0, %jit3A_1, %jit3A : i32
    %rem3A = arith.remsi %arg0, %select_n3A : i32
    %ne3A = arith.constant 0 : i32
    %ne3A_2 = arith.cmpi ne, %rem3A, %ne3A : i32
    %lt3A = arith.constant 0 : i32
    %lt3A_3 = arith.cmpi slt, %rem3A, %lt3A : i32
    %lt3A_4 = arith.constant 0 : i32
    %lt3A_5 = arith.cmpi slt, %select_n3A, %lt3A_4 : i32
    %ne3A_6 = arith.xori %lt3A_3, %lt3A_5 : i1
    %and3A = arith.andi %ne3A_6, %ne3A_2 : i1
    %add3A = arith.addi %rem3A, %select_n3A : i32
    %select_n3A_7 = arith.select %and3A, %add3A, %rem3A : i32
    %c0_i32 = arith.constant 0 : i32
    %c0_i32_8 = arith.constant 0 : i32
    return %c0_i32, %select_n3A_7 : i32, i32
  }
  func.func @transform_2(%arg0: i32) -> (i32, i32) {
    %jit3A = arith.constant 2 : i32
    %div3A = arith.divsi %arg0, %jit3A : i32
    %sign3A = arith.constant 0 : i32
    %sign3A_0 = arith.cmpi sgt, %arg0, %sign3A : i32
    %sign3A_1 = arith.extui %sign3A_0 : i1 to i32
    %sign3A_2 = arith.constant 0 : i32
    %sign3A_3 = arith.cmpi slt, %arg0, %sign3A_2 : i32
    %sign3A_4 = arith.extui %sign3A_3 : i1 to i32
    %sign3A_5 = arith.subi %sign3A_1, %sign3A_4 : i32
    %sign3A_6 = arith.constant 0 : i32
    %sign3A_7 = arith.cmpi sgt, %jit3A, %sign3A_6 : i32
    %sign3A_8 = arith.extui %sign3A_7 : i1 to i32
    %sign3A_9 = arith.constant 0 : i32
    %sign3A_10 = arith.cmpi slt, %jit3A, %sign3A_9 : i32
    %sign3A_11 = arith.extui %sign3A_10 : i1 to i32
    %sign3A_12 = arith.subi %sign3A_8, %sign3A_11 : i32
    %ne3A = arith.cmpi ne, %sign3A_5, %sign3A_12 : i32
    %rem3A = arith.remsi %arg0, %jit3A : i32
    %ne3A_13 = arith.constant 0 : i32
    %ne3A_14 = arith.cmpi ne, %rem3A, %ne3A_13 : i32
    %and3A = arith.andi %ne3A, %ne3A_14 : i1
    %sub3A = arith.constant 1 : i32
    %sub3A_15 = arith.subi %div3A, %sub3A : i32
    %select_n3A = arith.select %and3A, %sub3A_15, %div3A : i32
    %c0_i32 = arith.constant 0 : i32
    %c0_i32_16 = arith.constant 0 : i32
    return %select_n3A, %c0_i32 : i32, i32
  }
  func.func @transform_3(%arg0: i32) -> (i32, i32) {
    %jit3A = arith.constant 2 : i32
    %div3A = arith.divsi %arg0, %jit3A : i32
    %sign3A = arith.constant 0 : i32
    %sign3A_0 = arith.cmpi sgt, %arg0, %sign3A : i32
    %sign3A_1 = arith.extui %sign3A_0 : i1 to i32
    %sign3A_2 = arith.constant 0 : i32
    %sign3A_3 = arith.cmpi slt, %arg0, %sign3A_2 : i32
    %sign3A_4 = arith.extui %sign3A_3 : i1 to i32
    %sign3A_5 = arith.subi %sign3A_1, %sign3A_4 : i32
    %sign3A_6 = arith.constant 0 : i32
    %sign3A_7 = arith.cmpi sgt, %jit3A, %sign3A_6 : i32
    %sign3A_8 = arith.extui %sign3A_7 : i1 to i32
    %sign3A_9 = arith.constant 0 : i32
    %sign3A_10 = arith.cmpi slt, %jit3A, %sign3A_9 : i32
    %sign3A_11 = arith.extui %sign3A_10 : i1 to i32
    %sign3A_12 = arith.subi %sign3A_8, %sign3A_11 : i32
    %ne3A = arith.cmpi ne, %sign3A_5, %sign3A_12 : i32
    %rem3A = arith.remsi %arg0, %jit3A : i32
    %ne3A_13 = arith.constant 0 : i32
    %ne3A_14 = arith.cmpi ne, %rem3A, %ne3A_13 : i32
    %and3A = arith.andi %ne3A, %ne3A_14 : i1
    %sub3A = arith.constant 1 : i32
    %sub3A_15 = arith.subi %div3A, %sub3A : i32
    %select_n3A = arith.select %and3A, %sub3A_15, %div3A : i32
    %c0_i32 = arith.constant 0 : i32
    %c0_i32_16 = arith.constant 0 : i32
    return %select_n3A, %c0_i32 : i32, i32
  }
  func.func @transform_4(%arg0: i32) -> (i32, i32) {
    %jit3A = arith.constant 2 : i32
    %div3A = arith.divsi %arg0, %jit3A : i32
    %sign3A = arith.constant 0 : i32
    %sign3A_0 = arith.cmpi sgt, %arg0, %sign3A : i32
    %sign3A_1 = arith.extui %sign3A_0 : i1 to i32
    %sign3A_2 = arith.constant 0 : i32
    %sign3A_3 = arith.cmpi slt, %arg0, %sign3A_2 : i32
    %sign3A_4 = arith.extui %sign3A_3 : i1 to i32
    %sign3A_5 = arith.subi %sign3A_1, %sign3A_4 : i32
    %sign3A_6 = arith.constant 0 : i32
    %sign3A_7 = arith.cmpi sgt, %jit3A, %sign3A_6 : i32
    %sign3A_8 = arith.extui %sign3A_7 : i1 to i32
    %sign3A_9 = arith.constant 0 : i32
    %sign3A_10 = arith.cmpi slt, %jit3A, %sign3A_9 : i32
    %sign3A_11 = arith.extui %sign3A_10 : i1 to i32
    %sign3A_12 = arith.subi %sign3A_8, %sign3A_11 : i32
    %ne3A = arith.cmpi ne, %sign3A_5, %sign3A_12 : i32
    %rem3A = arith.remsi %arg0, %jit3A : i32
    %ne3A_13 = arith.constant 0 : i32
    %ne3A_14 = arith.cmpi ne, %rem3A, %ne3A_13 : i32
    %and3A = arith.andi %ne3A, %ne3A_14 : i1
    %sub3A = arith.constant 1 : i32
    %sub3A_15 = arith.subi %div3A, %sub3A : i32
    %select_n3A = arith.select %and3A, %sub3A_15, %div3A : i32
    %jit3A_16 = arith.constant 2 : i32
    %eq3A = arith.constant 0 : i32
    %eq3A_17 = arith.cmpi eq, %jit3A_16, %eq3A : i32
    %jit3A_18 = arith.constant 1 : i32
    %select_n3A_19 = arith.select %eq3A_17, %jit3A_18, %jit3A_16 : i32
    %rem3A_20 = arith.remsi %arg0, %select_n3A_19 : i32
    %ne3A_21 = arith.constant 0 : i32
    %ne3A_22 = arith.cmpi ne, %rem3A_20, %ne3A_21 : i32
    %lt3A = arith.constant 0 : i32
    %lt3A_23 = arith.cmpi slt, %rem3A_20, %lt3A : i32
    %lt3A_24 = arith.constant 0 : i32
    %lt3A_25 = arith.cmpi slt, %select_n3A_19, %lt3A_24 : i32
    %ne3A_26 = arith.xori %lt3A_23, %lt3A_25 : i1
    %and3A_27 = arith.andi %ne3A_26, %ne3A_22 : i1
    %add3A = arith.addi %rem3A_20, %select_n3A_19 : i32
    %select_n3A_28 = arith.select %and3A_27, %add3A, %rem3A_20 : i32
    %mul3A = arith.constant 10 : i32
    %mul3A_29 = arith.muli %select_n3A_28, %mul3A : i32
    %add3A_30 = arith.addi %select_n3A, %mul3A_29 : i32
    %c0_i32 = arith.constant 0 : i32
    %c0_i32_31 = arith.constant 0 : i32
    return %add3A_30, %c0_i32 : i32, i32
  }
}

module attributes {stable_mosaic.version = 14 : i64} {
  func.func @_head_body(%arg0: i32, %arg1: memref<1000x128xf32, #tpu.memory_space<vmem>>, %arg2: memref<1000x128xf32, #tpu.memory_space<vmem>>, %arg3: memref<1000x128xf32, #tpu.memory_space<vmem>>, %arg4: memref<1000x128xf32, #tpu.memory_space<vmem>>, %arg5: memref<1000x1xf32, #tpu.memory_space<vmem>>, %arg6: memref<1000x1xf32, #tpu.memory_space<vmem>>, %arg7: memref<1x256xf32, #tpu.memory_space<vmem>>, %arg8: memref<256x32xf32, #tpu.memory_space<vmem>>, %arg9: memref<1x32xf32, #tpu.memory_space<vmem>>, %arg10: memref<32x32xf32, #tpu.memory_space<vmem>>, %arg11: memref<1x32xf32, #tpu.memory_space<vmem>>, %arg12: memref<32x1xf32, #tpu.memory_space<vmem>>, %arg13: memref<1x1xf32, #tpu.memory_space<vmem>>, %arg14: memref<1x1xf32, #tpu.memory_space<vmem>>, %arg15: memref<1x256xf32, #tpu.memory_space<vmem>>) attributes {dimension_semantics = [#tpu.dimension_semantics<arbitrary>], iteration_bounds = array<i64: 10>, scalar_prefetch = 0 : i64, scratch_operands = 1 : i64, tpu.core_type = #tpu.core_type<tc>, window_params = [{transform_indices = @transform_0, window_bounds = array<i64: 1000, 128>}, {transform_indices = @transform_1, window_bounds = array<i64: 1000, 128>}, {transform_indices = @transform_2, window_bounds = array<i64: 1000, 128>}, {transform_indices = @transform_3, window_bounds = array<i64: 1000, 128>}, {transform_indices = @transform_4, window_bounds = array<i64: 1000, 1>}, {transform_indices = @transform_5, window_bounds = array<i64: 1000, 1>}, {pipeline_mode = #tpu.pipeline_mode<synchronous>, transform_indices = @transform_6, window_bounds = array<i64: 1, 256>}, {pipeline_mode = #tpu.pipeline_mode<synchronous>, transform_indices = @transform_7, window_bounds = array<i64: 256, 32>}, {pipeline_mode = #tpu.pipeline_mode<synchronous>, transform_indices = @transform_8, window_bounds = array<i64: 1, 32>}, {pipeline_mode = #tpu.pipeline_mode<synchronous>, transform_indices = @transform_9, window_bounds = array<i64: 32, 32>}, {pipeline_mode = #tpu.pipeline_mode<synchronous>, transform_indices = @transform_10, window_bounds = array<i64: 1, 32>}, {pipeline_mode = #tpu.pipeline_mode<synchronous>, transform_indices = @transform_11, window_bounds = array<i64: 32, 1>}, {pipeline_mode = #tpu.pipeline_mode<synchronous>, transform_indices = @transform_12, window_bounds = array<i64: 1, 1>}, {pipeline_mode = #tpu.pipeline_mode<synchronous>, transform_indices = @transform_13, window_bounds = array<i64: 1, 1>}]} {
    %eq3A = arith.constant 0 : i32
    %eq3A_0 = arith.cmpi eq, %arg0, %eq3A : i32
    %convert_element_type3A = arith.extui %eq3A_0 : i1 to i32
    %cond3A = arith.constant 0 : i32
    %cond3A_1 = arith.cmpi ne, %convert_element_type3A, %cond3A : i32
    scf.if %cond3A_1 {
      %broadcast_in_dim3A_64 = arith.constant 0.000000e+00 : f32
      %broadcast_in_dim3A_65 = vector.broadcast %broadcast_in_dim3A_64 : f32 to vector<1x256xf32>
      %swap3A_66 = arith.constant 0 : index
      %swap3A_67 = arith.constant 0 : index
      %swap3A_68 = vector.load %arg15[%swap3A_66, %swap3A_67] : memref<1x256xf32, #tpu.memory_space<vmem>>, vector<1x256xf32>
      tpu.vector_store %arg15[%swap3A_66, %swap3A_67], %broadcast_in_dim3A_65 {strides = array<i32>} : memref<1x256xf32, #tpu.memory_space<vmem>>, vector<1x256xf32>,
    } else {
    }
    %get3A = arith.constant 0 : index
    %get3A_2 = arith.constant 0 : index
    %get3A_3 = vector.load %arg5[%get3A, %get3A_2] : memref<1000x1xf32, #tpu.memory_space<vmem>>, vector<1000x1xf32>
    %get3A_4 = arith.constant 0 : index
    %get3A_5 = arith.constant 0 : index
    %get3A_6 = vector.load %arg6[%get3A_4, %get3A_5] : memref<1000x1xf32, #tpu.memory_space<vmem>>, vector<1000x1xf32>
    %add3A = arith.addf %get3A_3, %get3A_6 : vector<1000x1xf32>
    %add3A_7 = arith.constant 1.000000e+00 : f32
    %add3A_8 = vector.broadcast %add3A_7 : f32 to vector<1000x1xf32>
    %add3A_9 = arith.addf %add3A, %add3A_8 : vector<1000x1xf32>
    %rsqrt3A = math.rsqrt %add3A_9 : vector<1000x1xf32>
    %get3A_10 = arith.constant 0 : index
    %get3A_11 = arith.constant 0 : index
    %get3A_12 = vector.load %arg1[%get3A_10, %get3A_11] : memref<1000x128xf32, #tpu.memory_space<vmem>>, vector<1000x128xf32>
    %get3A_13 = arith.constant 0 : index
    %get3A_14 = arith.constant 0 : index
    %get3A_15 = vector.load %arg3[%get3A_13, %get3A_14] : memref<1000x128xf32, #tpu.memory_space<vmem>>, vector<1000x128xf32>
    %add3A_16 = arith.addf %get3A_12, %get3A_15 : vector<1000x128xf32>
    %mul3A = vector.broadcast %rsqrt3A : vector<1000x1xf32> to vector<1000x128xf32>
    %mul3A_17 = arith.mulf %mul3A, %add3A_16 : vector<1000x128xf32>
    %get3A_18 = arith.constant 0 : index
    %get3A_19 = arith.constant 0 : index
    %get3A_20 = vector.load %arg7[%get3A_18, %get3A_19] : memref<1x256xf32, #tpu.memory_space<vmem>>, vector<1x128xf32>
    %add3A_21 = vector.broadcast %get3A_20 : vector<1x128xf32> to vector<1000x128xf32>
    %add3A_22 = arith.addf %mul3A_17, %add3A_21 : vector<1000x128xf32>
    %max3A = arith.constant 0.000000e+00 : f32
    %max3A_23 = vector.broadcast %max3A : f32 to vector<1000x128xf32>
    %max3A_24 = arith.maximumf %add3A_22, %max3A_23 : vector<1000x128xf32>
    %get3A_25 = arith.constant 0 : index
    %get3A_26 = arith.constant 0 : index
    %get3A_27 = vector.load %arg2[%get3A_25, %get3A_26] : memref<1000x128xf32, #tpu.memory_space<vmem>>, vector<1000x128xf32>
    %get3A_28 = arith.constant 0 : index
    %get3A_29 = arith.constant 0 : index
    %get3A_30 = vector.load %arg4[%get3A_28, %get3A_29] : memref<1000x128xf32, #tpu.memory_space<vmem>>, vector<1000x128xf32>
    %add3A_31 = arith.addf %get3A_27, %get3A_30 : vector<1000x128xf32>
    %mul3A_32 = vector.broadcast %rsqrt3A : vector<1000x1xf32> to vector<1000x128xf32>
    %mul3A_33 = arith.mulf %mul3A_32, %add3A_31 : vector<1000x128xf32>
    %get3A_34 = arith.constant 0 : index
    %get3A_35 = arith.constant 128 : index
    %get3A_36 = vector.load %arg7[%get3A_34, %get3A_35] : memref<1x256xf32, #tpu.memory_space<vmem>>, vector<1x128xf32>
    %add3A_37 = vector.broadcast %get3A_36 : vector<1x128xf32> to vector<1000x128xf32>
    %add3A_38 = arith.addf %mul3A_33, %add3A_37 : vector<1000x128xf32>
    %max3A_39 = arith.constant 0.000000e+00 : f32
    %max3A_40 = vector.broadcast %max3A_39 : f32 to vector<1000x128xf32>
    %max3A_41 = arith.maximumf %add3A_38, %max3A_40 : vector<1000x128xf32>
    %get3A_42 = arith.constant 0 : index
    %get3A_43 = arith.constant 0 : index
    %get3A_44 = vector.load %arg15[%get3A_42, %get3A_43] : memref<1x256xf32, #tpu.memory_space<vmem>>, vector<1x128xf32>
    %reduce_sum3A = arith.constant dense<0.000000e+00> : vector<128xf32>
    %reduce_sum3A_45 = vector.multi_reduction <add>, %max3A_24, %reduce_sum3A [0] : vector<1000x128xf32> to vector<128xf32>
    %broadcast_in_dim3A = vector.shape_cast %reduce_sum3A_45 : vector<128xf32> to vector<1x128xf32>
    %add3A_46 = arith.addf %get3A_44, %broadcast_in_dim3A : vector<1x128xf32>
    %swap3A = arith.constant 0 : index
    %swap3A_47 = arith.constant 0 : index
    %swap3A_48 = vector.load %arg15[%swap3A, %swap3A_47] : memref<1x256xf32, #tpu.memory_space<vmem>>, vector<1x128xf32>
    tpu.vector_store %arg15[%swap3A, %swap3A_47], %add3A_46 {strides = array<i32>} : memref<1x256xf32, #tpu.memory_space<vmem>>, vector<1x128xf32>,
    %get3A_49 = arith.constant 0 : index
    %get3A_50 = arith.constant 128 : index
    %get3A_51 = vector.load %arg15[%get3A_49, %get3A_50] : memref<1x256xf32, #tpu.memory_space<vmem>>, vector<1x128xf32>
    %reduce_sum3A_52 = arith.constant dense<0.000000e+00> : vector<128xf32>
    %reduce_sum3A_53 = vector.multi_reduction <add>, %max3A_41, %reduce_sum3A_52 [0] : vector<1000x128xf32> to vector<128xf32>
    %broadcast_in_dim3A_54 = vector.shape_cast %reduce_sum3A_53 : vector<128xf32> to vector<1x128xf32>
    %add3A_55 = arith.addf %get3A_51, %broadcast_in_dim3A_54 : vector<1x128xf32>
    %swap3A_56 = arith.constant 0 : index
    %swap3A_57 = arith.constant 128 : index
    %swap3A_58 = vector.load %arg15[%swap3A_56, %swap3A_57] : memref<1x256xf32, #tpu.memory_space<vmem>>, vector<1x128xf32>
    tpu.vector_store %arg15[%swap3A_56, %swap3A_57], %add3A_55 {strides = array<i32>} : memref<1x256xf32, #tpu.memory_space<vmem>>, vector<1x128xf32>,
    %eq3A_59 = arith.constant 9 : i32
    %eq3A_60 = arith.cmpi eq, %arg0, %eq3A_59 : i32
    %convert_element_type3A_61 = arith.extui %eq3A_60 : i1 to i32
    %cond3A_62 = arith.constant 0 : i32
    %cond3A_63 = arith.cmpi ne, %convert_element_type3A_61, %cond3A_62 : i32
    scf.if %cond3A_63 {
      %get3A_64 = arith.constant 0 : index
      %get3A_65 = arith.constant 0 : index
      %get3A_66 = vector.load %arg15[%get3A_64, %get3A_65] : memref<1x256xf32, #tpu.memory_space<vmem>>, vector<1x256xf32>
      %get3A_67 = arith.constant 0 : index
      %get3A_68 = arith.constant 0 : index
      %get3A_69 = vector.load %arg8[%get3A_67, %get3A_68] : memref<256x32xf32, #tpu.memory_space<vmem>>, vector<256x32xf32>
      %dot_general3A = arith.constant dense<0.000000e+00> : vector<1x32xf32>
      %dot_general3A_70 = tpu.matmul %get3A_66, %get3A_69, %dot_general3A {dimension_numbers = #tpu.dot_dimension_numbers<[1], [0], [0], [1], [0, 0, 1, 1], [], []>, precision = #tpu.contract_precision<fp32>, transpose_lhs_hint = false} : vector<1x256xf32>, vector<256x32xf32>, vector<1x32xf32> -> vector<1x32xf32>
      %get3A_71 = arith.constant 0 : index
      %get3A_72 = arith.constant 0 : index
      %get3A_73 = vector.load %arg9[%get3A_71, %get3A_72] : memref<1x32xf32, #tpu.memory_space<vmem>>, vector<1x32xf32>
      %add3A_74 = arith.addf %dot_general3A_70, %get3A_73 : vector<1x32xf32>
      %max3A_75 = arith.constant 0.000000e+00 : f32
      %max3A_76 = vector.broadcast %max3A_75 : f32 to vector<1x32xf32>
      %max3A_77 = arith.maximumf %add3A_74, %max3A_76 : vector<1x32xf32>
      %get3A_78 = arith.constant 0 : index
      %get3A_79 = arith.constant 0 : index
      %get3A_80 = vector.load %arg10[%get3A_78, %get3A_79] : memref<32x32xf32, #tpu.memory_space<vmem>>, vector<32x32xf32>
      %dot_general3A_81 = arith.constant dense<0.000000e+00> : vector<1x32xf32>
      %dot_general3A_82 = tpu.matmul %max3A_77, %get3A_80, %dot_general3A_81 {dimension_numbers = #tpu.dot_dimension_numbers<[1], [0], [0], [1], [0, 0, 1, 1], [], []>, precision = #tpu.contract_precision<fp32>, transpose_lhs_hint = false} : vector<1x32xf32>, vector<32x32xf32>, vector<1x32xf32> -> vector<1x32xf32>
      %get3A_83 = arith.constant 0 : index
      %get3A_84 = arith.constant 0 : index
      %get3A_85 = vector.load %arg11[%get3A_83, %get3A_84] : memref<1x32xf32, #tpu.memory_space<vmem>>, vector<1x32xf32>
      %add3A_86 = arith.addf %dot_general3A_82, %get3A_85 : vector<1x32xf32>
      %max3A_87 = arith.constant 0.000000e+00 : f32
      %max3A_88 = vector.broadcast %max3A_87 : f32 to vector<1x32xf32>
      %max3A_89 = arith.maximumf %add3A_86, %max3A_88 : vector<1x32xf32>
      %get3A_90 = arith.constant 0 : index
      %get3A_91 = arith.constant 0 : index
      %get3A_92 = vector.load %arg12[%get3A_90, %get3A_91] : memref<32x1xf32, #tpu.memory_space<vmem>>, vector<32x1xf32>
      %dot_general3A_93 = arith.constant dense<0.000000e+00> : vector<1x1xf32>
      %dot_general3A_94 = tpu.matmul %max3A_89, %get3A_92, %dot_general3A_93 {dimension_numbers = #tpu.dot_dimension_numbers<[1], [0], [0], [1], [0, 0, 1, 1], [], []>, precision = #tpu.contract_precision<fp32>, transpose_lhs_hint = false} : vector<1x32xf32>, vector<32x1xf32>, vector<1x1xf32> -> vector<1x1xf32>
      %get3A_95 = arith.constant 0 : index
      %get3A_96 = arith.constant 0 : index
      %get3A_97 = vector.load %arg13[%get3A_95, %get3A_96] : memref<1x1xf32, #tpu.memory_space<vmem>>, vector<1x1xf32>
      %add3A_98 = arith.addf %dot_general3A_94, %get3A_97 : vector<1x1xf32>
      %swap3A_99 = arith.constant 0 : index
      %swap3A_100 = arith.constant 0 : index
      %swap3A_101 = vector.load %arg14[%swap3A_99, %swap3A_100] : memref<1x1xf32, #tpu.memory_space<vmem>>, vector<1x1xf32>
      tpu.vector_store %arg14[%swap3A_99, %swap3A_100], %add3A_98 {strides = array<i32>} : memref<1x1xf32, #tpu.memory_space<vmem>>, vector<1x1xf32>,
    } else {
    }
    return
  }
  func.func @transform_0(%arg0: i32) -> (i32, i32) {
    %c0_i32 = arith.constant 0 : i32
    %c0_i32_0 = arith.constant 0 : i32
    return %arg0, %c0_i32 : i32, i32
  }
  func.func @transform_1(%arg0: i32) -> (i32, i32) {
    %add3A = arith.constant 10 : i32
    %add3A_0 = arith.addi %arg0, %add3A : i32
    %c0_i32 = arith.constant 0 : i32
    %c0_i32_1 = arith.constant 0 : i32
    return %add3A_0, %c0_i32 : i32, i32
  }
  func.func @transform_2(%arg0: i32) -> (i32, i32) {
    %c0_i32 = arith.constant 0 : i32
    %c0_i32_0 = arith.constant 0 : i32
    return %arg0, %c0_i32 : i32, i32
  }
  func.func @transform_3(%arg0: i32) -> (i32, i32) {
    %add3A = arith.constant 10 : i32
    %add3A_0 = arith.addi %arg0, %add3A : i32
    %c0_i32 = arith.constant 0 : i32
    %c0_i32_1 = arith.constant 0 : i32
    return %add3A_0, %c0_i32 : i32, i32
  }
  func.func @transform_4(%arg0: i32) -> (i32, i32) {
    %c0_i32 = arith.constant 0 : i32
    %c0_i32_0 = arith.constant 0 : i32
    return %arg0, %c0_i32 : i32, i32
  }
  func.func @transform_5(%arg0: i32) -> (i32, i32) {
    %c0_i32 = arith.constant 0 : i32
    %c0_i32_0 = arith.constant 0 : i32
    return %arg0, %c0_i32 : i32, i32
  }
  func.func @transform_6(%arg0: i32) -> (i32, i32) {
    %c0_i32 = arith.constant 0 : i32
    %c0_i32_0 = arith.constant 0 : i32
    %c0_i32_1 = arith.constant 0 : i32
    return %c0_i32, %c0_i32_0 : i32, i32
  }
  func.func @transform_7(%arg0: i32) -> (i32, i32) {
    %c0_i32 = arith.constant 0 : i32
    %c0_i32_0 = arith.constant 0 : i32
    %c0_i32_1 = arith.constant 0 : i32
    return %c0_i32, %c0_i32_0 : i32, i32
  }
  func.func @transform_8(%arg0: i32) -> (i32, i32) {
    %c0_i32 = arith.constant 0 : i32
    %c0_i32_0 = arith.constant 0 : i32
    %c0_i32_1 = arith.constant 0 : i32
    return %c0_i32, %c0_i32_0 : i32, i32
  }
  func.func @transform_9(%arg0: i32) -> (i32, i32) {
    %c0_i32 = arith.constant 0 : i32
    %c0_i32_0 = arith.constant 0 : i32
    %c0_i32_1 = arith.constant 0 : i32
    return %c0_i32, %c0_i32_0 : i32, i32
  }
  func.func @transform_10(%arg0: i32) -> (i32, i32) {
    %c0_i32 = arith.constant 0 : i32
    %c0_i32_0 = arith.constant 0 : i32
    %c0_i32_1 = arith.constant 0 : i32
    return %c0_i32, %c0_i32_0 : i32, i32
  }
  func.func @transform_11(%arg0: i32) -> (i32, i32) {
    %c0_i32 = arith.constant 0 : i32
    %c0_i32_0 = arith.constant 0 : i32
    %c0_i32_1 = arith.constant 0 : i32
    return %c0_i32, %c0_i32_0 : i32, i32
  }
  func.func @transform_12(%arg0: i32) -> (i32, i32) {
    %c0_i32 = arith.constant 0 : i32
    %c0_i32_0 = arith.constant 0 : i32
    %c0_i32_1 = arith.constant 0 : i32
    return %c0_i32, %c0_i32_0 : i32, i32
  }
  func.func @transform_13(%arg0: i32) -> (i32, i32) {
    %c0_i32 = arith.constant 0 : i32
    %c0_i32_0 = arith.constant 0 : i32
    %c0_i32_1 = arith.constant 0 : i32
    return %c0_i32, %c0_i32_0 : i32, i32
  }
}

</mosaic_0001>

<sc_bundles>
// kernel: kernel.6.cloned.1.call-start
scs
__scs_entry_jumppad:
0x0: {  	(pc) =	sbr.rel $0x88, $3  }
0x1: {  	(tag) =	ssettag $0x0;
	lr =	simm.s32 $0x1  }
0x2: {  	[smem:$0x3F97] =	sst lr;
	_ =	strace $0xD0000000  }
0x3: {  	_ = 	snop  }
0x4: {  	_ = 	snop  }
0x5: {  	_ = 	snop  }
0x6: {  	_ = 	snop  }
0x7: {  	_ = 	snop  }
__scs_overlays_trampoline_lowered:
0x8: {  	[smem:$0x3FA6] =	sst s0  }
0x9: {  	[smem:$0x3FA7] =	sst s1  }
0xa: {  	[smem:$0x3FA8] =	sst s2  }
0xb: {  	[smem:$0x3FA9] =	sst s3  }
0xc: {  	[smem:$0x3FAA] =	sst s4  }
0xd: {  	[smem:$0x3FAB] =	sst s5  }
0xe: {  	[smem:$0x3FAC] =	sst s6  }
0xf: {  	[smem:$0x3FAD] =	sst s7  }
0x10: {  	[smem:$0x3FAE] =	sst s8  }
0x11: {  	[smem:$0x3FAF] =	sst s9;
	s0 =	simm.s32 @!p0 $0x0  }
0x12: {  	s1 =	sld [smem:$0x3F95];
	s0 =	simm.s32 @p0 $0x1  }
0x13: {  	[smem:$0x3FB0] =	sst s0;
	s0 =	simm.s32 @!p1 $0x0  }
0x14: {  	s2 =	sld [smem:$0x3F94];
	s0 =	simm.s32 @p1 $0x1  }
0x15: {  	[smem:$0x3FB1] =	sst s0;
	s0 =	simm.s32 @!p2 $0x0  }
0x16: {  	s3 =	sld [smem:$0x3FDB];
	s0 =	simm.s32 @p2 $0x1  }
0x17: {  	s4 =	simm.s32 $0x1BF5;
	[smem:$0x3FB3] =	sst s0  }
0x18: {  	s0 =	sld [smem:$0x3F96];
	_ =	swait.ge [sflag:s4], $0x0  }
0x19: {  	s7 =	sld [smem:$0x3F97]  }
0x1a: {  	s8 =	sadd.s32 $0xFFFFE003, lr  }
0x1b: {  	s9 =	sadd.s32 $0xFFFFFEF7, lr;
	s5 =	simm.s32 $0xFFFFFFFF;
	p2 =	slt.u32 s8, $0xFFFFF086  }
0x1c: {  	p1 =	slt.u32 s9, $0xF7A;
	s5 =	simm.s32 @!p2 $0x0  }
0x1d: {  	s5 =	simm.s32 @p1 $0x1;
	p0 =	seq.s32 s7, s2  }
0x1e: {  	s7 =	smul.u32 @!p0 $0xF7A, s2;
	p2 =	seq.s32 @!p0 s5, $0x0  }
0x1f: {  	s9 =	smul.u32 $0xF7A, s1;
	s8 =	simm.s32 @!p0 $0x1BF5;
	p2 =	por !p2, p0  }
0x20: {  	[sflag:s8] =	ssyncset.s32 @!p0 $0xFFFFF086;
	s6 =	sadd.s32 @!p0 s3, s7;
	s7 =	simm.s32 @!p0 $0x108  }
0x21: {  	s3 =	sadd.s32 s3, s9;
	s6 =	sadd.s32 @!p0 $0x88, s6;
	s7 =	simm.s32 @p2 $0x1082  }
0x22: {  	[simem:s7], [sflag:s8] =	dma.local @!p0 [hbm:s6], $0xF7A  }
0x23: {  	s9 =	sor.u32 $0xD0000000, s2;
	s6 =	simm.s32 $0x108;
	_ =	swait.ge @!p0 [sflag:s8], $0x0  }
0x24: {  	s3 =	sadd.s32 $0x88, s3;
	s6 =	simm.s32 @!p1 $0x1082;
	[sflag:s4] =	ssyncset.s32 $0xFFFFF086  }
0x25: {  	[simem:s6], [sflag:s4] =	dma.local [hbm:s3], $0xF7A  }
0x26: {  	[smem:$0x3F97] =	sst s1;
	(tag) =	ssettag s2;
	_ =	strace s9  }
0x27: {  	s1 =	sld [smem:$0x3FA7]  }
0x28: {  	s2 =	sld [smem:$0x3FA8]  }
0x29: {  	s4 =	sld [smem:$0x3FAA]  }
0x2a: {  	p0 =	seq.s32 s5, $0x0;
	s5 =	sld [smem:$0x3FAB]  }
0x2b: {  	s6 =	sld [smem:$0x3FAC]  }
0x2c: {  	s7 =	sld [smem:$0x3FAD]  }
0x2d: {  	s3 =	simm.s32 $0x108;
	s8 =	sld [smem:$0x3FAE]  }
0x2e: {  	s3 =	simm.s32 @!p0 $0x1082;
	s9 =	sld [smem:$0x3FAF]  }
0x2f: {  	lr =	sadd.s32 s0, s3;
	s0 =	sld [smem:$0x3FA6]  }
0x30: {  	s3 =	sld [smem:$0x3FA9]  }
0x31: {  	[smem:$0x3FB2] =	sst s10  }
0x32: {  	s10 =	sld [smem:$0x3FB0];
	_ =	sdelay $0x3  }
0x33: {  	p0 =	seq.s32 s10, $0x1;
	s10 =	sld [smem:$0x3FB2];
	_ =	sdelay $0x3  }
0x34: {  	[smem:$0x3FB2] =	sst s10  }
0x35: {  	s10 =	sld [smem:$0x3FB1];
	_ =	sdelay $0x3  }
0x36: {  	p1 =	seq.s32 s10, $0x1;
	s10 =	sld [smem:$0x3FB2];
	_ =	sdelay $0x3  }
0x37: {  	[smem:$0x3FB2] =	sst s10  }
0x38: {  	s10 =	sld [smem:$0x3FB3]  }
0x39: {  	_ = 	snop;
	(pc) =	sbr.ind lr, $3  }
0x3a: {  	_ = 	snop  }
0x3b: {  	_ = 	snop  }
0x3c: {  	p2 =	seq.s32 s10, $0x1;
	s10 =	sld [smem:$0x3FB2]  }
0x3d: {  	_ =	shalt  }
0x3e: {  	_ =	shalt  }
0x3f: {  	_ =	shalt  }
0x40: {  	_ =	shalt  }
0x41: {  	_ =	shalt  }
0x42: {  	_ =	shalt  }
0x43: {  	_ =	shalt  }
0x44: {  	_ =	shalt  }
0x45: {  	_ =	shalt  }
0x46: {  	_ =	shalt  }
0x47: {  	_ =	shalt  }
0x48: {  	_ =	shalt  }
0x49: {  	_ =	shalt  }
0x4a: {  	_ =	shalt  }
0x4b: {  	_ =	shalt  }
0x4c: {  	_ =	shalt  }
0x4d: {  	_ =	shalt  }
0x4e: {  	_ =	shalt  }
0x4f: {  	_ =	shalt  }
0x50: {  	_ =	shalt  }
0x51: {  	_ =	shalt  }
0x52: {  	_ =	shalt  }
0x53: {  	_ =	shalt  }
0x54: {  	_ =	shalt  }
0x55: {  	_ =	shalt  }
0x56: {  	_ =	shalt  }
0x57: {  	_ =	shalt  }
0x58: {  	_ =	shalt  }
0x59: {  	_ =	shalt  }
0x5a: {  	_ =	shalt  }
0x5b: {  	_ =	shalt  }
0x5c: {  	_ =	shalt  }
0x5d: {  	_ =	shalt  }
0x5e: {  	_ =	shalt  }
0x5f: {  	_ =	shalt  }
0x60: {  	_ =	shalt  }
0x61: {  	_ =	shalt  }
0x62: {  	_ =	shalt  }
0x63: {  	_ =	shalt  }
0x64: {  	_ =	shalt  }
0x65: {  	_ =	shalt  }
0x66: {  	_ =	shalt  }
0x67: {  	_ =	shalt  }
0x68: {  	_ =	shalt  }
0x69: {  	_ =	shalt  }
0x6a: {  	_ =	shalt  }
0x6b: {  	_ =	shalt  }
0x6c: {  	_ =	shalt  }
0x6d: {  	_ =	shalt  }
0x6e: {  	_ =	shalt  }
0x6f: {  	_ =	shalt  }
0x70: {  	_ =	shalt  }
0x71: {  	_ =	shalt  }
0x72: {  	_ =	shalt  }
0x73: {  	_ =	shalt  }
0x74: {  	_ =	shalt  }
0x75: {  	_ =	shalt  }
0x76: {  	_ =	shalt  }
0x77: {  	_ =	shalt  }
0x78: {  	_ =	shalt  }
0x79: {  	_ =	shalt  }
0x7a: {  	_ =	shalt  }
0x7b: {  	_ =	shalt  }
0x7c: {  	_ =	shalt  }
0x7d: {  	_ =	shalt  }
0x7e: {  	_ =	shalt  }
0x7f: {  	_ =	shalt  }
0x80: {  	_ =	shalt  }
0x81: {  	_ =	shalt  }
0x82: {  	_ =	shalt  }
0x83: {  	_ =	shalt  }
0x84: {  	_ =	shalt  }
0x85: {  	_ =	shalt  }
0x86: {  	_ =	shalt  }
0x87: {  	_ =	shalt  }
.Lfunc_end0:
.L_simem_size_0:
called_computation_lowered:
.L_overlay_start_0:
0x88: {  	s2 =	sld [smem:$0x3FD9]  }
0x89: {  	s3 =	sld [smem:$0x3FFE];
	_ =	sdelay $0x1  }
0x8a: {  	s1 =	srdreg.scid  }
0x8b: {  	s0 =	sand.u32 $0x1, s1  }
0x8c: {  	s16 =	sshll.u32 s0, $0xA;
	s2 =	sadd.s32 s3, s2  }
0x8d: {  	s2 =	sadd.s32 s2, s16  }
0x8e: {  	[smem:$0x3FBE] =	sst s2  }
0x8f: {  	_ = 	snop  }
0x90: {  	(tm) =	ssettm $0x1  }
0x91: {  	s17 =	sld [smem:$0x3FFB];
	_ =	sdelay $0x3  }
0x92: {  	_ =	strace s17  }
0x93: {  	s2 =	sld [smem:$0x3FFC];
	_ =	sdelay $0x3  }
0x94: {  	_ =	strace s2  }
0x95: {  	s2 =	sld [smem:$0x3FFD];
	_ =	sdelay $0x3  }
0x96: {  	_ =	strace s2  }
0x97: {  	_ =	strace $0x8FFFFFFF  }
0x98: {  	s18 =	sld [smem:$0x3FDB];
	_ =	sdelay $0x1  }
0x99: {  	s19 =	simm.s32 $_scs_section_size  }
0x9a: {  	s4 =	simm.s32 $_size__tile_overlayer_lowered;
	s5 =	simm.s32 $_tile_overlayer_lowered  }
0x9b: {  	s22 =	simm.s32 $0x1BFF;
	s21 =	sshll.u32 s5, $0x1;
	s2 =	sadd.s32 s19, s18  }
0x9c: {  	s6 =	simm.s32 $0x0;
	s20 =	sshll.u32 s4, $0x1;
	s4 =	sadd.s32 s21, s2  }
0x9d: {  	[timem:s6], [sflag:s22] =	dma.local [hbm:s4], s20  }
0x9e: {  	_ =	swait.ge [sflag:s22], s20  }
0x9f: {  	s3 =	ssub.s32 $0x0, s20;
	[sflag:s22] =	ssyncset.done $0x0  }
0xa0: {  	[sflag:s22] =	ssyncadd.s32 s3;
	_ =	sdelay $0x1  }
0xa1: {  	s23 =	simm.s32 $0x1B8B  }
0xa2: {  	_ =	swait.ge [sflag:s23], $0x1  }
0xa3: {  	[sflag:s23] =	ssyncset.done $0x0  }
0xa4: {  	s25 =	simm.s32 $0x1B8E;
	s24 =	sld [smem:$0x3FFE];
	[sflag:s23] =	ssyncadd.s32 $0xFFFFFFFF  }
0xa5: {  	s26 =	simm.s32 $execute0_lowered;
	[smem:$0x3FD2] =	sst s25  }
0xa6: {  	s4 =	sshll.u32 s26, $0x1;
	_ =	strace $0x80000046;
	[dreg:$0x1] =	wrdreg $0xFFFFFFFF  }
0xa7: {  	s28 =	simm.s32 $_size_execute0_lowered;
	s2 =	sadd.s32 s2, s4;
	[dreg:$0x0] =	wrdreg $0x0  }
0xa8: {  	s4 =	sshll.u32 s28, $0x1;
	[dreg:$0x2] =	wrdreg s2  }
0xa9: {  	[dreg:$0x3] =	wrdreg s4  }
0xaa: {  	[dreg:$0x4] =	wrdreg $0xC0  }
0xab: {  	_ =	task [dreg:s6], $0x5FFFF  }
0xac: {  	[dreg:$0x1] =	wrdreg $0xFFFFFFFF  }
0xad: {  	[dreg:$0x0] =	wrdreg $0x60  }
0xae: {  	[dreg:$0x2] =	wrdreg s24  }
0xaf: {  	[dreg:$0x3] =	wrdreg $0x8800  }
0xb0: {  	[dreg:$0x4] =	wrdreg $0x9  }
0xb1: {  	_ =	task.clear_ibuf [dreg:s6], $0x5FFFF;
	_ =	strace $0x90000046  }
0xb2: {  	s29 =	simm.s32 $0x9;
	_ =	strace $0x80000048  }
0xb3: {  	_ =	swait.ge [sflag:s29], $0x1  }
0xb4: {  	[sflag:s29] =	ssyncadd.s32 $0xFFFFFFFF  }
0xb5: {  	_ =	strace $0x90000048  }
0xb6: {  	_ =	sfence  }
0xb7: {  	s30 =	sld [smem:$0x0];
	_ =	sdelay $0x2  }
0xb8: {  	s31 =	sshll.u32 s1, $0xD;
	s1 =	sshrl.u32 s1, $0x2  }
0xb9: {  	s3 =	sand.u32 $0x4000, s31;
	s1 =	sadd.s32 s1, s30  }
0xba: {  	s0 =	sor.u32 s3, s0;
	s1 =	sshll.u32 s1, $0x11  }
0xbb: {  	s0 =	sor.u32 s1, s0  }
0xbc: {  	s0 =	sadd.s32 $0x8F2B, s0  }
0xbd: {  	[sflag:s0] =	ssyncadd.remote.s32 $0x1  }
0xbe: {  	_ =	sfence.sel $0xFFFF  }
0xbf: {  	[dreg:$0x0] =	wrdreg $0xFFFFFFFF;
	(pc) =	sbr.abs _section_cstart, $3  }
0xc0: {  	[dreg:$0x1] =	wrdreg $0xFFFFFFFF  }
0xc1: {  	_ =	task.clear_ibuf [dreg:s6], $0x2FFFF;
	_ =	strace $0x9FFFFFFF  }
0xc2: {  	(tm) =	ssettm $0x7FFFFFFF  }
0xc3: {  	_ =	shalt  }
tec
execute0_lowered:
.L_overlay_start_1:
0x0: {  	(tag) =	ssettag $0x1  }
0x1: {  	s4 =	rddreg [dreg:$0x0]  }
0x2: {  	s2 =	rddreg [dreg:$0x1]  }
0x3: {  	s0 =	srdreg.scid;
	s1 =	rddreg [dreg:$0x2];
	s3 =	simm.s32 $0x0  }
0x4: {  	s11 =	simm.s32 $0x400;
	s12 =	simm.s32 $0x80;
	s5 =	sand.u32 $0x1, s0  }
0x5: {  	s13 =	simm.s32 $0x100;
	s0 =	stileid.u32;
	s6 =	smul.u32 $0x14000, s5  }
0x6: {  	s14 =	simm.s32 $0x180;
	s15 =	simm.s32 $0x200;
	s7 =	smul.u32 $0x1400, s0  }
0x7: {  	s16 =	simm.s32 $0x280;
	s17 =	simm.s32 $0x300;
	s8 =	smul.u32 $0x3E8, s0  }
0x8: {  	s18 =	simm.s32 $0x380;
	s19 =	simm.s32 $0x0;
	s9 =	smul.u32 $0x2710, s5  }
0x9: {  	[smem:$0x7FF] =	sst s3;
	s26 =	smul.u32 $0xFA0, s0;
	s5 =	ssub.s32 $0x2, s5  }
0xa: {  	_ =	strace $0x80000047;
	p0 =	sgt.u32 s0, $0x9;
	s29 =	sshrl.u32 s5, $0x1  }
0xb: {  	s6 =	sadd.s32 s7, s6;
	s25 =	sadd.s32 s8, s9;
	s30 =	sshrl.u32 s26, $0x2  }
0xc: {  	s31 =	ssub.s32 s5, s29;
	s5 =	sadd.s32 s8, s2;
	s9 =	simm.s32 $0x1  }
0xd: {  	s6 =	sshrl.u32 s6, $0x3;
	s28 =	sshrl.u32 s25, $0x3;
	s7 =	smax.u32 s31, $0x1  }
0xe: {  	s10 =	sadd.s32 s6, s4;
	s6 =	sadd.s32 s28, s4;
	s4 =	sadd.s32 s30, s2  }
0xf: {  	v0 =	vimm.f32 $0.0e+00;
	v1 =	vimm.f32 $1.000000000e+00;
	s6 =	sadd.s32 $0x6400, s6;
	s8 =	sadd.s32 $0x1400, s10;
	s10 =	simm.s32 $0x7D  }
.LBB2_1:
0x10: {  	[tilespmem:$0x480] =	vst v0  }
0x11: {  	[tilespmem:$0x490] =	vst v0  }
0x12: {  	[tilespmem:$0x4A0] =	vst v0  }
0x13: {  	[tilespmem:$0x4B0] =	vst v0  }
0x14: {  	[tilespmem:$0x4C0] =	vst v0  }
0x15: {  	[tilespmem:$0x4D0] =	vst v0  }
0x16: {  	[tilespmem:$0x4E0] =	vst v0  }
0x17: {  	[tilespmem:$0x4F0] =	vst v0  }
0x18: {  	[tilespmem:$0x500] =	vst v0  }
0x19: {  	[tilespmem:$0x510] =	vst v0  }
0x1a: {  	[tilespmem:$0x520] =	vst v0  }
0x1b: {  	[tilespmem:$0x530] =	vst v0  }
0x1c: {  	[tilespmem:$0x540] =	vst v0  }
0x1d: {  	[tilespmem:$0x550] =	vst v0  }
0x1e: {  	[tilespmem:$0x560] =	vst v0  }
0x1f: {  	[tilespmem:$0x570] =	vst v0  }
0x20: {  	[tilespmem:$0x580] =	vst v0  }
0x21: {  	[tilespmem:$0x590] =	vst v0  }
0x22: {  	[tilespmem:$0x5A0] =	vst v0  }
0x23: {  	[tilespmem:$0x5B0] =	vst v0  }
0x24: {  	[tilespmem:$0x5C0] =	vst v0  }
0x25: {  	[tilespmem:$0x5D0] =	vst v0  }
0x26: {  	[tilespmem:$0x5E0] =	vst v0  }
0x27: {  	[tilespmem:$0x5F0] =	vst v0  }
0x28: {  	[tilespmem:$0x600] =	vst v0  }
0x29: {  	[tilespmem:$0x610] =	vst v0  }
0x2a: {  	[tilespmem:$0x620] =	vst v0  }
0x2b: {  	[tilespmem:$0x630] =	vst v0  }
0x2c: {  	[tilespmem:$0x640] =	vst v0  }
0x2d: {  	[tilespmem:$0x650] =	vst v0  }
0x2e: {  	[tilespmem:$0x660] =	vst v0  }
0x2f: {  	[tilespmem:$0x670] =	vst v0  }
0x30: {  	[tilespmem:$0x680] =	vst v0  }
0x31: {  	[tilespmem:$0x690] =	vst v0  }
0x32: {  	[tilespmem:$0x6A0] =	vst v0  }
0x33: {  	[tilespmem:$0x6B0] =	vst v0  }
0x34: {  	[tilespmem:$0x6C0] =	vst v0  }
0x35: {  	[tilespmem:$0x6D0] =	vst v0  }
0x36: {  	[tilespmem:$0x6E0] =	vst v0  }
0x37: {  	[tilespmem:$0x6F0] =	vst v0  }
0x38: {  	[tilespmem:$0x700] =	vst v0  }
0x39: {  	[tilespmem:$0x710] =	vst v0  }
0x3a: {  	[tilespmem:$0x720] =	vst v0  }
0x3b: {  	[tilespmem:$0x730] =	vst v0  }
0x3c: {  	[tilespmem:$0x740] =	vst v0  }
0x3d: {  	[tilespmem:$0x750] =	vst v0  }
0x3e: {  	[tilespmem:$0x760] =	vst v0  }
0x3f: {  	[tilespmem:$0x770] =	vst v0  }
0x40: {  	[tilespmem:$0x780] =	vst v0  }
0x41: {  	[tilespmem:$0x790] =	vst v0  }
0x42: {  	[tilespmem:$0x7A0] =	vst v0  }
0x43: {  	[tilespmem:$0x7B0] =	vst v0  }
0x44: {  	[tilespmem:$0x7C0] =	vst v0  }
0x45: {  	[tilespmem:$0x7D0] =	vst v0  }
0x46: {  	[tilespmem:$0x7E0] =	vst v0  }
0x47: {  	[tilespmem:$0x7F0] =	vst v0  }
0x48: {  	[tilespmem:$0x800] =	vst v0  }
0x49: {  	[tilespmem:$0x810] =	vst v0  }
0x4a: {  	[tilespmem:$0x820] =	vst v0  }
0x4b: {  	[tilespmem:$0x830] =	vst v0  }
0x4c: {  	[tilespmem:$0x840] =	vst v0  }
0x4d: {  	[tilespmem:$0x850] =	vst v0  }
0x4e: {  	[tilespmem:$0x860] =	vst v0  }
0x4f: {  	[tilespmem:$0x870] =	vst v0  }
0x50: {  	[tilespmem:$0x400] =	vst v1  }
0x51: {  	[tilespmem:$0x410] =	vst v1  }
0x52: {  	[tilespmem:$0x420] =	vst v1  }
0x53: {  	[tilespmem:$0x430] =	vst v1  }
0x54: {  	[tilespmem:$0x440] =	vst v1  }
0x55: {  	[tilespmem:$0x450] =	vst v1  }
0x56: {  	[tilespmem:$0x460] =	vst v1  }
0x57: {  	[tilespmem:$0x470] =	vst v1;
	s20 =	simm.s32 @!p0 $0x480  }
0x58: {  	[spmem:s4] =	stream.linear.scatter @!p0 [tilespmem:s20], [sflag:$0x1], $0x3E8, $0x38;
	[tilespmem:$0xAF8] =	vst v63  }
0x59: {  	s20 =	simm.s32 @!p0 $0x1  }
0x5a: {  	_ =	swait.ge @!p0 [sflag:s20], $0x3E8  }
0x5b: {  	[sflag:s20] =	ssyncset.done @!p0 $0x0  }
0x5c: {  	[sflag:s20] =	ssyncadd.s32 @!p0 $0xFFFFFC18  }
0x5d: {  	s31 =	sadd.s32 $0x0, s8;
	[bflag:$0x0] =	sbarrier.arrive $0xFFFF  }
0x5e: {  	[tilespmem:s3], [sflag:$0x1] =	stream.linear.gather [hbm4b:s31+s3], $0x400, $0x38;
	[tilespmem:$0xAF8] =	vst v63  }
0x5f: {  	_ =	swait.ge [sflag:s9], $0x400  }
0x60: {  	[sflag:s9] =	ssyncset.done $0x0  }
0x61: {  	[sflag:s9] =	ssyncadd.s32 $0xFFFFFC00  }
0x62: {  	[spmem:s2] =	stream.indirect.scatter.add.f32 [tilespmem:s11], [sflag:$0x1], $0x1, s3, s10, $0xb8;
	[tilespmem:$0xAF8] =	vst v63  }
0x63: {  	_ =	swait.ge [sflag:s9], $0x7D  }
0x64: {  	[sflag:s9] =	ssyncset.done $0x0  }
0x65: {  	[sflag:s9] =	ssyncadd.s32 $0xFFFFFF83  }
0x66: {  	[spmem:s2] =	stream.indirect.scatter.add.f32 [tilespmem:s11], [sflag:$0x1], $0x1, s12, s10, $0xb8;
	[tilespmem:$0xAF8] =	vst v63  }
0x67: {  	_ =	swait.ge [sflag:s9], $0x7D  }
0x68: {  	[sflag:s9] =	ssyncset.done $0x0  }
0x69: {  	[sflag:s9] =	ssyncadd.s32 $0xFFFFFF83  }
0x6a: {  	[spmem:s2] =	stream.indirect.scatter.add.f32 [tilespmem:s11], [sflag:$0x1], $0x1, s13, s10, $0xb8;
	[tilespmem:$0xAF8] =	vst v63  }
0x6b: {  	_ =	swait.ge [sflag:s9], $0x7D  }
0x6c: {  	[sflag:s9] =	ssyncset.done $0x0  }
0x6d: {  	[sflag:s9] =	ssyncadd.s32 $0xFFFFFF83  }
0x6e: {  	[spmem:s2] =	stream.indirect.scatter.add.f32 [tilespmem:s11], [sflag:$0x1], $0x1, s14, s10, $0xb8;
	[tilespmem:$0xAF8] =	vst v63  }
0x6f: {  	_ =	swait.ge [sflag:s9], $0x7D  }
0x70: {  	[sflag:s9] =	ssyncset.done $0x0  }
0x71: {  	[sflag:s9] =	ssyncadd.s32 $0xFFFFFF83  }
0x72: {  	[spmem:s2] =	stream.indirect.scatter.add.f32 [tilespmem:s11], [sflag:$0x1], $0x1, s15, s10, $0xb8;
	[tilespmem:$0xAF8] =	vst v63  }
0x73: {  	_ =	swait.ge [sflag:s9], $0x7D  }
0x74: {  	[sflag:s9] =	ssyncset.done $0x0  }
0x75: {  	[sflag:s9] =	ssyncadd.s32 $0xFFFFFF83  }
0x76: {  	[spmem:s2] =	stream.indirect.scatter.add.f32 [tilespmem:s11], [sflag:$0x1], $0x1, s16, s10, $0xb8;
	[tilespmem:$0xAF8] =	vst v63  }
0x77: {  	_ =	swait.ge [sflag:s9], $0x7D  }
0x78: {  	[sflag:s9] =	ssyncset.done $0x0  }
0x79: {  	[sflag:s9] =	ssyncadd.s32 $0xFFFFFF83  }
0x7a: {  	[spmem:s2] =	stream.indirect.scatter.add.f32 [tilespmem:s11], [sflag:$0x1], $0x1, s17, s10, $0xb8;
	[tilespmem:$0xAF8] =	vst v63  }
0x7b: {  	_ =	swait.ge [sflag:s9], $0x7D  }
0x7c: {  	[sflag:s9] =	ssyncset.done $0x0  }
0x7d: {  	[sflag:s9] =	ssyncadd.s32 $0xFFFFFF83  }
0x7e: {  	[spmem:s2] =	stream.indirect.scatter.add.f32 [tilespmem:s11], [sflag:$0x1], $0x1, s18, s10, $0xb8;
	[tilespmem:$0xAF8] =	vst v63  }
0x7f: {  	_ =	swait.ge [sflag:s9], $0x7D  }
0x80: {  	s22 =	simm.s32 $0x100;
	s20 =	simm.s32 $0x80;
	[sflag:s9] =	ssyncset.done $0x0  }
.LBB2_2:
0x81: {  	s23 =	sadd.s32 s20, s8  }
0x82: {  	[sflag:s9] =	ssyncadd.s32 $0xFFFFFF83;
	s20 =	smov.u32 s22;
	s21 =	sadd.s32 $0x80, s22  }
0x83: {  	[tilespmem:s3], [sflag:$0x1] =	stream.linear.gather [hbm4b:s23+s3], $0x400, $0x38;
	[tilespmem:$0xAF8] =	vst v63  }
0x84: {  	p1 =	sne.s32 s22, $0x200;
	_ =	swait.ge [sflag:s9], $0x400  }
0x85: {  	[sflag:s9] =	ssyncset.done $0x0  }
0x86: {  	[sflag:s9] =	ssyncadd.s32 $0xFFFFFC00  }
0x87: {  	[spmem:s2] =	stream.indirect.scatter.add.f32 [tilespmem:s11], [sflag:$0x1], $0x1, s3, s10, $0xb8;
	[tilespmem:$0xAF8] =	vst v63  }
0x88: {  	_ =	swait.ge [sflag:s9], $0x7D  }
0x89: {  	[sflag:s9] =	ssyncset.done $0x0  }
0x8a: {  	[sflag:s9] =	ssyncadd.s32 $0xFFFFFF83  }
0x8b: {  	[spmem:s2] =	stream.indirect.scatter.add.f32 [tilespmem:s11], [sflag:$0x1], $0x1, s12, s10, $0xb8;
	[tilespmem:$0xAF8] =	vst v63  }
0x8c: {  	_ =	swait.ge [sflag:s9], $0x7D  }
0x8d: {  	[sflag:s9] =	ssyncset.done $0x0  }
0x8e: {  	[sflag:s9] =	ssyncadd.s32 $0xFFFFFF83  }
0x8f: {  	[spmem:s2] =	stream.indirect.scatter.add.f32 [tilespmem:s11], [sflag:$0x1], $0x1, s13, s10, $0xb8;
	[tilespmem:$0xAF8] =	vst v63  }
0x90: {  	_ =	swait.ge [sflag:s9], $0x7D  }
0x91: {  	[sflag:s9] =	ssyncset.done $0x0  }
0x92: {  	[sflag:s9] =	ssyncadd.s32 $0xFFFFFF83  }
0x93: {  	[spmem:s2] =	stream.indirect.scatter.add.f32 [tilespmem:s11], [sflag:$0x1], $0x1, s14, s10, $0xb8;
	[tilespmem:$0xAF8] =	vst v63  }
0x94: {  	_ =	swait.ge [sflag:s9], $0x7D  }
0x95: {  	[sflag:s9] =	ssyncset.done $0x0  }
0x96: {  	[sflag:s9] =	ssyncadd.s32 $0xFFFFFF83  }
0x97: {  	[spmem:s2] =	stream.indirect.scatter.add.f32 [tilespmem:s11], [sflag:$0x1], $0x1, s15, s10, $0xb8;
	[tilespmem:$0xAF8] =	vst v63  }
0x98: {  	_ =	swait.ge [sflag:s9], $0x7D  }
0x99: {  	[sflag:s9] =	ssyncset.done $0x0  }
0x9a: {  	[sflag:s9] =	ssyncadd.s32 $0xFFFFFF83  }
0x9b: {  	[spmem:s2] =	stream.indirect.scatter.add.f32 [tilespmem:s11], [sflag:$0x1], $0x1, s16, s10, $0xb8;
	[tilespmem:$0xAF8] =	vst v63  }
0x9c: {  	_ =	swait.ge [sflag:s9], $0x7D  }
0x9d: {  	[sflag:s9] =	ssyncset.done $0x0  }
0x9e: {  	[sflag:s9] =	ssyncadd.s32 $0xFFFFFF83  }
0x9f: {  	[spmem:s2] =	stream.indirect.scatter.add.f32 [tilespmem:s11], [sflag:$0x1], $0x1, s17, s10, $0xb8;
	[tilespmem:$0xAF8] =	vst v63  }
0xa0: {  	_ =	swait.ge [sflag:s9], $0x7D  }
.Ltmp0:
0xa1: {  	[sflag:s9] =	ssyncset.done $0x0;
	(pc) =	sbr.rel @p1 .LBB2_2-.Ltmp0, $4  }
0xa2: {  	[sflag:s9] =	ssyncadd.s32 $0xFFFFFF83  }
0xa3: {  	[spmem:s2] =	stream.indirect.scatter.add.f32 [tilespmem:s11], [sflag:$0x1], $0x1, s18, s10, $0xb8;
	[tilespmem:$0xAF8] =	vst v63  }
0xa4: {  	_ =	swait.ge [sflag:s9], $0x7D  }
0xa5: {  	s22 =	smov.u32 s21;
	[sflag:s9] =	ssyncset.done $0x0  }
0xa6: {  	s20 =	sadd.s32 s20, s8;
	[sflag:s9] =	ssyncadd.s32 $0xFFFFFF83  }
0xa7: {  	[tilespmem:s3], [sflag:$0x1] =	stream.linear.gather [hbm4b:s20+s3], $0x400, $0x38;
	[tilespmem:$0xAF8] =	vst v63  }
0xa8: {  	_ =	swait.ge [sflag:s9], $0x400  }
0xa9: {  	[sflag:s9] =	ssyncset.done $0x0  }
0xaa: {  	[sflag:s9] =	ssyncadd.s32 $0xFFFFFC00  }
0xab: {  	[spmem:s2] =	stream.indirect.scatter.add.f32 [tilespmem:s11], [sflag:$0x1], $0x1, s3, s10, $0xb8;
	[tilespmem:$0xAF8] =	vst v63  }
0xac: {  	_ =	swait.ge [sflag:s9], $0x7D  }
0xad: {  	[sflag:s9] =	ssyncset.done $0x0  }
0xae: {  	[sflag:s9] =	ssyncadd.s32 $0xFFFFFF83  }
0xaf: {  	[spmem:s2] =	stream.indirect.scatter.add.f32 [tilespmem:s11], [sflag:$0x1], $0x1, s12, s10, $0xb8;
	[tilespmem:$0xAF8] =	vst v63  }
0xb0: {  	_ =	swait.ge [sflag:s9], $0x7D  }
0xb1: {  	[sflag:s9] =	ssyncset.done $0x0  }
0xb2: {  	[sflag:s9] =	ssyncadd.s32 $0xFFFFFF83  }
0xb3: {  	[spmem:s2] =	stream.indirect.scatter.add.f32 [tilespmem:s11], [sflag:$0x1], $0x1, s13, s10, $0xb8;
	[tilespmem:$0xAF8] =	vst v63  }
0xb4: {  	_ =	swait.ge [sflag:s9], $0x7D  }
0xb5: {  	[sflag:s9] =	ssyncset.done $0x0  }
0xb6: {  	[sflag:s9] =	ssyncadd.s32 $0xFFFFFF83  }
0xb7: {  	[spmem:s2] =	stream.indirect.scatter.add.f32 [tilespmem:s11], [sflag:$0x1], $0x1, s14, s10, $0xb8;
	[tilespmem:$0xAF8] =	vst v63  }
0xb8: {  	_ =	swait.ge [sflag:s9], $0x7D  }
0xb9: {  	[sflag:s9] =	ssyncset.done $0x0  }
0xba: {  	[sflag:s9] =	ssyncadd.s32 $0xFFFFFF83  }
0xbb: {  	[spmem:s2] =	stream.indirect.scatter.add.f32 [tilespmem:s11], [sflag:$0x1], $0x1, s15, s10, $0xb8;
	[tilespmem:$0xAF8] =	vst v63  }
0xbc: {  	_ =	swait.ge [sflag:s9], $0x7D  }
0xbd: {  	[sflag:s9] =	ssyncset.done $0x0  }
0xbe: {  	[sflag:s9] =	ssyncadd.s32 $0xFFFFFF83  }
0xbf: {  	[spmem:s2] =	stream.indirect.scatter.add.f32 [tilespmem:s11], [sflag:$0x1], $0x1, s16, s10, $0xb8;
	[tilespmem:$0xAF8] =	vst v63  }
0xc0: {  	_ =	swait.ge [sflag:s9], $0x7D  }
0xc1: {  	[sflag:s9] =	ssyncset.done $0x0  }
0xc2: {  	[sflag:s9] =	ssyncadd.s32 $0xFFFFFF83  }
0xc3: {  	[spmem:s2] =	stream.indirect.scatter.add.f32 [tilespmem:s11], [sflag:$0x1], $0x1, s17, s10, $0xb8;
	[tilespmem:$0xAF8] =	vst v63  }
0xc4: {  	_ =	swait.ge [sflag:s9], $0x7D  }
0xc5: {  	[sflag:s9] =	ssyncset.done $0x0  }
0xc6: {  	[sflag:s9] =	ssyncadd.s32 $0xFFFFFF83  }
0xc7: {  	[spmem:s2] =	stream.indirect.scatter.add.f32 [tilespmem:s11], [sflag:$0x1], $0x1, s18, s10, $0xb8;
	[tilespmem:$0xAF8] =	vst v63  }
0xc8: {  	_ =	swait.ge [sflag:s9], $0x7D  }
0xc9: {  	[sflag:s9] =	ssyncset.done $0x0  }
0xca: {  	[sflag:s9] =	ssyncadd.s32 $0xFFFFFF83  }
0xcb: {  	s21 =	simm.s32 @!p0 $0x1;
	s20 =	simm.s32 @!p0 $0x480;
	[bflag:$0x0] =	sbarrier.arrive $0xFFFF  }
0xcc: {  	[tilespmem:s20], [sflag:$0x1] =	stream.linear.gather @!p0 [spmem:s5], $0x3E8, $0x38;
	[tilespmem:$0xAF8] =	vst v63  }
0xcd: {  	s19 =	sadd.s32 $0x1, s19;
	_ =	swait.ge @!p0 [sflag:s21], $0x3E8  }
0xce: {  	p1 =	sne.s32 s19, s7;
	[sflag:s21] =	ssyncset.done @!p0 $0x0  }
.Ltmp1:
0xcf: {  	s22 =	simm.s32 @!p0 $0x0;
	[sflag:s21] =	ssyncadd.s32 @!p0 $0xFFFFFC18;
	(pc) =	sbr.rel @p1 .LBB2_1-.Ltmp1, $4  }
0xd0: {  	[hbm4b:s6+s22] =	stream.linear.scatter @!p0 [tilespmem:s20], [sflag:$0x1], $0x3E8, $0x38;
	[tilespmem:$0xAF8] =	vst v63  }
0xd1: {  	_ =	swait.ge @!p0 [sflag:s21], $0x3E8  }
0xd2: {  	[sflag:s21] =	ssyncset.done @!p0 $0x0  }
0xd3: {  	[sflag:s21] =	ssyncadd.s32 @!p0 $0xFFFFFC18  }
0xd4: {  	_ =	sfence.sel $0x180000  }
0xd5: {  	[bflag:$0x0] =	sbarrier.arrive $0xFFFF  }
0xd6: {  	p0 =	sne.s32 s0, $0x0;
	_ =	strace $0x90000047  }
0xd7: {  	s0 =	sadd.s32 @!p0 $0x100000, s1;
	[bflag:$0x2] =	sbarrier.arrive $0xFFFF  }
0xd8: {  	[sflag:s0] =	ssyncadd.tile.s32 @!p0 $0x1;
	_ =	shalt  }
.Lfunc_end2:
_tile_overlayer_lowered:
.L_overlay_start_2:
0xd9: {  	(tag) =	ssettag $0x2  }
0xda: {  	s0 =	rddreg [dreg:$0x0];
	s2 =	stileid.u32  }
0xdb: {  	s1 =	rddreg [dreg:$0x1];
	p0 =	sne.s32 s2, $0x0  }
0xdc: {  	s3 =	rddreg [dreg:$0x2];
	[bflag:$0x3] =	sbarrier.arrive $0xFFFF;
	s2 =	simm.s32 @!p0 $0x1C01  }
0xdd: {  	[timem:s3], [sflag:s2] =	dma.local @!p0 [hbm:s0], s1  }
0xde: {  	s0 =	simm.s32 @!p0 $0x1  }
0xdf: {  	_ =	swait.ge @!p0 [sflag:s0], s1  }
0xe0: {  	s1 =	ssub.s32 @!p0 $0x0, s1;
	[sflag:s0] =	ssyncset.done @!p0 $0x0  }
0xe1: {  	[sflag:s0] =	ssyncadd.s32 @!p0 s1  }
0xe2: {  	[bflag:$0x3] =	sbarrier.arrive $0xFFFF  }
0xe3: {  	_ =	shalt  }

// kernel: kernel.9.cloned.1.call-start
scs
__scs_entry_jumppad:
0x0: {  	(pc) =	sbr.rel $0x88, $3  }
0x1: {  	(tag) =	ssettag $0x0;
	lr =	simm.s32 $0x1  }
0x2: {  	[smem:$0x3F97] =	sst lr;
	_ =	strace $0xD0000000  }
0x3: {  	_ = 	snop  }
0x4: {  	_ = 	snop  }
0x5: {  	_ = 	snop  }
0x6: {  	_ = 	snop  }
0x7: {  	_ = 	snop  }
__scs_overlays_trampoline_lowered:
0x8: {  	[smem:$0x3FA6] =	sst s0  }
0x9: {  	[smem:$0x3FA7] =	sst s1  }
0xa: {  	[smem:$0x3FA8] =	sst s2  }
0xb: {  	[smem:$0x3FA9] =	sst s3  }
0xc: {  	[smem:$0x3FAA] =	sst s4  }
0xd: {  	[smem:$0x3FAB] =	sst s5  }
0xe: {  	[smem:$0x3FAC] =	sst s6  }
0xf: {  	[smem:$0x3FAD] =	sst s7  }
0x10: {  	[smem:$0x3FAE] =	sst s8  }
0x11: {  	[smem:$0x3FAF] =	sst s9;
	s0 =	simm.s32 @!p0 $0x0  }
0x12: {  	s1 =	sld [smem:$0x3F95];
	s0 =	simm.s32 @p0 $0x1  }
0x13: {  	[smem:$0x3FB0] =	sst s0;
	s0 =	simm.s32 @!p1 $0x0  }
0x14: {  	s2 =	sld [smem:$0x3F94];
	s0 =	simm.s32 @p1 $0x1  }
0x15: {  	[smem:$0x3FB1] =	sst s0;
	s0 =	simm.s32 @!p2 $0x0  }
0x16: {  	s3 =	sld [smem:$0x3FDB];
	s0 =	simm.s32 @p2 $0x1  }
0x17: {  	s4 =	simm.s32 $0x1BF5;
	[smem:$0x3FB3] =	sst s0  }
0x18: {  	s0 =	sld [smem:$0x3F96];
	_ =	swait.ge [sflag:s4], $0x0  }
0x19: {  	s7 =	sld [smem:$0x3F97]  }
0x1a: {  	s8 =	sadd.s32 $0xFFFFE003, lr  }
0x1b: {  	s9 =	sadd.s32 $0xFFFFFEF7, lr;
	s5 =	simm.s32 $0xFFFFFFFF;
	p2 =	slt.u32 s8, $0xFFFFF086  }
0x1c: {  	p1 =	slt.u32 s9, $0xF7A;
	s5 =	simm.s32 @!p2 $0x0  }
0x1d: {  	s5 =	simm.s32 @p1 $0x1;
	p0 =	seq.s32 s7, s2  }
0x1e: {  	s7 =	smul.u32 @!p0 $0xF7A, s2;
	p2 =	seq.s32 @!p0 s5, $0x0  }
0x1f: {  	s9 =	smul.u32 $0xF7A, s1;
	s8 =	simm.s32 @!p0 $0x1BF5;
	p2 =	por !p2, p0  }
0x20: {  	[sflag:s8] =	ssyncset.s32 @!p0 $0xFFFFF086;
	s6 =	sadd.s32 @!p0 s3, s7;
	s7 =	simm.s32 @!p0 $0x108  }
0x21: {  	s3 =	sadd.s32 s3, s9;
	s6 =	sadd.s32 @!p0 $0x88, s6;
	s7 =	simm.s32 @p2 $0x1082  }
0x22: {  	[simem:s7], [sflag:s8] =	dma.local @!p0 [hbm:s6], $0xF7A  }
0x23: {  	s9 =	sor.u32 $0xD0000000, s2;
	s6 =	simm.s32 $0x108;
	_ =	swait.ge @!p0 [sflag:s8], $0x0  }
0x24: {  	s3 =	sadd.s32 $0x88, s3;
	s6 =	simm.s32 @!p1 $0x1082;
	[sflag:s4] =	ssyncset.s32 $0xFFFFF086  }
0x25: {  	[simem:s6], [sflag:s4] =	dma.local [hbm:s3], $0xF7A  }
0x26: {  	[smem:$0x3F97] =	sst s1;
	(tag) =	ssettag s2;
	_ =	strace s9  }
0x27: {  	s1 =	sld [smem:$0x3FA7]  }
0x28: {  	s2 =	sld [smem:$0x3FA8]  }
0x29: {  	s4 =	sld [smem:$0x3FAA]  }
0x2a: {  	p0 =	seq.s32 s5, $0x0;
	s5 =	sld [smem:$0x3FAB]  }
0x2b: {  	s6 =	sld [smem:$0x3FAC]  }
0x2c: {  	s7 =	sld [smem:$0x3FAD]  }
0x2d: {  	s3 =	simm.s32 $0x108;
	s8 =	sld [smem:$0x3FAE]  }
0x2e: {  	s3 =	simm.s32 @!p0 $0x1082;
	s9 =	sld [smem:$0x3FAF]  }
0x2f: {  	lr =	sadd.s32 s0, s3;
	s0 =	sld [smem:$0x3FA6]  }
0x30: {  	s3 =	sld [smem:$0x3FA9]  }
0x31: {  	[smem:$0x3FB2] =	sst s10  }
0x32: {  	s10 =	sld [smem:$0x3FB0];
	_ =	sdelay $0x3  }
0x33: {  	p0 =	seq.s32 s10, $0x1;
	s10 =	sld [smem:$0x3FB2];
	_ =	sdelay $0x3  }
0x34: {  	[smem:$0x3FB2] =	sst s10  }
0x35: {  	s10 =	sld [smem:$0x3FB1];
	_ =	sdelay $0x3  }
0x36: {  	p1 =	seq.s32 s10, $0x1;
	s10 =	sld [smem:$0x3FB2];
	_ =	sdelay $0x3  }
0x37: {  	[smem:$0x3FB2] =	sst s10  }
0x38: {  	s10 =	sld [smem:$0x3FB3]  }
0x39: {  	_ = 	snop;
	(pc) =	sbr.ind lr, $3  }
0x3a: {  	_ = 	snop  }
0x3b: {  	_ = 	snop  }
0x3c: {  	p2 =	seq.s32 s10, $0x1;
	s10 =	sld [smem:$0x3FB2]  }
0x3d: {  	_ =	shalt  }
0x3e: {  	_ =	shalt  }
0x3f: {  	_ =	shalt  }
0x40: {  	_ =	shalt  }
0x41: {  	_ =	shalt  }
0x42: {  	_ =	shalt  }
0x43: {  	_ =	shalt  }
0x44: {  	_ =	shalt  }
0x45: {  	_ =	shalt  }
0x46: {  	_ =	shalt  }
0x47: {  	_ =	shalt  }
0x48: {  	_ =	shalt  }
0x49: {  	_ =	shalt  }
0x4a: {  	_ =	shalt  }
0x4b: {  	_ =	shalt  }
0x4c: {  	_ =	shalt  }
0x4d: {  	_ =	shalt  }
0x4e: {  	_ =	shalt  }
0x4f: {  	_ =	shalt  }
0x50: {  	_ =	shalt  }
0x51: {  	_ =	shalt  }
0x52: {  	_ =	shalt  }
0x53: {  	_ =	shalt  }
0x54: {  	_ =	shalt  }
0x55: {  	_ =	shalt  }
0x56: {  	_ =	shalt  }
0x57: {  	_ =	shalt  }
0x58: {  	_ =	shalt  }
0x59: {  	_ =	shalt  }
0x5a: {  	_ =	shalt  }
0x5b: {  	_ =	shalt  }
0x5c: {  	_ =	shalt  }
0x5d: {  	_ =	shalt  }
0x5e: {  	_ =	shalt  }
0x5f: {  	_ =	shalt  }
0x60: {  	_ =	shalt  }
0x61: {  	_ =	shalt  }
0x62: {  	_ =	shalt  }
0x63: {  	_ =	shalt  }
0x64: {  	_ =	shalt  }
0x65: {  	_ =	shalt  }
0x66: {  	_ =	shalt  }
0x67: {  	_ =	shalt  }
0x68: {  	_ =	shalt  }
0x69: {  	_ =	shalt  }
0x6a: {  	_ =	shalt  }
0x6b: {  	_ =	shalt  }
0x6c: {  	_ =	shalt  }
0x6d: {  	_ =	shalt  }
0x6e: {  	_ =	shalt  }
0x6f: {  	_ =	shalt  }
0x70: {  	_ =	shalt  }
0x71: {  	_ =	shalt  }
0x72: {  	_ =	shalt  }
0x73: {  	_ =	shalt  }
0x74: {  	_ =	shalt  }
0x75: {  	_ =	shalt  }
0x76: {  	_ =	shalt  }
0x77: {  	_ =	shalt  }
0x78: {  	_ =	shalt  }
0x79: {  	_ =	shalt  }
0x7a: {  	_ =	shalt  }
0x7b: {  	_ =	shalt  }
0x7c: {  	_ =	shalt  }
0x7d: {  	_ =	shalt  }
0x7e: {  	_ =	shalt  }
0x7f: {  	_ =	shalt  }
0x80: {  	_ =	shalt  }
0x81: {  	_ =	shalt  }
0x82: {  	_ =	shalt  }
0x83: {  	_ =	shalt  }
0x84: {  	_ =	shalt  }
0x85: {  	_ =	shalt  }
0x86: {  	_ =	shalt  }
0x87: {  	_ =	shalt  }
.Lfunc_end0:
.L_simem_size_0:
called_computation.1_lowered:
.L_overlay_start_0:
0x88: {  	s2 =	sld [smem:$0x3FD9]  }
0x89: {  	s3 =	sld [smem:$0x3FFE];
	_ =	sdelay $0x1  }
0x8a: {  	s1 =	srdreg.scid  }
0x8b: {  	s0 =	sand.u32 $0x1, s1  }
0x8c: {  	s16 =	sshll.u32 s0, $0xA;
	s2 =	sadd.s32 s3, s2  }
0x8d: {  	s2 =	sadd.s32 s2, s16  }
0x8e: {  	[smem:$0x3FBE] =	sst s2  }
0x8f: {  	_ = 	snop  }
0x90: {  	(tm) =	ssettm $0x1  }
0x91: {  	s17 =	sld [smem:$0x3FFB];
	_ =	sdelay $0x3  }
0x92: {  	_ =	strace s17  }
0x93: {  	s2 =	sld [smem:$0x3FFC];
	_ =	sdelay $0x3  }
0x94: {  	_ =	strace s2  }
0x95: {  	s2 =	sld [smem:$0x3FFD];
	_ =	sdelay $0x3  }
0x96: {  	_ =	strace s2  }
0x97: {  	_ =	strace $0x8FFFFFFF  }
0x98: {  	s18 =	sld [smem:$0x3FDB];
	_ =	sdelay $0x1  }
0x99: {  	s19 =	simm.s32 $_scs_section_size  }
0x9a: {  	s4 =	simm.s32 $_size__tile_overlayer_lowered;
	s5 =	simm.s32 $_tile_overlayer_lowered  }
0x9b: {  	s22 =	simm.s32 $0x1BFF;
	s21 =	sshll.u32 s5, $0x1;
	s2 =	sadd.s32 s19, s18  }
0x9c: {  	s6 =	simm.s32 $0x0;
	s20 =	sshll.u32 s4, $0x1;
	s4 =	sadd.s32 s21, s2  }
0x9d: {  	[timem:s6], [sflag:s22] =	dma.local [hbm:s4], s20  }
0x9e: {  	_ =	swait.ge [sflag:s22], s20  }
0x9f: {  	s3 =	ssub.s32 $0x0, s20;
	[sflag:s22] =	ssyncset.done $0x0  }
0xa0: {  	[sflag:s22] =	ssyncadd.s32 s3;
	_ =	sdelay $0x1  }
0xa1: {  	s23 =	simm.s32 $0x1B8B  }
0xa2: {  	_ =	swait.ge [sflag:s23], $0x1  }
0xa3: {  	[sflag:s23] =	ssyncset.done $0x0  }
0xa4: {  	s25 =	simm.s32 $0x1B8E;
	s24 =	sld [smem:$0x3FFE];
	[sflag:s23] =	ssyncadd.s32 $0xFFFFFFFF  }
0xa5: {  	s26 =	simm.s32 $execute0_lowered;
	[smem:$0x3FD2] =	sst s25  }
0xa6: {  	s4 =	sshll.u32 s26, $0x1;
	_ =	strace $0x80000049;
	[dreg:$0x1] =	wrdreg $0xFFFFFFFF  }
0xa7: {  	s28 =	simm.s32 $_size_execute0_lowered;
	s2 =	sadd.s32 s2, s4;
	[dreg:$0x0] =	wrdreg $0x0  }
0xa8: {  	s4 =	sshll.u32 s28, $0x1;
	[dreg:$0x2] =	wrdreg s2  }
0xa9: {  	[dreg:$0x3] =	wrdreg s4  }
0xaa: {  	[dreg:$0x4] =	wrdreg $0xC0  }
0xab: {  	_ =	task [dreg:s6], $0x5FFFF  }
0xac: {  	[dreg:$0x1] =	wrdreg $0xFFFFFFFF  }
0xad: {  	[dreg:$0x0] =	wrdreg $0x60  }
0xae: {  	[dreg:$0x2] =	wrdreg s24  }
0xaf: {  	[dreg:$0x3] =	wrdreg $0x98000  }
0xb0: {  	[dreg:$0x4] =	wrdreg $0x9  }
0xb1: {  	_ =	task.clear_ibuf [dreg:s6], $0x5FFFF;
	_ =	strace $0x90000049  }
0xb2: {  	s29 =	simm.s32 $0x9;
	_ =	strace $0x8000004B  }
0xb3: {  	_ =	swait.ge [sflag:s29], $0x1  }
0xb4: {  	[sflag:s29] =	ssyncadd.s32 $0xFFFFFFFF  }
0xb5: {  	_ =	strace $0x9000004B  }
0xb6: {  	_ =	sfence  }
0xb7: {  	s30 =	sld [smem:$0x0];
	_ =	sdelay $0x2  }
0xb8: {  	s31 =	sshll.u32 s1, $0xD;
	s1 =	sshrl.u32 s1, $0x2  }
0xb9: {  	s3 =	sand.u32 $0x4000, s31;
	s1 =	sadd.s32 s1, s30  }
0xba: {  	s0 =	sor.u32 s3, s0;
	s1 =	sshll.u32 s1, $0x11  }
0xbb: {  	s0 =	sor.u32 s1, s0  }
0xbc: {  	s0 =	sadd.s32 $0x8F2B, s0  }
0xbd: {  	[sflag:s0] =	ssyncadd.remote.s32 $0x1  }
0xbe: {  	_ =	sfence.sel $0xFFFF  }
0xbf: {  	[dreg:$0x0] =	wrdreg $0xFFFFFFFF;
	(pc) =	sbr.abs _section_cstart, $3  }
0xc0: {  	[dreg:$0x1] =	wrdreg $0xFFFFFFFF  }
0xc1: {  	_ =	task.clear_ibuf [dreg:s6], $0x2FFFF;
	_ =	strace $0x9FFFFFFF  }
0xc2: {  	(tm) =	ssettm $0x7FFFFFFF  }
0xc3: {  	_ =	shalt  }
tec
execute0_lowered:
.L_overlay_start_1:
0x0: {  	(tag) =	ssettag $0x1  }
0x1: {  	s7 =	stileid.u32  }
0x2: {  	s0 =	srdreg.scid;
	s3 =	smul.u32 $0x3000, s7  }
0x3: {  	s5 =	rddreg [dreg:$0x0];
	s0 =	sand.u32 $0x1, s0;
	s4 =	smul.u32 $0x600, s7  }
0x4: {  	s2 =	rddreg [dreg:$0x1];
	s19 =	simm.s32 $0xC80;
	s1 =	smul.u32 $0x30000, s0  }
0x5: {  	s20 =	simm.s32 $0x100;
	s21 =	simm.s32 $0xD00;
	s22 =	simm.s32 $0x180  }
0x6: {  	s6 =	sadd.s32 s4, s5;
	s1 =	sadd.s32 s1, s3;
	s3 =	simm.s32 $0x0  }
0x7: {  	s24 =	simm.s32 $0xD80;
	s17 =	sadd.s32 $0x6E00, s6;
	[smem:$0x7FF] =	sst s3  }
0x8: {  	s8 =	sadd.s32 $0x1400, s5;
	_ =	strace $0x8000004A;
	[dreg:$0x4] =	wrdreg s17  }
0x9: {  	s25 =	simm.s32 $0x200;
	s9 =	simm.s32 $0x280;
	[dreg:$0x1b] =	wrdreg s8  }
0xa: {  	s11 =	simm.s32 $0xE80;
	s13 =	simm.s32 $0x300;
	[dreg:$0x5] =	wrdreg s19  }
0xb: {  	s14 =	simm.s32 $0xF00;
	s16 =	simm.s32 $0x380;
	[dreg:$0x6] =	wrdreg s20  }
0xc: {  	s18 =	smul.u32 $0x27100, s0;
	s0 =	ssub.s32 $0x2, s0;
	[dreg:$0x7] =	wrdreg s21  }
0xd: {  	s28 =	simm.s32 $0x880;
	s23 =	sshrl.u32 s0, $0x1;
	[dreg:$0x8] =	wrdreg s22  }
0xe: {  	s29 =	simm.s32 $0x1480;
	s0 =	ssub.s32 s0, s23;
	[dreg:$0x9] =	wrdreg s24  }
0xf: {  	s30 =	simm.s32 $0x900;
	s0 =	smax.u32 s0, $0x1;
	[dreg:$0xa] =	wrdreg s25  }
0x10: {  	s31 =	simm.s32 $0x1500;
	s26 =	smul.u32 $0x7D000, s7;
	[dreg:$0x1c] =	wrdreg s0  }
0x11: {  	s12 =	smul.u32 $0x3E80, s7;
	p0 =	sgt.u32 s7, $0x9;
	[dreg:$0xc] =	wrdreg s9  }
0x12: {  	s4 =	sadd.s32 $0x18E00, s5;
	s10 =	sshrl.u32 s26, $0x2;
	[dreg:$0xd] =	wrdreg s11  }
0x13: {  	s26 =	simm.s32 $0x600;
	s23 =	simm.s32 $0x1100;
	[dreg:$0xe] =	wrdreg s13  }
0x14: {  	s6 =	simm.s32 $0x0;
	s1 =	sshrl.u32 s1, $0x3;
	[dreg:$0xf] =	wrdreg s14  }
0x15: {  	s1 =	sadd.s32 s1, s5;
	s5 =	sadd.s32 s18, s5;
	[dreg:$0x10] =	wrdreg s16  }
0x16: {  	s8 =	simm.s32 $0xE00;
	s17 =	simm.s32 $0xF80;
	[dreg:$0x17] =	wrdreg s23  }
0x17: {  	s18 =	simm.s32 $0x400;
	s9 =	simm.s32 $0x1800;
	[dreg:$0x1a] =	wrdreg s26  }
0x18: {  	s19 =	simm.s32 $0x1000;
	s20 =	simm.s32 $0x480;
	[dreg:$0xb] =	wrdreg s8  }
0x19: {  	s11 =	simm.s32 $0xC00;
	s21 =	simm.s32 $0x1080;
	[dreg:$0x11] =	wrdreg s17  }
0x1a: {  	s22 =	simm.s32 $0x500;
	s13 =	simm.s32 $0x1;
	[dreg:$0x12] =	wrdreg s18  }
0x1b: {  	s14 =	simm.s32 $0x5800;
	s24 =	simm.s32 $0x580;
	[dreg:$0x13] =	wrdreg s19  }
0x1c: {  	s25 =	simm.s32 $0x1180;
	s16 =	simm.s32 $0x3;
	[dreg:$0x14] =	wrdreg s20  }
0x1d: {  	s23 =	simm.s32 $0x780;
	s26 =	simm.s32 $0x1400;
	[dreg:$0x15] =	wrdreg s21  }
0x1e: {  	s0 =	simm.s32 $0x1580;
	s1 =	sadd.s32 $0xCE00, s1;
	[dreg:$0x16] =	wrdreg s22  }
0x1f: {  	s8 =	sadd.s32 s10, s2;
	s15 =	sadd.s32 s12, s5;
	[dreg:$0x18] =	wrdreg s24  }
0x20: {  	s10 =	simm.s32 $0x5;
	s12 =	simm.s32 $0x80;
	[dreg:$0x19] =	wrdreg s25  }
.Ltmp0:
0x21: {  	s17 =	simm.s32 $0x4;
	s18 =	simm.s32 $0x1200;
	(pc) =	sbr.rel .LBB2_1-.Ltmp0, $4  }
0x22: {  	s19 =	simm.s32 $0x680;
	s20 =	simm.s32 $0x1280;
	s21 =	simm.s32 $0x700  }
0x23: {  	s22 =	simm.s32 $0x1300;
	s24 =	simm.s32 $0x1380;
	[dreg:$0x3] =	wrdreg s1  }
0x24: {  	s25 =	simm.s32 $0x800;
	s1 =	sadd.s32 $0x67000, s15;
	[dreg:$0x1d] =	wrdreg s8  }
0x25: {  	s15 =	simm.s32 $0x2;
	[dreg:$0x1e] =	wrdreg s1;
	s1 =	simm.s32 $0x980  }
.LBB2_10:
0x26: {  	[sflag:s10] =	ssyncadd.s32 $0xFFFFEC00;
	s18 =	simm.s32 $0x1200;
	s6 =	rddreg [dreg:$0x1f]  }
.LBB2_11:
0x27: {  	s6 =	sadd.s32 $0x1, s6;
	s5 =	rddreg [dreg:$0x1c]  }
0x28: {  	p1 =	sne.s32 s6, s5  }
.Ltmp1:
0x29: {  	_ = 	snop;
	(pc) =	sbr.rel @!p1 .LBB2_12-.Ltmp1, $1  }
0x2a: {  	_ =	sdelay $0x3  }
.LBB2_1:
0x2b: {  	[dreg:$0x1f] =	wrdreg s6  }
.Ltmp2:
0x2c: {  	s5 =	rddreg [dreg:$0x1b];
	(pc) =	sbr.rel @p0 .LBB2_5-.Ltmp2, $4  }
0x2d: {  	[tilespmem:s9], [sflag:$0x5] =	stream.linear.gather [hbm4b:s5+s3], $0x1400, $0x38;
	[tilespmem:$0x1D0C0] =	vst v63  }
0x2e: {  	_ =	swait.ge [sflag:s10], $0x1400  }
0x2f: {  	[sflag:s10] =	ssyncset.done $0x0  }
0x30: {  	[sflag:s10] =	ssyncadd.s32 $0xFFFFEC00  }
0x31: {  	s5 =	sshra.s32 s3, $0x2  }
0x32: {  	s5 =	sadd.s32 s5, s8  }
0x33: {  	[spmem:s5] =	stream.linear.scatter [tilespmem:s9], [sflag:$0x5], $0x1400, $0x38;
	[tilespmem:$0x1D0C0] =	vst v63  }
0x34: {  	s5 =	sadd.s32 $0x5000, s3;
	_ =	swait.ge [sflag:s10], $0x1400  }
.LBB2_3:
0x35: {  	s6 =	sshra.s32 s5, $0x2;
	[sflag:s10] =	ssyncset.done $0x0;
	p1 =	sne.s32 s5, $0x78000  }
.Ltmp3:
0x36: {  	s6 =	sadd.s32 s6, s8;
	[sflag:s10] =	ssyncadd.s32 $0xFFFFEC00;
	(pc) =	sbr.rel @p1 .LBB2_3-.Ltmp3, $3  }
0x37: {  	[spmem:s6] =	stream.linear.scatter [tilespmem:s9], [sflag:$0x5], $0x1400, $0x38;
	[tilespmem:$0x1D0C0] =	vst v63  }
0x38: {  	s5 =	sadd.s32 $0x5000, s5;
	_ =	sdelay $0x1  }
0x39: {  	_ =	swait.ge [sflag:s10], $0x1400  }
0x3a: {  	[sflag:s10] =	ssyncset.done $0x0  }
0x3b: {  	[sflag:s10] =	ssyncadd.s32 $0xFFFFEC00  }
.LBB2_5:
0x3c: {  	[bflag:$0x0] =	sbarrier.arrive $0xFFFF  }
0x3d: {  	s5 =	rddreg [dreg:$0x3]  }
0x3e: {  	s5 =	sadd.s32 $0x0, s5  }
0x3f: {  	[tilespmem:s3], [sflag:$0x5] =	stream.linear.gather [hbm4b:s5+s3], $0xA00, $0x38;
	[tilespmem:$0x1D0C0] =	vst v63  }
0x40: {  	_ =	swait.ge [sflag:s10], $0xA00  }
0x41: {  	s7 =	rddreg [dreg:$0x4];
	[sflag:s10] =	ssyncset.done $0x0  }
0x42: {  	[sflag:s10] =	ssyncadd.s32 $0xFFFFF600;
	s5 =	sadd.s32 $0x0, s7  }
0x43: {  	[tilespmem:s11], [sflag:$0x5] =	stream.linear.gather [hbm4b:s5+s3], $0xA00, $0x38;
	[tilespmem:$0x1D0C0] =	vst v63  }
0x44: {  	_ =	swait.ge [sflag:s10], $0xA00  }
0x45: {  	[sflag:s10] =	ssyncset.done $0x0  }
0x46: {  	[sflag:s10] =	ssyncadd.s32 $0xFFFFF600  }
0x47: {  	[tilespmem:s9], [sflag:$0x1] =	stream.indirect.gather [hbm4b:s4+s12], $0x80, s3, s12, $0xb8;
	[tilespmem:$0x1D0C0] =	vst v63  }
0x48: {  	_ =	swait.ge [sflag:s13], $0x4000  }
0x49: {  	[sflag:s13] =	ssyncset.done $0x0  }
0x4a: {  	[sflag:s13] =	ssyncadd.s32 $0xFFFFC000  }
0x4b: {  	[spmem:s2] =	stream.indirect.scatter.add.f32 [tilespmem:s9], [sflag:$0x3], $0x80, s11, s12, $0xb8;
	[tilespmem:$0x1D0C0] =	vst v63  }
0x4c: {  	_ = 	snop  }
0x4d: {  	[tilespmem:s14], [sflag:$0x2] =	stream.indirect.gather [hbm4b:s4+s12], $0x80, s12, s12, $0xb8;
	[tilespmem:$0x1D0C0] =	vst v63  }
0x4e: {  	_ =	swait.ge [sflag:s15], $0x4000  }
0x4f: {  	[sflag:s15] =	ssyncset.done $0x0  }
0x50: {  	s8 =	rddreg [dreg:$0x5];
	[sflag:s15] =	ssyncadd.s32 $0xFFFFC000  }
0x51: {  	[spmem:s2] =	stream.indirect.scatter.add.f32 [tilespmem:s14], [sflag:$0x4], $0x80, s8, s12, $0xb8;
	[tilespmem:$0x1D0C0] =	vst v63  }
0x52: {  	_ =	swait.ge [sflag:s16], $0x4000  }
0x53: {  	[sflag:s16] =	ssyncset.done $0x0  }
0x54: {  	s6 =	rddreg [dreg:$0x6];
	[sflag:s16] =	ssyncadd.s32 $0xFFFFC000  }
0x55: {  	[tilespmem:s9], [sflag:$0x1] =	stream.indirect.gather [hbm4b:s4+s12], $0x80, s6, s12, $0xb8;
	[tilespmem:$0x1D0C0] =	vst v63  }
0x56: {  	_ =	swait.ge [sflag:s13], $0x4000  }
0x57: {  	[sflag:s13] =	ssyncset.done $0x0  }
0x58: {  	s7 =	rddreg [dreg:$0x7];
	[sflag:s13] =	ssyncadd.s32 $0xFFFFC000  }
0x59: {  	[spmem:s2] =	stream.indirect.scatter.add.f32 [tilespmem:s9], [sflag:$0x3], $0x80, s7, s12, $0xb8;
	[tilespmem:$0x1D0C0] =	vst v63  }
0x5a: {  	_ =	swait.ge [sflag:s17], $0x4000  }
0x5b: {  	[sflag:s17] =	ssyncset.done $0x0  }
0x5c: {  	s8 =	rddreg [dreg:$0x8];
	[sflag:s17] =	ssyncadd.s32 $0xFFFFC000  }
0x5d: {  	[tilespmem:s14], [sflag:$0x2] =	stream.indirect.gather [hbm4b:s4+s12], $0x80, s8, s12, $0xb8;
	[tilespmem:$0x1D0C0] =	vst v63  }
0x5e: {  	_ =	swait.ge [sflag:s15], $0x4000  }
0x5f: {  	[sflag:s15] =	ssyncset.done $0x0  }
0x60: {  	s6 =	rddreg [dreg:$0x9];
	[sflag:s15] =	ssyncadd.s32 $0xFFFFC000  }
0x61: {  	[spmem:s2] =	stream.indirect.scatter.add.f32 [tilespmem:s14], [sflag:$0x4], $0x80, s6, s12, $0xb8;
	[tilespmem:$0x1D0C0] =	vst v63  }
0x62: {  	_ =	swait.ge [sflag:s16], $0x4000  }
0x63: {  	[sflag:s16] =	ssyncset.done $0x0  }
0x64: {  	s7 =	rddreg [dreg:$0xa];
	[sflag:s16] =	ssyncadd.s32 $0xFFFFC000  }
0x65: {  	[tilespmem:s9], [sflag:$0x1] =	stream.indirect.gather [hbm4b:s4+s12], $0x80, s7, s12, $0xb8;
	[tilespmem:$0x1D0C0] =	vst v63  }
0x66: {  	_ =	swait.ge [sflag:s13], $0x4000  }
0x67: {  	[sflag:s13] =	ssyncset.done $0x0  }
0x68: {  	s8 =	rddreg [dreg:$0xb];
	[sflag:s13] =	ssyncadd.s32 $0xFFFFC000  }
0x69: {  	[spmem:s2] =	stream.indirect.scatter.add.f32 [tilespmem:s9], [sflag:$0x3], $0x80, s8, s12, $0xb8;
	[tilespmem:$0x1D0C0] =	vst v63  }
0x6a: {  	_ =	swait.ge [sflag:s17], $0x4000  }
0x6b: {  	[sflag:s17] =	ssyncset.done $0x0  }
0x6c: {  	s6 =	rddreg [dreg:$0xc];
	[sflag:s17] =	ssyncadd.s32 $0xFFFFC000  }
0x6d: {  	[tilespmem:s14], [sflag:$0x2] =	stream.indirect.gather [hbm4b:s4+s12], $0x80, s6, s12, $0xb8;
	[tilespmem:$0x1D0C0] =	vst v63  }
0x6e: {  	_ =	swait.ge [sflag:s15], $0x4000  }
0x6f: {  	[sflag:s15] =	ssyncset.done $0x0  }
0x70: {  	s7 =	rddreg [dreg:$0xd];
	[sflag:s15] =	ssyncadd.s32 $0xFFFFC000  }
0x71: {  	[spmem:s2] =	stream.indirect.scatter.add.f32 [tilespmem:s14], [sflag:$0x4], $0x80, s7, s12, $0xb8;
	[tilespmem:$0x1D0C0] =	vst v63  }
0x72: {  	_ =	swait.ge [sflag:s16], $0x4000  }
0x73: {  	[sflag:s16] =	ssyncset.done $0x0  }
0x74: {  	s8 =	rddreg [dreg:$0xe];
	[sflag:s16] =	ssyncadd.s32 $0xFFFFC000  }
0x75: {  	[tilespmem:s9], [sflag:$0x1] =	stream.indirect.gather [hbm4b:s4+s12], $0x80, s8, s12, $0xb8;
	[tilespmem:$0x1D0C0] =	vst v63  }
0x76: {  	_ =	swait.ge [sflag:s13], $0x4000  }
0x77: {  	[sflag:s13] =	ssyncset.done $0x0  }
0x78: {  	s6 =	rddreg [dreg:$0xf];
	[sflag:s13] =	ssyncadd.s32 $0xFFFFC000  }
0x79: {  	[spmem:s2] =	stream.indirect.scatter.add.f32 [tilespmem:s9], [sflag:$0x3], $0x80, s6, s12, $0xb8;
	[tilespmem:$0x1D0C0] =	vst v63  }
0x7a: {  	_ =	swait.ge [sflag:s17], $0x4000  }
0x7b: {  	[sflag:s17] =	ssyncset.done $0x0  }
0x7c: {  	s7 =	rddreg [dreg:$0x10];
	[sflag:s17] =	ssyncadd.s32 $0xFFFFC000  }
0x7d: {  	[tilespmem:s14], [sflag:$0x2] =	stream.indirect.gather [hbm4b:s4+s12], $0x80, s7, s12, $0xb8;
	[tilespmem:$0x1D0C0] =	vst v63  }
0x7e: {  	_ =	swait.ge [sflag:s15], $0x4000  }
0x7f: {  	[sflag:s15] =	ssyncset.done $0x0  }
0x80: {  	s8 =	rddreg [dreg:$0x11];
	[sflag:s15] =	ssyncadd.s32 $0xFFFFC000  }
0x81: {  	[spmem:s2] =	stream.indirect.scatter.add.f32 [tilespmem:s14], [sflag:$0x4], $0x80, s8, s12, $0xb8;
	[tilespmem:$0x1D0C0] =	vst v63  }
0x82: {  	_ =	swait.ge [sflag:s16], $0x4000  }
0x83: {  	[sflag:s16] =	ssyncset.done $0x0  }
0x84: {  	s6 =	rddreg [dreg:$0x12];
	[sflag:s16] =	ssyncadd.s32 $0xFFFFC000  }
0x85: {  	[tilespmem:s9], [sflag:$0x1] =	stream.indirect.gather [hbm4b:s4+s12], $0x80, s6, s12, $0xb8;
	[tilespmem:$0x1D0C0] =	vst v63  }
0x86: {  	_ =	swait.ge [sflag:s13], $0x4000  }
0x87: {  	[sflag:s13] =	ssyncset.done $0x0  }
0x88: {  	s7 =	rddreg [dreg:$0x13];
	[sflag:s13] =	ssyncadd.s32 $0xFFFFC000  }
0x89: {  	[spmem:s2] =	stream.indirect.scatter.add.f32 [tilespmem:s9], [sflag:$0x3], $0x80, s7, s12, $0xb8;
	[tilespmem:$0x1D0C0] =	vst v63  }
0x8a: {  	_ =	swait.ge [sflag:s17], $0x4000  }
0x8b: {  	[sflag:s17] =	ssyncset.done $0x0  }
0x8c: {  	s8 =	rddreg [dreg:$0x14];
	[sflag:s17] =	ssyncadd.s32 $0xFFFFC000  }
0x8d: {  	[tilespmem:s14], [sflag:$0x2] =	stream.indirect.gather [hbm4b:s4+s12], $0x80, s8, s12, $0xb8;
	[tilespmem:$0x1D0C0] =	vst v63  }
0x8e: {  	_ =	swait.ge [sflag:s15], $0x4000  }
0x8f: {  	[sflag:s15] =	ssyncset.done $0x0  }
0x90: {  	s6 =	rddreg [dreg:$0x15];
	[sflag:s15] =	ssyncadd.s32 $0xFFFFC000  }
0x91: {  	[spmem:s2] =	stream.indirect.scatter.add.f32 [tilespmem:s14], [sflag:$0x4], $0x80, s6, s12, $0xb8;
	[tilespmem:$0x1D0C0] =	vst v63  }
0x92: {  	_ =	swait.ge [sflag:s16], $0x4000  }
0x93: {  	[sflag:s16] =	ssyncset.done $0x0  }
0x94: {  	s7 =	rddreg [dreg:$0x16];
	[sflag:s16] =	ssyncadd.s32 $0xFFFFC000  }
0x95: {  	[tilespmem:s9], [sflag:$0x1] =	stream.indirect.gather [hbm4b:s4+s12], $0x80, s7, s12, $0xb8;
	[tilespmem:$0x1D0C0] =	vst v63  }
0x96: {  	_ =	swait.ge [sflag:s13], $0x4000  }
0x97: {  	[sflag:s13] =	ssyncset.done $0x0  }
0x98: {  	s8 =	rddreg [dreg:$0x17];
	[sflag:s13] =	ssyncadd.s32 $0xFFFFC000  }
0x99: {  	[spmem:s2] =	stream.indirect.scatter.add.f32 [tilespmem:s9], [sflag:$0x3], $0x80, s8, s12, $0xb8;
	[tilespmem:$0x1D0C0] =	vst v63  }
0x9a: {  	_ =	swait.ge [sflag:s17], $0x4000  }
0x9b: {  	[sflag:s17] =	ssyncset.done $0x0  }
0x9c: {  	s6 =	rddreg [dreg:$0x18];
	[sflag:s17] =	ssyncadd.s32 $0xFFFFC000  }
0x9d: {  	[tilespmem:s14], [sflag:$0x2] =	stream.indirect.gather [hbm4b:s4+s12], $0x80, s6, s12, $0xb8;
	[tilespmem:$0x1D0C0] =	vst v63  }
0x9e: {  	_ =	swait.ge [sflag:s15], $0x4000  }
0x9f: {  	[sflag:s15] =	ssyncset.done $0x0  }
0xa0: {  	s7 =	rddreg [dreg:$0x19];
	[sflag:s15] =	ssyncadd.s32 $0xFFFFC000  }
0xa1: {  	[spmem:s2] =	stream.indirect.scatter.add.f32 [tilespmem:s14], [sflag:$0x4], $0x80, s7, s12, $0xb8;
	[tilespmem:$0x1D0C0] =	vst v63  }
0xa2: {  	_ =	swait.ge [sflag:s16], $0x4000  }
0xa3: {  	[sflag:s16] =	ssyncset.done $0x0  }
0xa4: {  	s8 =	rddreg [dreg:$0x1a];
	[sflag:s16] =	ssyncadd.s32 $0xFFFFC000  }
0xa5: {  	[tilespmem:s9], [sflag:$0x1] =	stream.indirect.gather [hbm4b:s4+s12], $0x80, s8, s12, $0xb8;
	[tilespmem:$0x1D0C0] =	vst v63  }
0xa6: {  	_ =	swait.ge [sflag:s13], $0x4000  }
0xa7: {  	[sflag:s13] =	ssyncset.done $0x0  }
0xa8: {  	[sflag:s13] =	ssyncadd.s32 $0xFFFFC000  }
0xa9: {  	[spmem:s2] =	stream.indirect.scatter.add.f32 [tilespmem:s9], [sflag:$0x3], $0x80, s18, s12, $0xb8;
	[tilespmem:$0x1D0C0] =	vst v63  }
0xaa: {  	_ =	swait.ge [sflag:s17], $0x4000  }
0xab: {  	[sflag:s17] =	ssyncset.done $0x0  }
0xac: {  	[sflag:s17] =	ssyncadd.s32 $0xFFFFC000  }
0xad: {  	[tilespmem:s14], [sflag:$0x2] =	stream.indirect.gather [hbm4b:s4+s12], $0x80, s19, s12, $0xb8;
	[tilespmem:$0x1D0C0] =	vst v63  }
0xae: {  	_ =	swait.ge [sflag:s15], $0x4000  }
0xaf: {  	[sflag:s15] =	ssyncset.done $0x0  }
0xb0: {  	[sflag:s15] =	ssyncadd.s32 $0xFFFFC000  }
0xb1: {  	[spmem:s2] =	stream.indirect.scatter.add.f32 [tilespmem:s14], [sflag:$0x4], $0x80, s20, s12, $0xb8;
	[tilespmem:$0x1D0C0] =	vst v63  }
0xb2: {  	_ =	swait.ge [sflag:s16], $0x4000  }
0xb3: {  	[sflag:s16] =	ssyncset.done $0x0  }
0xb4: {  	[sflag:s16] =	ssyncadd.s32 $0xFFFFC000  }
0xb5: {  	[tilespmem:s9], [sflag:$0x1] =	stream.indirect.gather [hbm4b:s4+s12], $0x80, s21, s12, $0xb8;
	[tilespmem:$0x1D0C0] =	vst v63  }
0xb6: {  	_ =	swait.ge [sflag:s13], $0x4000  }
0xb7: {  	[sflag:s13] =	ssyncset.done $0x0  }
0xb8: {  	[sflag:s13] =	ssyncadd.s32 $0xFFFFC000  }
0xb9: {  	[spmem:s2] =	stream.indirect.scatter.add.f32 [tilespmem:s9], [sflag:$0x3], $0x80, s22, s12, $0xb8;
	[tilespmem:$0x1D0C0] =	vst v63  }
0xba: {  	_ =	swait.ge [sflag:s17], $0x4000  }
0xbb: {  	[sflag:s17] =	ssyncset.done $0x0  }
0xbc: {  	[sflag:s17] =	ssyncadd.s32 $0xFFFFC000  }
0xbd: {  	[tilespmem:s14], [sflag:$0x2] =	stream.indirect.gather [hbm4b:s4+s12], $0x80, s23, s12, $0xb8;
	[tilespmem:$0x1D0C0] =	vst v63  }
0xbe: {  	_ =	swait.ge [sflag:s15], $0x4000  }
0xbf: {  	[sflag:s15] =	ssyncset.done $0x0  }
0xc0: {  	[sflag:s15] =	ssyncadd.s32 $0xFFFFC000  }
0xc1: {  	[spmem:s2] =	stream.indirect.scatter.add.f32 [tilespmem:s14], [sflag:$0x4], $0x80, s24, s12, $0xb8;
	[tilespmem:$0x1D0C0] =	vst v63  }
0xc2: {  	_ =	swait.ge [sflag:s16], $0x4000  }
0xc3: {  	[sflag:s16] =	ssyncset.done $0x0  }
0xc4: {  	[sflag:s16] =	ssyncadd.s32 $0xFFFFC000  }
0xc5: {  	[tilespmem:s9], [sflag:$0x1] =	stream.indirect.gather [hbm4b:s4+s12], $0x80, s25, s12, $0xb8;
	[tilespmem:$0x1D0C0] =	vst v63  }
0xc6: {  	_ =	swait.ge [sflag:s13], $0x4000  }
0xc7: {  	[sflag:s13] =	ssyncset.done $0x0  }
0xc8: {  	[sflag:s13] =	ssyncadd.s32 $0xFFFFC000  }
0xc9: {  	[spmem:s2] =	stream.indirect.scatter.add.f32 [tilespmem:s9], [sflag:$0x3], $0x80, s26, s12, $0xb8;
	[tilespmem:$0x1D0C0] =	vst v63  }
0xca: {  	_ =	swait.ge [sflag:s17], $0x4000  }
0xcb: {  	[sflag:s17] =	ssyncset.done $0x0  }
0xcc: {  	[sflag:s17] =	ssyncadd.s32 $0xFFFFC000  }
0xcd: {  	[tilespmem:s14], [sflag:$0x2] =	stream.indirect.gather [hbm4b:s4+s12], $0x80, s28, s12, $0xb8;
	[tilespmem:$0x1D0C0] =	vst v63  }
0xce: {  	_ =	swait.ge [sflag:s15], $0x4000  }
0xcf: {  	[sflag:s15] =	ssyncset.done $0x0  }
0xd0: {  	[sflag:s15] =	ssyncadd.s32 $0xFFFFC000  }
0xd1: {  	[spmem:s2] =	stream.indirect.scatter.add.f32 [tilespmem:s14], [sflag:$0x4], $0x80, s29, s12, $0xb8;
	[tilespmem:$0x1D0C0] =	vst v63  }
0xd2: {  	_ =	swait.ge [sflag:s16], $0x4000  }
0xd3: {  	[sflag:s16] =	ssyncset.done $0x0  }
0xd4: {  	[sflag:s16] =	ssyncadd.s32 $0xFFFFC000  }
0xd5: {  	[tilespmem:s9], [sflag:$0x1] =	stream.indirect.gather [hbm4b:s4+s12], $0x80, s30, s12, $0xb8;
	[tilespmem:$0x1D0C0] =	vst v63  }
0xd6: {  	_ =	swait.ge [sflag:s13], $0x4000  }
0xd7: {  	[sflag:s13] =	ssyncset.done $0x0  }
0xd8: {  	[sflag:s13] =	ssyncadd.s32 $0xFFFFC000  }
0xd9: {  	[spmem:s2] =	stream.indirect.scatter.add.f32 [tilespmem:s9], [sflag:$0x3], $0x80, s31, s12, $0xb8;
	[tilespmem:$0x1D0C0] =	vst v63  }
0xda: {  	_ =	swait.ge [sflag:s17], $0x4000  }
0xdb: {  	[sflag:s17] =	ssyncset.done $0x0  }
0xdc: {  	[sflag:s17] =	ssyncadd.s32 $0xFFFFC000  }
0xdd: {  	[tilespmem:s14], [sflag:$0x2] =	stream.indirect.gather [hbm4b:s4+s12], $0x80, s1, s12, $0xb8;
	[tilespmem:$0x1D0C0] =	vst v63  }
0xde: {  	_ =	swait.ge [sflag:s15], $0x4000  }
0xdf: {  	[sflag:s15] =	ssyncset.done $0x0  }
0xe0: {  	[sflag:s15] =	ssyncadd.s32 $0xFFFFC000  }
0xe1: {  	[spmem:s2] =	stream.indirect.scatter.add.f32 [tilespmem:s14], [sflag:$0x4], $0x80, s0, s12, $0xb8;
	[tilespmem:$0x1D0C0] =	vst v63  }
0xe2: {  	_ =	swait.ge [sflag:s16], $0x4000  }
0xe3: {  	[sflag:s16] =	ssyncset.done $0x0  }
0xe4: {  	[sflag:s16] =	ssyncadd.s32 $0xFFFFC000  }
0xe5: {  	s5 =	simm.s32 $0x300;
	_ =	swait.ge [sflag:s17], $0x4000  }
0xe6: {  	s6 =	simm.s32 $0x180;
	s8 =	rddreg [dreg:$0x3];
	[sflag:s17] =	ssyncset.done $0x0  }
.LBB2_6:
0xe7: {  	[sflag:s17] =	ssyncadd.s32 $0xFFFFC000;
	s8 =	sadd.s32 s6, s8  }
0xe8: {  	[tilespmem:s3], [sflag:$0x5] =	stream.linear.gather [hbm4b:s8+s3], $0xA00, $0x38;
	[tilespmem:$0x1D0C0] =	vst v63  }
0xe9: {  	_ =	swait.ge [sflag:s10], $0xA00  }
0xea: {  	s8 =	rddreg [dreg:$0x4];
	[sflag:s10] =	ssyncset.done $0x0  }
0xeb: {  	[sflag:s10] =	ssyncadd.s32 $0xFFFFF600;
	s8 =	sadd.s32 s6, s8  }
0xec: {  	[tilespmem:s11], [sflag:$0x5] =	stream.linear.gather [hbm4b:s8+s3], $0xA00, $0x38;
	[tilespmem:$0x1D0C0] =	vst v63  }
0xed: {  	_ =	swait.ge [sflag:s10], $0xA00  }
0xee: {  	[sflag:s10] =	ssyncset.done $0x0  }
0xef: {  	[sflag:s10] =	ssyncadd.s32 $0xFFFFF600  }
0xf0: {  	[tilespmem:s9], [sflag:$0x1] =	stream.indirect.gather [hbm4b:s4+s12], $0x80, s3, s12, $0xb8;
	[tilespmem:$0x1D0C0] =	vst v63  }
0xf1: {  	_ =	swait.ge [sflag:s13], $0x4000  }
0xf2: {  	[sflag:s13] =	ssyncset.done $0x0  }
0xf3: {  	[sflag:s13] =	ssyncadd.s32 $0xFFFFC000  }
0xf4: {  	[spmem:s2] =	stream.indirect.scatter.add.f32 [tilespmem:s9], [sflag:$0x3], $0x80, s11, s12, $0xb8;
	[tilespmem:$0x1D0C0] =	vst v63  }
0xf5: {  	_ = 	snop  }
0xf6: {  	[tilespmem:s14], [sflag:$0x2] =	stream.indirect.gather [hbm4b:s4+s12], $0x80, s12, s12, $0xb8;
	[tilespmem:$0x1D0C0] =	vst v63  }
0xf7: {  	_ =	swait.ge [sflag:s15], $0x4000  }
0xf8: {  	[sflag:s15] =	ssyncset.done $0x0  }
0xf9: {  	s8 =	rddreg [dreg:$0x5];
	[sflag:s15] =	ssyncadd.s32 $0xFFFFC000  }
0xfa: {  	[spmem:s2] =	stream.indirect.scatter.add.f32 [tilespmem:s14], [sflag:$0x4], $0x80, s8, s12, $0xb8;
	[tilespmem:$0x1D0C0] =	vst v63  }
0xfb: {  	_ =	swait.ge [sflag:s16], $0x4000  }
0xfc: {  	[sflag:s16] =	ssyncset.done $0x0  }
0xfd: {  	s8 =	rddreg [dreg:$0x6];
	[sflag:s16] =	ssyncadd.s32 $0xFFFFC000  }
0xfe: {  	[tilespmem:s9], [sflag:$0x1] =	stream.indirect.gather [hbm4b:s4+s12], $0x80, s8, s12, $0xb8;
	[tilespmem:$0x1D0C0] =	vst v63  }
0xff: {  	_ =	swait.ge [sflag:s13], $0x4000  }
0x100: {  	[sflag:s13] =	ssyncset.done $0x0  }
0x101: {  	s8 =	rddreg [dreg:$0x7];
	[sflag:s13] =	ssyncadd.s32 $0xFFFFC000  }
0x102: {  	[spmem:s2] =	stream.indirect.scatter.add.f32 [tilespmem:s9], [sflag:$0x3], $0x80, s8, s12, $0xb8;
	[tilespmem:$0x1D0C0] =	vst v63  }
0x103: {  	_ =	swait.ge [sflag:s17], $0x4000  }
0x104: {  	[sflag:s17] =	ssyncset.done $0x0  }
0x105: {  	s8 =	rddreg [dreg:$0x8];
	[sflag:s17] =	ssyncadd.s32 $0xFFFFC000  }
0x106: {  	[tilespmem:s14], [sflag:$0x2] =	stream.indirect.gather [hbm4b:s4+s12], $0x80, s8, s12, $0xb8;
	[tilespmem:$0x1D0C0] =	vst v63  }
0x107: {  	_ =	swait.ge [sflag:s15], $0x4000  }
0x108: {  	[sflag:s15] =	ssyncset.done $0x0  }
0x109: {  	s8 =	rddreg [dreg:$0x9];
	[sflag:s15] =	ssyncadd.s32 $0xFFFFC000  }
0x10a: {  	[spmem:s2] =	stream.indirect.scatter.add.f32 [tilespmem:s14], [sflag:$0x4], $0x80, s8, s12, $0xb8;
	[tilespmem:$0x1D0C0] =	vst v63  }
0x10b: {  	_ =	swait.ge [sflag:s16], $0x4000  }
0x10c: {  	[sflag:s16] =	ssyncset.done $0x0  }
0x10d: {  	s8 =	rddreg [dreg:$0xa];
	[sflag:s16] =	ssyncadd.s32 $0xFFFFC000  }
0x10e: {  	[tilespmem:s9], [sflag:$0x1] =	stream.indirect.gather [hbm4b:s4+s12], $0x80, s8, s12, $0xb8;
	[tilespmem:$0x1D0C0] =	vst v63  }
0x10f: {  	_ =	swait.ge [sflag:s13], $0x4000  }
0x110: {  	[sflag:s13] =	ssyncset.done $0x0  }
0x111: {  	s8 =	rddreg [dreg:$0xb];
	[sflag:s13] =	ssyncadd.s32 $0xFFFFC000  }
0x112: {  	[spmem:s2] =	stream.indirect.scatter.add.f32 [tilespmem:s9], [sflag:$0x3], $0x80, s8, s12, $0xb8;
	[tilespmem:$0x1D0C0] =	vst v63  }
0x113: {  	_ =	swait.ge [sflag:s17], $0x4000  }
0x114: {  	[sflag:s17] =	ssyncset.done $0x0  }
0x115: {  	s8 =	rddreg [dreg:$0xc];
	[sflag:s17] =	ssyncadd.s32 $0xFFFFC000  }
0x116: {  	[tilespmem:s14], [sflag:$0x2] =	stream.indirect.gather [hbm4b:s4+s12], $0x80, s8, s12, $0xb8;
	[tilespmem:$0x1D0C0] =	vst v63  }
0x117: {  	_ =	swait.ge [sflag:s15], $0x4000  }
0x118: {  	[sflag:s15] =	ssyncset.done $0x0  }
0x119: {  	s8 =	rddreg [dreg:$0xd];
	[sflag:s15] =	ssyncadd.s32 $0xFFFFC000  }
0x11a: {  	[spmem:s2] =	stream.indirect.scatter.add.f32 [tilespmem:s14], [sflag:$0x4], $0x80, s8, s12, $0xb8;
	[tilespmem:$0x1D0C0] =	vst v63  }
0x11b: {  	_ =	swait.ge [sflag:s16], $0x4000  }
0x11c: {  	[sflag:s16] =	ssyncset.done $0x0  }
0x11d: {  	s8 =	rddreg [dreg:$0xe];
	[sflag:s16] =	ssyncadd.s32 $0xFFFFC000  }
0x11e: {  	[tilespmem:s9], [sflag:$0x1] =	stream.indirect.gather [hbm4b:s4+s12], $0x80, s8, s12, $0xb8;
	[tilespmem:$0x1D0C0] =	vst v63  }
0x11f: {  	_ =	swait.ge [sflag:s13], $0x4000  }
0x120: {  	[sflag:s13] =	ssyncset.done $0x0  }
0x121: {  	s8 =	rddreg [dreg:$0xf];
	[sflag:s13] =	ssyncadd.s32 $0xFFFFC000  }
0x122: {  	[spmem:s2] =	stream.indirect.scatter.add.f32 [tilespmem:s9], [sflag:$0x3], $0x80, s8, s12, $0xb8;
	[tilespmem:$0x1D0C0] =	vst v63  }
0x123: {  	_ =	swait.ge [sflag:s17], $0x4000  }
0x124: {  	[sflag:s17] =	ssyncset.done $0x0  }
0x125: {  	s8 =	rddreg [dreg:$0x10];
	[sflag:s17] =	ssyncadd.s32 $0xFFFFC000  }
0x126: {  	[tilespmem:s14], [sflag:$0x2] =	stream.indirect.gather [hbm4b:s4+s12], $0x80, s8, s12, $0xb8;
	[tilespmem:$0x1D0C0] =	vst v63  }
0x127: {  	_ =	swait.ge [sflag:s15], $0x4000  }
0x128: {  	[sflag:s15] =	ssyncset.done $0x0  }
0x129: {  	s8 =	rddreg [dreg:$0x11];
	[sflag:s15] =	ssyncadd.s32 $0xFFFFC000  }
0x12a: {  	[spmem:s2] =	stream.indirect.scatter.add.f32 [tilespmem:s14], [sflag:$0x4], $0x80, s8, s12, $0xb8;
	[tilespmem:$0x1D0C0] =	vst v63  }
0x12b: {  	_ =	swait.ge [sflag:s16], $0x4000  }
0x12c: {  	[sflag:s16] =	ssyncset.done $0x0  }
0x12d: {  	s8 =	rddreg [dreg:$0x12];
	[sflag:s16] =	ssyncadd.s32 $0xFFFFC000  }
0x12e: {  	[tilespmem:s9], [sflag:$0x1] =	stream.indirect.gather [hbm4b:s4+s12], $0x80, s8, s12, $0xb8;
	[tilespmem:$0x1D0C0] =	vst v63  }
0x12f: {  	_ =	swait.ge [sflag:s13], $0x4000  }
0x130: {  	[sflag:s13] =	ssyncset.done $0x0  }
0x131: {  	s8 =	rddreg [dreg:$0x13];
	[sflag:s13] =	ssyncadd.s32 $0xFFFFC000  }
0x132: {  	[spmem:s2] =	stream.indirect.scatter.add.f32 [tilespmem:s9], [sflag:$0x3], $0x80, s8, s12, $0xb8;
	[tilespmem:$0x1D0C0] =	vst v63  }
0x133: {  	_ =	swait.ge [sflag:s17], $0x4000  }
0x134: {  	[sflag:s17] =	ssyncset.done $0x0  }
0x135: {  	s8 =	rddreg [dreg:$0x14];
	[sflag:s17] =	ssyncadd.s32 $0xFFFFC000  }
0x136: {  	[tilespmem:s14], [sflag:$0x2] =	stream.indirect.gather [hbm4b:s4+s12], $0x80, s8, s12, $0xb8;
	[tilespmem:$0x1D0C0] =	vst v63  }
0x137: {  	_ =	swait.ge [sflag:s15], $0x4000  }
0x138: {  	[sflag:s15] =	ssyncset.done $0x0  }
0x139: {  	s8 =	rddreg [dreg:$0x15];
	[sflag:s15] =	ssyncadd.s32 $0xFFFFC000  }
0x13a: {  	[spmem:s2] =	stream.indirect.scatter.add.f32 [tilespmem:s14], [sflag:$0x4], $0x80, s8, s12, $0xb8;
	[tilespmem:$0x1D0C0] =	vst v63  }
0x13b: {  	_ =	swait.ge [sflag:s16], $0x4000  }
0x13c: {  	[sflag:s16] =	ssyncset.done $0x0  }
0x13d: {  	s8 =	rddreg [dreg:$0x16];
	[sflag:s16] =	ssyncadd.s32 $0xFFFFC000  }
0x13e: {  	[tilespmem:s9], [sflag:$0x1] =	stream.indirect.gather [hbm4b:s4+s12], $0x80, s8, s12, $0xb8;
	[tilespmem:$0x1D0C0] =	vst v63  }
0x13f: {  	_ =	swait.ge [sflag:s13], $0x4000  }
0x140: {  	[sflag:s13] =	ssyncset.done $0x0  }
0x141: {  	s8 =	rddreg [dreg:$0x17];
	[sflag:s13] =	ssyncadd.s32 $0xFFFFC000  }
0x142: {  	[spmem:s2] =	stream.indirect.scatter.add.f32 [tilespmem:s9], [sflag:$0x3], $0x80, s8, s12, $0xb8;
	[tilespmem:$0x1D0C0] =	vst v63  }
0x143: {  	_ =	swait.ge [sflag:s17], $0x4000  }
0x144: {  	[sflag:s17] =	ssyncset.done $0x0  }
0x145: {  	s8 =	rddreg [dreg:$0x18];
	[sflag:s17] =	ssyncadd.s32 $0xFFFFC000  }
0x146: {  	[tilespmem:s14], [sflag:$0x2] =	stream.indirect.gather [hbm4b:s4+s12], $0x80, s8, s12, $0xb8;
	[tilespmem:$0x1D0C0] =	vst v63  }
0x147: {  	_ =	swait.ge [sflag:s15], $0x4000  }
0x148: {  	[sflag:s15] =	ssyncset.done $0x0  }
0x149: {  	s8 =	rddreg [dreg:$0x19];
	[sflag:s15] =	ssyncadd.s32 $0xFFFFC000  }
0x14a: {  	[spmem:s2] =	stream.indirect.scatter.add.f32 [tilespmem:s14], [sflag:$0x4], $0x80, s8, s12, $0xb8;
	[tilespmem:$0x1D0C0] =	vst v63  }
0x14b: {  	_ =	swait.ge [sflag:s16], $0x4000  }
0x14c: {  	[sflag:s16] =	ssyncset.done $0x0  }
0x14d: {  	s8 =	rddreg [dreg:$0x1a];
	[sflag:s16] =	ssyncadd.s32 $0xFFFFC000  }
0x14e: {  	[tilespmem:s9], [sflag:$0x1] =	stream.indirect.gather [hbm4b:s4+s12], $0x80, s8, s12, $0xb8;
	[tilespmem:$0x1D0C0] =	vst v63  }
0x14f: {  	_ =	swait.ge [sflag:s13], $0x4000  }
0x150: {  	[sflag:s13] =	ssyncset.done $0x0  }
0x151: {  	[sflag:s13] =	ssyncadd.s32 $0xFFFFC000  }
0x152: {  	[spmem:s2] =	stream.indirect.scatter.add.f32 [tilespmem:s9], [sflag:$0x3], $0x80, s18, s12, $0xb8;
	[tilespmem:$0x1D0C0] =	vst v63  }
0x153: {  	_ =	swait.ge [sflag:s17], $0x4000  }
0x154: {  	[sflag:s17] =	ssyncset.done $0x0  }
0x155: {  	[sflag:s17] =	ssyncadd.s32 $0xFFFFC000  }
0x156: {  	[tilespmem:s14], [sflag:$0x2] =	stream.indirect.gather [hbm4b:s4+s12], $0x80, s19, s12, $0xb8;
	[tilespmem:$0x1D0C0] =	vst v63  }
0x157: {  	_ =	swait.ge [sflag:s15], $0x4000  }
0x158: {  	[sflag:s15] =	ssyncset.done $0x0  }
0x159: {  	[sflag:s15] =	ssyncadd.s32 $0xFFFFC000  }
0x15a: {  	[spmem:s2] =	stream.indirect.scatter.add.f32 [tilespmem:s14], [sflag:$0x4], $0x80, s20, s12, $0xb8;
	[tilespmem:$0x1D0C0] =	vst v63  }
0x15b: {  	_ =	swait.ge [sflag:s16], $0x4000  }
0x15c: {  	[sflag:s16] =	ssyncset.done $0x0  }
0x15d: {  	[sflag:s16] =	ssyncadd.s32 $0xFFFFC000  }
0x15e: {  	[tilespmem:s9], [sflag:$0x1] =	stream.indirect.gather [hbm4b:s4+s12], $0x80, s21, s12, $0xb8;
	[tilespmem:$0x1D0C0] =	vst v63  }
0x15f: {  	_ =	swait.ge [sflag:s13], $0x4000  }
0x160: {  	[sflag:s13] =	ssyncset.done $0x0  }
0x161: {  	[sflag:s13] =	ssyncadd.s32 $0xFFFFC000  }
0x162: {  	[spmem:s2] =	stream.indirect.scatter.add.f32 [tilespmem:s9], [sflag:$0x3], $0x80, s22, s12, $0xb8;
	[tilespmem:$0x1D0C0] =	vst v63  }
0x163: {  	_ =	swait.ge [sflag:s17], $0x4000  }
0x164: {  	[sflag:s17] =	ssyncset.done $0x0  }
0x165: {  	[sflag:s17] =	ssyncadd.s32 $0xFFFFC000  }
0x166: {  	[tilespmem:s14], [sflag:$0x2] =	stream.indirect.gather [hbm4b:s4+s12], $0x80, s23, s12, $0xb8;
	[tilespmem:$0x1D0C0] =	vst v63  }
0x167: {  	_ =	swait.ge [sflag:s15], $0x4000  }
0x168: {  	[sflag:s15] =	ssyncset.done $0x0  }
0x169: {  	[sflag:s15] =	ssyncadd.s32 $0xFFFFC000  }
0x16a: {  	[spmem:s2] =	stream.indirect.scatter.add.f32 [tilespmem:s14], [sflag:$0x4], $0x80, s24, s12, $0xb8;
	[tilespmem:$0x1D0C0] =	vst v63  }
0x16b: {  	_ =	swait.ge [sflag:s16], $0x4000  }
0x16c: {  	[sflag:s16] =	ssyncset.done $0x0  }
0x16d: {  	[sflag:s16] =	ssyncadd.s32 $0xFFFFC000  }
0x16e: {  	[tilespmem:s9], [sflag:$0x1] =	stream.indirect.gather [hbm4b:s4+s12], $0x80, s25, s12, $0xb8;
	[tilespmem:$0x1D0C0] =	vst v63  }
0x16f: {  	_ =	swait.ge [sflag:s13], $0x4000  }
0x170: {  	[sflag:s13] =	ssyncset.done $0x0  }
0x171: {  	[sflag:s13] =	ssyncadd.s32 $0xFFFFC000  }
0x172: {  	[spmem:s2] =	stream.indirect.scatter.add.f32 [tilespmem:s9], [sflag:$0x3], $0x80, s26, s12, $0xb8;
	[tilespmem:$0x1D0C0] =	vst v63  }
0x173: {  	_ =	swait.ge [sflag:s17], $0x4000  }
0x174: {  	[sflag:s17] =	ssyncset.done $0x0  }
0x175: {  	[sflag:s17] =	ssyncadd.s32 $0xFFFFC000  }
0x176: {  	[tilespmem:s14], [sflag:$0x2] =	stream.indirect.gather [hbm4b:s4+s12], $0x80, s28, s12, $0xb8;
	[tilespmem:$0x1D0C0] =	vst v63  }
0x177: {  	_ =	swait.ge [sflag:s15], $0x4000  }
0x178: {  	[sflag:s15] =	ssyncset.done $0x0  }
0x179: {  	[sflag:s15] =	ssyncadd.s32 $0xFFFFC000  }
0x17a: {  	[spmem:s2] =	stream.indirect.scatter.add.f32 [tilespmem:s14], [sflag:$0x4], $0x80, s29, s12, $0xb8;
	[tilespmem:$0x1D0C0] =	vst v63  }
0x17b: {  	_ =	swait.ge [sflag:s16], $0x4000  }
0x17c: {  	[sflag:s16] =	ssyncset.done $0x0  }
0x17d: {  	[sflag:s16] =	ssyncadd.s32 $0xFFFFC000  }
0x17e: {  	[tilespmem:s9], [sflag:$0x1] =	stream.indirect.gather [hbm4b:s4+s12], $0x80, s30, s12, $0xb8;
	[tilespmem:$0x1D0C0] =	vst v63  }
0x17f: {  	_ =	swait.ge [sflag:s13], $0x4000  }
0x180: {  	[sflag:s13] =	ssyncset.done $0x0  }
0x181: {  	[sflag:s13] =	ssyncadd.s32 $0xFFFFC000  }
0x182: {  	[spmem:s2] =	stream.indirect.scatter.add.f32 [tilespmem:s9], [sflag:$0x3], $0x80, s31, s12, $0xb8;
	[tilespmem:$0x1D0C0] =	vst v63  }
0x183: {  	_ =	swait.ge [sflag:s17], $0x4000  }
0x184: {  	[sflag:s17] =	ssyncset.done $0x0  }
0x185: {  	[sflag:s17] =	ssyncadd.s32 $0xFFFFC000  }
0x186: {  	[tilespmem:s14], [sflag:$0x2] =	stream.indirect.gather [hbm4b:s4+s12], $0x80, s1, s12, $0xb8;
	[tilespmem:$0x1D0C0] =	vst v63  }
0x187: {  	_ =	swait.ge [sflag:s15], $0x4000  }
0x188: {  	[sflag:s15] =	ssyncset.done $0x0  }
0x189: {  	p1 =	sne.s32 s5, $0x480;
	[sflag:s15] =	ssyncadd.s32 $0xFFFFC000  }
0x18a: {  	[spmem:s2] =	stream.indirect.scatter.add.f32 [tilespmem:s14], [sflag:$0x4], $0x80, s0, s12, $0xb8;
	[tilespmem:$0x1D0C0] =	vst v63  }
.Ltmp4:
0x18b: {  	_ =	swait.ge [sflag:s16], $0x4000;
	(pc) =	sbr.rel @p1 .LBB2_6-.Ltmp4, $4  }
0x18c: {  	[sflag:s16] =	ssyncset.done $0x0  }
0x18d: {  	[sflag:s16] =	ssyncadd.s32 $0xFFFFC000  }
0x18e: {  	s7 =	smov.u32 s5;
	s5 =	sadd.s32 $0x180, s5;
	_ =	swait.ge [sflag:s17], $0x4000  }
0x18f: {  	s6 =	smov.u32 s7;
	s8 =	rddreg [dreg:$0x3];
	[sflag:s17] =	ssyncset.done $0x0  }
0x190: {  	[sflag:s17] =	ssyncadd.s32 $0xFFFFC000;
	s5 =	sadd.s32 s6, s8  }
0x191: {  	[tilespmem:s3], [sflag:$0x5] =	stream.linear.gather [hbm4b:s5+s3], $0xA00, $0x38;
	[tilespmem:$0x1D0C0] =	vst v63  }
0x192: {  	_ =	swait.ge [sflag:s10], $0xA00  }
0x193: {  	s7 =	rddreg [dreg:$0x4];
	[sflag:s10] =	ssyncset.done $0x0  }
0x194: {  	s5 =	sadd.s32 s6, s7;
	[sflag:s10] =	ssyncadd.s32 $0xFFFFF600  }
0x195: {  	[tilespmem:s11], [sflag:$0x5] =	stream.linear.gather [hbm4b:s5+s3], $0xA00, $0x38;
	[tilespmem:$0x1D0C0] =	vst v63  }
0x196: {  	_ =	swait.ge [sflag:s10], $0xA00  }
0x197: {  	[sflag:s10] =	ssyncset.done $0x0  }
0x198: {  	[sflag:s10] =	ssyncadd.s32 $0xFFFFF600  }
0x199: {  	[tilespmem:s9], [sflag:$0x1] =	stream.indirect.gather [hbm4b:s4+s12], $0x80, s3, s12, $0xb8;
	[tilespmem:$0x1D0C0] =	vst v63  }
0x19a: {  	_ =	swait.ge [sflag:s13], $0x4000  }
0x19b: {  	[sflag:s13] =	ssyncset.done $0x0  }
0x19c: {  	[sflag:s13] =	ssyncadd.s32 $0xFFFFC000  }
0x19d: {  	[spmem:s2] =	stream.indirect.scatter.add.f32 [tilespmem:s9], [sflag:$0x3], $0x80, s11, s12, $0xb8;
	[tilespmem:$0x1D0C0] =	vst v63  }
0x19e: {  	_ = 	snop  }
0x19f: {  	[tilespmem:s14], [sflag:$0x2] =	stream.indirect.gather [hbm4b:s4+s12], $0x80, s12, s12, $0xb8;
	[tilespmem:$0x1D0C0] =	vst v63  }
0x1a0: {  	_ =	swait.ge [sflag:s15], $0x4000  }
0x1a1: {  	[sflag:s15] =	ssyncset.done $0x0  }
0x1a2: {  	s8 =	rddreg [dreg:$0x5];
	[sflag:s15] =	ssyncadd.s32 $0xFFFFC000  }
0x1a3: {  	[spmem:s2] =	stream.indirect.scatter.add.f32 [tilespmem:s14], [sflag:$0x4], $0x80, s8, s12, $0xb8;
	[tilespmem:$0x1D0C0] =	vst v63  }
0x1a4: {  	_ =	swait.ge [sflag:s16], $0x4000  }
0x1a5: {  	[sflag:s16] =	ssyncset.done $0x0  }
0x1a6: {  	s6 =	rddreg [dreg:$0x6];
	[sflag:s16] =	ssyncadd.s32 $0xFFFFC000  }
0x1a7: {  	[tilespmem:s9], [sflag:$0x1] =	stream.indirect.gather [hbm4b:s4+s12], $0x80, s6, s12, $0xb8;
	[tilespmem:$0x1D0C0] =	vst v63  }
0x1a8: {  	_ =	swait.ge [sflag:s13], $0x4000  }
0x1a9: {  	[sflag:s13] =	ssyncset.done $0x0  }
0x1aa: {  	s7 =	rddreg [dreg:$0x7];
	[sflag:s13] =	ssyncadd.s32 $0xFFFFC000  }
0x1ab: {  	[spmem:s2] =	stream.indirect.scatter.add.f32 [tilespmem:s9], [sflag:$0x3], $0x80, s7, s12, $0xb8;
	[tilespmem:$0x1D0C0] =	vst v63  }
0x1ac: {  	_ =	swait.ge [sflag:s17], $0x4000  }
0x1ad: {  	[sflag:s17] =	ssyncset.done $0x0  }
0x1ae: {  	s8 =	rddreg [dreg:$0x8];
	[sflag:s17] =	ssyncadd.s32 $0xFFFFC000  }
0x1af: {  	[tilespmem:s14], [sflag:$0x2] =	stream.indirect.gather [hbm4b:s4+s12], $0x80, s8, s12, $0xb8;
	[tilespmem:$0x1D0C0] =	vst v63  }
0x1b0: {  	_ =	swait.ge [sflag:s15], $0x4000  }
0x1b1: {  	[sflag:s15] =	ssyncset.done $0x0  }
0x1b2: {  	s6 =	rddreg [dreg:$0x9];
	[sflag:s15] =	ssyncadd.s32 $0xFFFFC000  }
0x1b3: {  	[spmem:s2] =	stream.indirect.scatter.add.f32 [tilespmem:s14], [sflag:$0x4], $0x80, s6, s12, $0xb8;
	[tilespmem:$0x1D0C0] =	vst v63  }
0x1b4: {  	_ =	swait.ge [sflag:s16], $0x4000  }
0x1b5: {  	[sflag:s16] =	ssyncset.done $0x0  }
0x1b6: {  	s7 =	rddreg [dreg:$0xa];
	[sflag:s16] =	ssyncadd.s32 $0xFFFFC000  }
0x1b7: {  	[tilespmem:s9], [sflag:$0x1] =	stream.indirect.gather [hbm4b:s4+s12], $0x80, s7, s12, $0xb8;
	[tilespmem:$0x1D0C0] =	vst v63  }
0x1b8: {  	_ =	swait.ge [sflag:s13], $0x4000  }
0x1b9: {  	[sflag:s13] =	ssyncset.done $0x0  }
0x1ba: {  	s8 =	rddreg [dreg:$0xb];
	[sflag:s13] =	ssyncadd.s32 $0xFFFFC000  }
0x1bb: {  	[spmem:s2] =	stream.indirect.scatter.add.f32 [tilespmem:s9], [sflag:$0x3], $0x80, s8, s12, $0xb8;
	[tilespmem:$0x1D0C0] =	vst v63  }
0x1bc: {  	_ =	swait.ge [sflag:s17], $0x4000  }
0x1bd: {  	[sflag:s17] =	ssyncset.done $0x0  }
0x1be: {  	s6 =	rddreg [dreg:$0xc];
	[sflag:s17] =	ssyncadd.s32 $0xFFFFC000  }
0x1bf: {  	[tilespmem:s14], [sflag:$0x2] =	stream.indirect.gather [hbm4b:s4+s12], $0x80, s6, s12, $0xb8;
	[tilespmem:$0x1D0C0] =	vst v63  }
0x1c0: {  	_ =	swait.ge [sflag:s15], $0x4000  }
0x1c1: {  	[sflag:s15] =	ssyncset.done $0x0  }
0x1c2: {  	s7 =	rddreg [dreg:$0xd];
	[sflag:s15] =	ssyncadd.s32 $0xFFFFC000  }
0x1c3: {  	[spmem:s2] =	stream.indirect.scatter.add.f32 [tilespmem:s14], [sflag:$0x4], $0x80, s7, s12, $0xb8;
	[tilespmem:$0x1D0C0] =	vst v63  }
0x1c4: {  	_ =	swait.ge [sflag:s16], $0x4000  }
0x1c5: {  	[sflag:s16] =	ssyncset.done $0x0  }
0x1c6: {  	s8 =	rddreg [dreg:$0xe];
	[sflag:s16] =	ssyncadd.s32 $0xFFFFC000  }
0x1c7: {  	[tilespmem:s9], [sflag:$0x1] =	stream.indirect.gather [hbm4b:s4+s12], $0x80, s8, s12, $0xb8;
	[tilespmem:$0x1D0C0] =	vst v63  }
0x1c8: {  	_ =	swait.ge [sflag:s13], $0x4000  }
0x1c9: {  	[sflag:s13] =	ssyncset.done $0x0  }
0x1ca: {  	s6 =	rddreg [dreg:$0xf];
	[sflag:s13] =	ssyncadd.s32 $0xFFFFC000  }
0x1cb: {  	[spmem:s2] =	stream.indirect.scatter.add.f32 [tilespmem:s9], [sflag:$0x3], $0x80, s6, s12, $0xb8;
	[tilespmem:$0x1D0C0] =	vst v63  }
0x1cc: {  	_ =	swait.ge [sflag:s17], $0x4000  }
0x1cd: {  	[sflag:s17] =	ssyncset.done $0x0  }
0x1ce: {  	s7 =	rddreg [dreg:$0x10];
	[sflag:s17] =	ssyncadd.s32 $0xFFFFC000  }
0x1cf: {  	[tilespmem:s14], [sflag:$0x2] =	stream.indirect.gather [hbm4b:s4+s12], $0x80, s7, s12, $0xb8;
	[tilespmem:$0x1D0C0] =	vst v63  }
0x1d0: {  	_ =	swait.ge [sflag:s15], $0x4000  }
0x1d1: {  	[sflag:s15] =	ssyncset.done $0x0  }
0x1d2: {  	s8 =	rddreg [dreg:$0x11];
	[sflag:s15] =	ssyncadd.s32 $0xFFFFC000  }
0x1d3: {  	[spmem:s2] =	stream.indirect.scatter.add.f32 [tilespmem:s14], [sflag:$0x4], $0x80, s8, s12, $0xb8;
	[tilespmem:$0x1D0C0] =	vst v63  }
0x1d4: {  	_ =	swait.ge [sflag:s16], $0x4000  }
0x1d5: {  	[sflag:s16] =	ssyncset.done $0x0  }
0x1d6: {  	s6 =	rddreg [dreg:$0x12];
	[sflag:s16] =	ssyncadd.s32 $0xFFFFC000  }
0x1d7: {  	[tilespmem:s9], [sflag:$0x1] =	stream.indirect.gather [hbm4b:s4+s12], $0x80, s6, s12, $0xb8;
	[tilespmem:$0x1D0C0] =	vst v63  }
0x1d8: {  	_ =	swait.ge [sflag:s13], $0x4000  }
0x1d9: {  	[sflag:s13] =	ssyncset.done $0x0  }
0x1da: {  	s7 =	rddreg [dreg:$0x13];
	[sflag:s13] =	ssyncadd.s32 $0xFFFFC000  }
0x1db: {  	[spmem:s2] =	stream.indirect.scatter.add.f32 [tilespmem:s9], [sflag:$0x3], $0x80, s7, s12, $0xb8;
	[tilespmem:$0x1D0C0] =	vst v63  }
0x1dc: {  	_ =	swait.ge [sflag:s17], $0x4000  }
0x1dd: {  	[sflag:s17] =	ssyncset.done $0x0  }
0x1de: {  	s8 =	rddreg [dreg:$0x14];
	[sflag:s17] =	ssyncadd.s32 $0xFFFFC000  }
0x1df: {  	[tilespmem:s14], [sflag:$0x2] =	stream.indirect.gather [hbm4b:s4+s12], $0x80, s8, s12, $0xb8;
	[tilespmem:$0x1D0C0] =	vst v63  }
0x1e0: {  	_ =	swait.ge [sflag:s15], $0x4000  }
0x1e1: {  	[sflag:s15] =	ssyncset.done $0x0  }
0x1e2: {  	s6 =	rddreg [dreg:$0x15];
	[sflag:s15] =	ssyncadd.s32 $0xFFFFC000  }
0x1e3: {  	[spmem:s2] =	stream.indirect.scatter.add.f32 [tilespmem:s14], [sflag:$0x4], $0x80, s6, s12, $0xb8;
	[tilespmem:$0x1D0C0] =	vst v63  }
0x1e4: {  	_ =	swait.ge [sflag:s16], $0x4000  }
0x1e5: {  	[sflag:s16] =	ssyncset.done $0x0  }
0x1e6: {  	s7 =	rddreg [dreg:$0x16];
	[sflag:s16] =	ssyncadd.s32 $0xFFFFC000  }
0x1e7: {  	[tilespmem:s9], [sflag:$0x1] =	stream.indirect.gather [hbm4b:s4+s12], $0x80, s7, s12, $0xb8;
	[tilespmem:$0x1D0C0] =	vst v63  }
0x1e8: {  	_ =	swait.ge [sflag:s13], $0x4000  }
0x1e9: {  	[sflag:s13] =	ssyncset.done $0x0  }
0x1ea: {  	s8 =	rddreg [dreg:$0x17];
	[sflag:s13] =	ssyncadd.s32 $0xFFFFC000  }
0x1eb: {  	[spmem:s2] =	stream.indirect.scatter.add.f32 [tilespmem:s9], [sflag:$0x3], $0x80, s8, s12, $0xb8;
	[tilespmem:$0x1D0C0] =	vst v63  }
0x1ec: {  	_ =	swait.ge [sflag:s17], $0x4000  }
0x1ed: {  	[sflag:s17] =	ssyncset.done $0x0  }
0x1ee: {  	s6 =	rddreg [dreg:$0x18];
	[sflag:s17] =	ssyncadd.s32 $0xFFFFC000  }
0x1ef: {  	[tilespmem:s14], [sflag:$0x2] =	stream.indirect.gather [hbm4b:s4+s12], $0x80, s6, s12, $0xb8;
	[tilespmem:$0x1D0C0] =	vst v63  }
0x1f0: {  	_ =	swait.ge [sflag:s15], $0x4000  }
0x1f1: {  	[sflag:s15] =	ssyncset.done $0x0  }
0x1f2: {  	s7 =	rddreg [dreg:$0x19];
	[sflag:s15] =	ssyncadd.s32 $0xFFFFC000  }
0x1f3: {  	[spmem:s2] =	stream.indirect.scatter.add.f32 [tilespmem:s14], [sflag:$0x4], $0x80, s7, s12, $0xb8;
	[tilespmem:$0x1D0C0] =	vst v63  }
0x1f4: {  	_ =	swait.ge [sflag:s16], $0x4000  }
0x1f5: {  	[sflag:s16] =	ssyncset.done $0x0  }
0x1f6: {  	s8 =	rddreg [dreg:$0x1a];
	[sflag:s16] =	ssyncadd.s32 $0xFFFFC000  }
0x1f7: {  	[tilespmem:s9], [sflag:$0x1] =	stream.indirect.gather [hbm4b:s4+s12], $0x80, s8, s12, $0xb8;
	[tilespmem:$0x1D0C0] =	vst v63  }
0x1f8: {  	_ =	swait.ge [sflag:s13], $0x4000  }
0x1f9: {  	[sflag:s13] =	ssyncset.done $0x0  }
0x1fa: {  	[sflag:s13] =	ssyncadd.s32 $0xFFFFC000  }
0x1fb: {  	[spmem:s2] =	stream.indirect.scatter.add.f32 [tilespmem:s9], [sflag:$0x3], $0x80, s18, s12, $0xb8;
	[tilespmem:$0x1D0C0] =	vst v63  }
0x1fc: {  	_ =	swait.ge [sflag:s17], $0x4000  }
0x1fd: {  	[sflag:s17] =	ssyncset.done $0x0  }
0x1fe: {  	[sflag:s17] =	ssyncadd.s32 $0xFFFFC000  }
0x1ff: {  	[tilespmem:s14], [sflag:$0x2] =	stream.indirect.gather [hbm4b:s4+s12], $0x80, s19, s12, $0xb8;
	[tilespmem:$0x1D0C0] =	vst v63  }
0x200: {  	_ =	swait.ge [sflag:s15], $0x4000  }
0x201: {  	[sflag:s15] =	ssyncset.done $0x0  }
0x202: {  	[sflag:s15] =	ssyncadd.s32 $0xFFFFC000  }
0x203: {  	[spmem:s2] =	stream.indirect.scatter.add.f32 [tilespmem:s14], [sflag:$0x4], $0x80, s20, s12, $0xb8;
	[tilespmem:$0x1D0C0] =	vst v63  }
0x204: {  	_ =	swait.ge [sflag:s16], $0x4000  }
0x205: {  	[sflag:s16] =	ssyncset.done $0x0  }
0x206: {  	[sflag:s16] =	ssyncadd.s32 $0xFFFFC000  }
0x207: {  	[tilespmem:s9], [sflag:$0x1] =	stream.indirect.gather [hbm4b:s4+s12], $0x80, s21, s12, $0xb8;
	[tilespmem:$0x1D0C0] =	vst v63  }
0x208: {  	_ =	swait.ge [sflag:s13], $0x4000  }
0x209: {  	[sflag:s13] =	ssyncset.done $0x0  }
0x20a: {  	[sflag:s13] =	ssyncadd.s32 $0xFFFFC000  }
0x20b: {  	[spmem:s2] =	stream.indirect.scatter.add.f32 [tilespmem:s9], [sflag:$0x3], $0x80, s22, s12, $0xb8;
	[tilespmem:$0x1D0C0] =	vst v63  }
0x20c: {  	_ =	swait.ge [sflag:s17], $0x4000  }
0x20d: {  	[sflag:s17] =	ssyncset.done $0x0  }
0x20e: {  	[sflag:s17] =	ssyncadd.s32 $0xFFFFC000  }
0x20f: {  	[tilespmem:s14], [sflag:$0x2] =	stream.indirect.gather [hbm4b:s4+s12], $0x80, s23, s12, $0xb8;
	[tilespmem:$0x1D0C0] =	vst v63  }
0x210: {  	_ =	swait.ge [sflag:s15], $0x4000  }
0x211: {  	[sflag:s15] =	ssyncset.done $0x0  }
0x212: {  	[sflag:s15] =	ssyncadd.s32 $0xFFFFC000  }
0x213: {  	[spmem:s2] =	stream.indirect.scatter.add.f32 [tilespmem:s14], [sflag:$0x4], $0x80, s24, s12, $0xb8;
	[tilespmem:$0x1D0C0] =	vst v63  }
0x214: {  	_ =	swait.ge [sflag:s16], $0x4000  }
0x215: {  	[sflag:s16] =	ssyncset.done $0x0  }
0x216: {  	[sflag:s16] =	ssyncadd.s32 $0xFFFFC000  }
0x217: {  	[tilespmem:s9], [sflag:$0x1] =	stream.indirect.gather [hbm4b:s4+s12], $0x80, s25, s12, $0xb8;
	[tilespmem:$0x1D0C0] =	vst v63  }
0x218: {  	_ =	swait.ge [sflag:s13], $0x4000  }
0x219: {  	[sflag:s13] =	ssyncset.done $0x0  }
0x21a: {  	[sflag:s13] =	ssyncadd.s32 $0xFFFFC000  }
0x21b: {  	[spmem:s2] =	stream.indirect.scatter.add.f32 [tilespmem:s9], [sflag:$0x3], $0x80, s26, s12, $0xb8;
	[tilespmem:$0x1D0C0] =	vst v63  }
0x21c: {  	_ =	swait.ge [sflag:s17], $0x4000  }
0x21d: {  	[sflag:s17] =	ssyncset.done $0x0  }
0x21e: {  	[sflag:s17] =	ssyncadd.s32 $0xFFFFC000  }
0x21f: {  	[tilespmem:s14], [sflag:$0x2] =	stream.indirect.gather [hbm4b:s4+s12], $0x80, s28, s12, $0xb8;
	[tilespmem:$0x1D0C0] =	vst v63  }
0x220: {  	_ =	swait.ge [sflag:s15], $0x4000  }
0x221: {  	[sflag:s15] =	ssyncset.done $0x0  }
0x222: {  	[sflag:s15] =	ssyncadd.s32 $0xFFFFC000  }
0x223: {  	[spmem:s2] =	stream.indirect.scatter.add.f32 [tilespmem:s14], [sflag:$0x4], $0x80, s29, s12, $0xb8;
	[tilespmem:$0x1D0C0] =	vst v63  }
0x224: {  	_ =	swait.ge [sflag:s16], $0x4000  }
0x225: {  	[sflag:s16] =	ssyncset.done $0x0  }
0x226: {  	[sflag:s16] =	ssyncadd.s32 $0xFFFFC000  }
0x227: {  	[tilespmem:s9], [sflag:$0x1] =	stream.indirect.gather [hbm4b:s4+s12], $0x80, s30, s12, $0xb8;
	[tilespmem:$0x1D0C0] =	vst v63  }
0x228: {  	_ =	swait.ge [sflag:s13], $0x4000  }
0x229: {  	[sflag:s13] =	ssyncset.done $0x0  }
0x22a: {  	[sflag:s13] =	ssyncadd.s32 $0xFFFFC000  }
0x22b: {  	[spmem:s2] =	stream.indirect.scatter.add.f32 [tilespmem:s9], [sflag:$0x3], $0x80, s31, s12, $0xb8;
	[tilespmem:$0x1D0C0] =	vst v63  }
0x22c: {  	_ =	swait.ge [sflag:s17], $0x4000  }
0x22d: {  	[sflag:s17] =	ssyncset.done $0x0  }
0x22e: {  	[sflag:s17] =	ssyncadd.s32 $0xFFFFC000  }
0x22f: {  	[tilespmem:s14], [sflag:$0x2] =	stream.indirect.gather [hbm4b:s4+s12], $0x80, s1, s12, $0xb8;
	[tilespmem:$0x1D0C0] =	vst v63  }
0x230: {  	_ =	swait.ge [sflag:s15], $0x4000  }
0x231: {  	[sflag:s15] =	ssyncset.done $0x0  }
0x232: {  	[sflag:s15] =	ssyncadd.s32 $0xFFFFC000  }
0x233: {  	[spmem:s2] =	stream.indirect.scatter.add.f32 [tilespmem:s14], [sflag:$0x4], $0x80, s0, s12, $0xb8;
	[tilespmem:$0x1D0C0] =	vst v63  }
0x234: {  	_ =	swait.ge [sflag:s16], $0x4000  }
0x235: {  	[sflag:s16] =	ssyncset.done $0x0  }
0x236: {  	[sflag:s16] =	ssyncadd.s32 $0xFFFFC000  }
0x237: {  	_ =	swait.ge [sflag:s17], $0x4000  }
.Ltmp5:
0x238: {  	[sflag:s17] =	ssyncset.done $0x0;
	(pc) =	sbr.rel @p0 .LBB2_11-.Ltmp5, $4  }
0x239: {  	[sflag:s17] =	ssyncadd.s32 $0xFFFFC000  }
0x23a: {  	[bflag:$0x0] =	sbarrier.arrive $0xFFFF  }
0x23b: {  	s8 =	rddreg [dreg:$0x1d]  }
0x23c: {  	s6 =	rddreg [dreg:$0x1f]  }
0x23d: {  	[tilespmem:s9], [sflag:$0x5] =	stream.linear.gather [spmem:s8], $0x1400, $0x38;
	[tilespmem:$0x1D0C0] =	vst v63  }
0x23e: {  	_ =	swait.ge [sflag:s10], $0x1400  }
0x23f: {  	[sflag:s10] =	ssyncset.done $0x0;
	s18 =	rddreg [dreg:$0x1e]  }
0x240: {  	[sflag:s10] =	ssyncadd.s32 $0xFFFFEC00;
	s5 =	sadd.s32 $0x0, s18  }
0x241: {  	[hbm4b:s5+s3] =	stream.linear.scatter [tilespmem:s9], [sflag:$0x5], $0x1400, $0x38;
	[tilespmem:$0x1D0C0] =	vst v63  }
0x242: {  	_ =	swait.ge [sflag:s10], $0x1400  }
0x243: {  	s6 =	smov.u32 s8;
	s5 =	simm.s32 $0x280;
	[sflag:s10] =	ssyncset.done $0x0  }
.LBB2_9:
0x244: {  	p1 =	sne.s32 s5, $0x3C00;
	[sflag:s10] =	ssyncadd.s32 $0xFFFFEC00;
	s6 =	sadd.s32 $0x1400, s6  }
0x245: {  	[tilespmem:s9], [sflag:$0x5] =	stream.linear.gather [spmem:s6], $0x1400, $0x38;
	[tilespmem:$0x1D0C0] =	vst v63  }
0x246: {  	s7 =	smov.u32 s5;
	s5 =	sadd.s32 $0x280, s5;
	_ =	swait.ge [sflag:s10], $0x1400  }
.Ltmp6:
0x247: {  	[sflag:s10] =	ssyncset.done $0x0;
	(pc) =	sbr.rel @p1 .LBB2_9-.Ltmp6, $4  }
0x248: {  	s7 =	sadd.s32 s7, s18;
	[sflag:s10] =	ssyncadd.s32 $0xFFFFEC00  }
0x249: {  	[hbm4b:s7+s3] =	stream.linear.scatter [tilespmem:s9], [sflag:$0x5], $0x1400, $0x38;
	[tilespmem:$0x1D0C0] =	vst v63  }
0x24a: {  	_ =	swait.ge [sflag:s10], $0x1400  }
0x24b: {  	[sflag:s10] =	ssyncset.done $0x0  }
.Ltmp7:
0x24c: {  	_ = 	snop;
	(pc) =	sbr.rel .LBB2_10-.Ltmp7, $1  }
0x24d: {  	_ =	sdelay $0x3  }
.LBB2_12:
0x24e: {  	_ =	sfence.sel $0x180000  }
0x24f: {  	[bflag:$0x0] =	sbarrier.arrive $0xFFFF  }
0x250: {  	_ =	strace $0x9000004A  }
0x251: {  	s0 =	stileid.u32;
	[bflag:$0x2] =	sbarrier.arrive $0xFFFF  }
0x252: {  	p0 =	sne.s32 s0, $0x0;
	s0 =	rddreg [dreg:$0x2]  }
0x253: {  	s0 =	sadd.s32 @!p0 $0x100000, s0  }
0x254: {  	[sflag:s0] =	ssyncadd.tile.s32 @!p0 $0x1;
	_ =	shalt  }
.Lfunc_end2:
_tile_overlayer_lowered:
.L_overlay_start_2:
0x255: {  	(tag) =	ssettag $0x2  }
0x256: {  	s0 =	rddreg [dreg:$0x0];
	s2 =	stileid.u32  }
0x257: {  	s1 =	rddreg [dreg:$0x1];
	p0 =	sne.s32 s2, $0x0  }
0x258: {  	s3 =	rddreg [dreg:$0x2];
	[bflag:$0x3] =	sbarrier.arrive $0xFFFF;
	s2 =	simm.s32 @!p0 $0x1C05  }
0x259: {  	[timem:s3], [sflag:s2] =	dma.local @!p0 [hbm:s0], s1  }
0x25a: {  	s0 =	simm.s32 @!p0 $0x5  }
0x25b: {  	_ =	swait.ge @!p0 [sflag:s0], s1  }
0x25c: {  	s1 =	ssub.s32 @!p0 $0x0, s1;
	[sflag:s0] =	ssyncset.done @!p0 $0x0  }
0x25d: {  	[sflag:s0] =	ssyncadd.s32 @!p0 s1  }
0x25e: {  	[bflag:$0x3] =	sbarrier.arrive $0xFFFF  }
0x25f: {  	_ =	shalt  }

</sc_bundles>
